<compile_context>
chip_gen: v7x
topology: tpu7x:2x2x1
jax: 0.10.2.dev20260603
libtpu: 0.0.44.dev20260713+nightly
codegen_flags: <defaults>
</compile_context>

<pallas_src>
import functools

import jax
import jax.numpy as jnp
from jax import lax
from jax.experimental import pallas as pl
from jax.experimental.pallas import tpu as pltpu
from jax.experimental.pallas import tpu_sc as plsc

D = 128
NC = 2
NS = 16
NW = NC * NS
L = 16


def _make_sc_agg(n, e, with_cnt):
    epw = e // NW
    C = 80
    n_chunks = epw // C
    assert n_chunks * C == epw
    rpt = (n // NS) // 8 * 8
    nrem = n - rpt * NS
    ZR = 24
    assert rpt % ZR == 0 and nrem % 8 == 0 and nrem <= ZR

    mesh = plsc.VectorSubcoreMesh(core_axis_name="c", subcore_axis_name="s",
                                  num_cores=NC, num_subcores=NS)

    NB = 3
    out_type = [jax.ShapeDtypeStruct((NC, n, D), jnp.float32)]
    scratch = [pltpu.VMEM_SHARED((n, D), jnp.float32)]
    scratch += [pltpu.VMEM((C,), jnp.int32) for _ in range(NB)]
    scratch += [pltpu.VMEM((C,), jnp.int32) for _ in range(NB)]
    scratch += [pltpu.VMEM((C, D), jnp.float32) for _ in range(NB)]
    scratch += [pltpu.VMEM((ZR, D), jnp.float32)]
    scratch += [pltpu.SemaphoreType.DMA for _ in range(4 * NB)]
    if with_cnt:
        out_type.append(jax.ShapeDtypeStruct((NW, n), jnp.float32))
        scratch.append(pltpu.VMEM((n,), jnp.float32))

    @functools.partial(pl.kernel, mesh=mesh,
                       out_type=tuple(out_type) if with_cnt else out_type[0],
                       scratch_types=scratch,
                       compiler_params=pltpu.CompilerParams(
                           needs_layout_passes=False))
    def sc_agg(h_hbm, src_hbm, dst_hbm, out_hbm, *rest):
        rest = list(rest)
        cnt_hbm = rest.pop(0) if with_cnt else None
        cntv = rest.pop() if with_cnt else None
        acc = rest.pop(0)
        srcv = [rest.pop(0) for _ in range(NB)]
        dstv = [rest.pop(0) for _ in range(NB)]
        rows = [rest.pop(0) for _ in range(NB)]
        ztile = rest.pop(0)
        ssem = [rest.pop(0) for _ in range(NB)]
        dsem = [rest.pop(0) for _ in range(NB)]
        gsem = [rest.pop(0) for _ in range(NB)]
        wsem = [rest.pop(0) for _ in range(NB)]
        cid = lax.axis_index("c")
        sid = lax.axis_index("s")
        wid = sid * NC + cid
        base = wid * epw

        for c0 in range(2):
            off0 = base + c0 * C
            pltpu.async_copy(src_hbm.at[pl.ds(off0, C)], srcv[c0], ssem[c0])
            pltpu.async_copy(dst_hbm.at[pl.ds(off0, C)], dstv[c0], dsem[c0])

        def zero_row(i, carry):
            for j in range(D // L):
                ztile[i, pl.ds(j * L, L)] = jnp.zeros((L,), jnp.float32)
            return carry
        lax.fori_loop(0, ZR, zero_row, 0)

        def zero_fill(k, carry):
            pltpu.sync_copy(ztile, acc.at[pl.ds(sid * rpt + k * ZR, ZR)])
            return carry
        lax.fori_loop(0, rpt // ZR, zero_fill, 0)
        if nrem:
            @pl.when(sid == 0)
            def _():
                pltpu.sync_copy(ztile.at[pl.ds(0, nrem)],
                                acc.at[pl.ds(NS * rpt, nrem)])

        if with_cnt:
            def zero_cnt(i, carry):
                cntv[pl.ds(i * L, L)] = jnp.zeros((L,), jnp.float32)
                return carry
            lax.fori_loop(0, n // L, zero_cnt, 0)

        ones = jnp.ones((L,), jnp.float32)

        def idx_start(c, b):
            off = base + c * C
            pltpu.async_copy(src_hbm.at[pl.ds(off, C)], srcv[b], ssem[b])
            pltpu.async_copy(dst_hbm.at[pl.ds(off, C)], dstv[b], dsem[b])

        def idx_wait(b):
            pltpu.make_async_copy(src_hbm.at[pl.ds(0, C)], srcv[b],
                                  ssem[b]).wait()
            pltpu.make_async_copy(dst_hbm.at[pl.ds(0, C)], dstv[b],
                                  dsem[b]).wait()

        def gat_start(b):
            pltpu.async_copy(h_hbm.at[srcv[b]], rows[b], gsem[b])

        def gat_wait(b):
            pltpu.make_async_copy(h_hbm.at[srcv[b]], rows[b], gsem[b]).wait()

        def scat_start(b):
            pltpu.async_copy(rows[b], acc.at[dstv[b]], wsem[b], add=True)

        def scat_wait(b):
            pltpu.make_async_copy(rows[b], acc.at[dstv[b]], wsem[b]).wait()

        def count(b):
            if with_cnt:
                for k in range(C // L):
                    idx = dstv[b][pl.ds(k * L, L)]
                    plsc.addupdate_scatter(cntv, [idx], ones)

        def body(g, b, bn, bp, first):
            gat_wait(b)
            scat_start(b)
            idx_wait(bn)
            gat_start(bn)
            if not first:
                scat_wait(bp)
            count(b)
            idx_start(lax.rem(g + 2, n_chunks), bp)

        idx_wait(0)
        gat_start(0)
        plsc.subcore_barrier()
        body(0, 0, 1, 2, True)

        assert (n_chunks - 2) % NB == 0
        def pipelined(i, carry):
            for b3 in range(NB):
                g = NB * i + 1 + b3
                body(g, (1 + b3) % NB, (2 + b3) % NB, b3 % NB, False)
            return carry
        lax.fori_loop(0, (n_chunks - 2) // NB, pipelined, 0)
        gt = n_chunks - 1
        bt = gt % NB
        gat_wait(bt)
        scat_start(bt)
        scat_wait((gt - 1) % NB)
        count(bt)
        scat_wait(bt)
        idx_wait((gt + 1) % NB)
        plsc.subcore_barrier()

        pltpu.sync_copy(acc.at[pl.ds(sid * rpt, rpt)],
                        out_hbm.at[cid, pl.ds(sid * rpt, rpt)])
        if nrem:
            @pl.when(sid == 0)
            def _():
                pltpu.sync_copy(acc.at[pl.ds(NS * rpt, nrem)],
                                out_hbm.at[cid, pl.ds(NS * rpt, nrem)])
        if with_cnt:
            pltpu.sync_copy(cntv, cnt_hbm.at[wid])

    return sc_agg


def _mm_t(a, w):
    return lax.dot_general(a, w, (((1,), (1,)), ((), ())),
                           precision=lax.Precision.HIGHEST,
                           preferred_element_type=jnp.float32)


def _leaky(h):
    return jnp.where(h > 0, h, 0.2 * h)


_CH = 2000


def _chunks(n):
    assert n % _CH == 0
    return [pl.ds(i * _CH, _CH) for i in range(n // _CH)]


def _bn_stats(ref, n):
    s = jnp.zeros((1, D), jnp.float32)
    q = jnp.zeros((1, D), jnp.float32)
    for sl in _chunks(n):
        v = ref[sl, :]
        s = s + jnp.sum(v, axis=0, keepdims=True)
        q = q + jnp.sum(v * v, axis=0, keepdims=True)
    mu = s / n
    var = q / n - mu * mu
    return mu, lax.rsqrt(var + 1e-5)


def _tc_input_body(x_ref, w_ref, b_ref, g_ref, bb_ref, out_ref):
    n = x_ref.shape[0]
    for sl in _chunks(n):
        out_ref[sl, :] = _leaky(_mm_t(x_ref[sl, :], w_ref[...]) + b_ref[...])
    mu, inv = _bn_stats(out_ref, n)
    for sl in _chunks(n):
        out_ref[sl, :] = g_ref[...] * (out_ref[sl, :] - mu) * inv + bb_ref[...]


def _tc_combine1_body(part_ref, cntp_ref, h_ref, wl_ref, bl_ref, wr_ref,
                      h1_ref, cnt_ref):
    n = h_ref.shape[0]
    cnt_ref[...] = jnp.clip(jnp.sum(cntp_ref[...], axis=0), 1.0, None)[:, None]
    for sl in _chunks(n):
        agg = (part_ref[0, sl, :] + part_ref[1, sl, :]) / cnt_ref[sl, :]
        h1_ref[sl, :] = _leaky(_mm_t(agg, wl_ref[...]) + bl_ref[...]
                               + _mm_t(h_ref[sl, :], wr_ref[...]))


def _tc_combine2_body(part_ref, cnt_ref, h1_ref, h_ref, wl_ref, bl_ref,
                      wr_ref, ws_ref, bs_ref, g_ref, bb_ref, out_ref):
    n = h_ref.shape[0]
    for sl in _chunks(n):
        agg = (part_ref[0, sl, :] + part_ref[1, sl, :]) / cnt_ref[sl, :]
        h2 = (_mm_t(agg, wl_ref[...]) + bl_ref[...]
              + _mm_t(h1_ref[sl, :], wr_ref[...]))
        out_ref[sl, :] = h2 + _mm_t(h_ref[sl, :], ws_ref[...]) + bs_ref[...]
    mu, inv = _bn_stats(out_ref, n)
    for sl in _chunks(n):
        o = g_ref[...] * (out_ref[sl, :] - mu) * inv + bb_ref[...]
        nrm = jnp.sqrt(jnp.sum(o * o, axis=1, keepdims=True))
        out_ref[sl, :] = o / jnp.maximum(nrm, 1e-12)


def kernel(x, edge_index, W_in, b_in, bn1_g, bn1_b, Wl1, bl1, Wr1, Wl2, bl2,
           Wr2, Ws, bs, bn2_g, bn2_b):
    n, _ = x.shape
    e = edge_index.shape[1]

    src = edge_index[0].astype(jnp.int32)
    dst = edge_index[1].astype(jnp.int32)
    row = lambda v: v.reshape(1, -1)
    tc_params = pltpu.CompilerParams(vmem_limit_bytes=100 * 1024 * 1024)

    h = pl.pallas_call(
        _tc_input_body,
        out_shape=jax.ShapeDtypeStruct((n, D), jnp.float32),
        compiler_params=tc_params,
    )(x, W_in, row(b_in), row(bn1_g), row(bn1_b))

    part1, cntp = _make_sc_agg(n, e, True)(h, src, dst)

    h1, cnt = pl.pallas_call(
        _tc_combine1_body,
        out_shape=(jax.ShapeDtypeStruct((n, D), jnp.float32),
                   jax.ShapeDtypeStruct((n, 1), jnp.float32)),
        compiler_params=tc_params,
    )(part1, cntp, h, Wl1, row(bl1), Wr1)

    part2 = _make_sc_agg(n, e, False)(h1, src, dst)

    out = pl.pallas_call(
        _tc_combine2_body,
        out_shape=jax.ShapeDtypeStruct((n, D), jnp.float32),
        compiler_params=tc_params,
    )(part2, cnt, h1, h, Wl2, row(bl2), Wr2, Ws, row(bs), row(bn2_g),
      row(bn2_b))
    return out

# --- scband reference (transcript-rebuilt; emitter-appended) ---
"""Pipeline reference for scband-fixed-graph-sage-28802050687006 (READ-ONLY COPY).

The authoritative reference and input builder live on the scoring server;
editing this copy changes nothing except your own understanding.
"""

import jax, jax.numpy as jnp
import numpy as np

N = 10000
E = 320000
D_IN = 128
H = 128
O = 128


def _init(key, shape, scale=0.05):
    return jax.random.normal(key, shape, dtype=jnp.float32) * scale


def setup_inputs(seed: int = 0):
    key = jax.random.key(seed)
    ks = jax.random.split(key, 10)
    inp = {}
    inp['x'] = jax.random.normal(ks[0], (N, D_IN), dtype=jnp.float32)
    inp['edge_index'] = jax.random.randint(ks[1], (2, E), 0, N)
    inp['W_in'] = _init(ks[2], (H, D_IN))
    inp['b_in'] = jnp.zeros((H,), jnp.float32)
    inp['bn1_g'] = jnp.ones((H,), jnp.float32)
    inp['bn1_b'] = jnp.zeros((H,), jnp.float32)
    inp['Wl1'] = _init(ks[3], (H, H))
    inp['bl1'] = jnp.zeros((H,), jnp.float32)
    inp['Wr1'] = _init(ks[4], (H, H))
    inp['Wl2'] = _init(ks[5], (O, H))
    inp['bl2'] = jnp.zeros((O,), jnp.float32)
    inp['Wr2'] = _init(ks[6], (O, H))
    inp['Ws'] = _init(ks[7], (O, H))
    inp['bs'] = jnp.zeros((O,), jnp.float32)
    inp['bn2_g'] = jnp.ones((O,), jnp.float32)
    inp['bn2_b'] = jnp.zeros((O,), jnp.float32)
    return inp


def _bn(h, g, b):
    mu = h.mean(axis=0)
    var = h.var(axis=0)
    return g * (h - mu) / jnp.sqrt(var + 1e-5) + b


def _sage(h, src, dst, Wl, bl, Wr):
    # PyG SAGEConv (mean aggr): out = lin_l(mean_{j in N(i)} x_j) + lin_r(x_i)
    msg = h[src]
    agg = jax.ops.segment_sum(msg, dst, num_segments=N)
    cnt = jax.ops.segment_sum(jnp.ones((src.shape[0],), h.dtype), dst, num_segments=N)
    agg = agg / jnp.clip(cnt, 1.0)[:, None]
    return agg @ Wl.T + bl + h @ Wr.T


def reference(x, edge_index, W_in, b_in, bn1_g, bn1_b, Wl1, bl1, Wr1, Wl2, bl2, Wr2, Ws, bs, bn2_g, bn2_b):
    h = x @ W_in.T + b_in
    h = jax.nn.leaky_relu(h, negative_slope=0.2)
    h = _bn(h, bn1_g, bn1_b)
    x_skip = h
    src = edge_index[0]
    dst = edge_index[1]
    h1 = _sage(h, src, dst, Wl1, bl1, Wr1)
    h1 = jax.nn.leaky_relu(h1, negative_slope=0.2)
    # dropout p=0.0 -> identity
    h2 = _sage(h1, src, dst, Wl2, bl2, Wr2)
    out = h2 + (x_skip @ Ws.T + bs)
    out = _bn(out, bn2_g, bn2_b)
    nrm = jnp.linalg.norm(out, axis=1, keepdims=True)
    out = out / jnp.maximum(nrm, 1e-12)
    return out

if __name__ == "__main__":
    import jax
    _d = setup_inputs()
    print(jax.jit(kernel)(*tuple(_d.values())))

</pallas_src>

<mosaic_0001>
#map = affine_map<(d0, d1) -> (0, 0)>
#map1 = affine_map<(d0, d1) -> (0)>
#map2 = affine_map<(d0, d1) -> (0, 0, 0)>
module attributes {stable_mosaic.version = 14 : i64} {
  func.func @sc_agg(%arg0: i32, %arg1: i32, %arg2: memref<10000x128xf32, #tpu.memory_space<hbm>>, %arg3: memref<320000xi32, #tpu.memory_space<hbm>>, %arg4: memref<320000xi32, #tpu.memory_space<hbm>>, %arg5: memref<2x10000x128xf32, #tpu.memory_space<hbm>>, %arg6: memref<32x10000xf32, #tpu.memory_space<hbm>>, %arg7: memref<10000x128xf32, #tpu.memory_space<vmem_shared>>, %arg8: memref<80xi32, #tpu.memory_space<vmem>>, %arg9: memref<80xi32, #tpu.memory_space<vmem>>, %arg10: memref<80xi32, #tpu.memory_space<vmem>>, %arg11: memref<80xi32, #tpu.memory_space<vmem>>, %arg12: memref<80xi32, #tpu.memory_space<vmem>>, %arg13: memref<80xi32, #tpu.memory_space<vmem>>, %arg14: memref<80x128xf32, #tpu.memory_space<vmem>>, %arg15: memref<80x128xf32, #tpu.memory_space<vmem>>, %arg16: memref<80x128xf32, #tpu.memory_space<vmem>>, %arg17: memref<24x128xf32, #tpu.memory_space<vmem>>, %arg18: memref<!tpu.dma_semaphore, #tpu.memory_space<semaphore_mem>>, %arg19: memref<!tpu.dma_semaphore, #tpu.memory_space<semaphore_mem>>, %arg20: memref<!tpu.dma_semaphore, #tpu.memory_space<semaphore_mem>>, %arg21: memref<!tpu.dma_semaphore, #tpu.memory_space<semaphore_mem>>, %arg22: memref<!tpu.dma_semaphore, #tpu.memory_space<semaphore_mem>>, %arg23: memref<!tpu.dma_semaphore, #tpu.memory_space<semaphore_mem>>, %arg24: memref<!tpu.dma_semaphore, #tpu.memory_space<semaphore_mem>>, %arg25: memref<!tpu.dma_semaphore, #tpu.memory_space<semaphore_mem>>, %arg26: memref<!tpu.dma_semaphore, #tpu.memory_space<semaphore_mem>>, %arg27: memref<!tpu.dma_semaphore, #tpu.memory_space<semaphore_mem>>, %arg28: memref<!tpu.dma_semaphore, #tpu.memory_space<semaphore_mem>>, %arg29: memref<!tpu.dma_semaphore, #tpu.memory_space<semaphore_mem>>, %arg30: memref<10000xf32, #tpu.memory_space<vmem>>) attributes {dimension_semantics = [#tpu.dimension_semantics<core_parallel>, #tpu.dimension_semantics<subcore_parallel>], iteration_bounds = array<i64: 2, 16>, scalar_prefetch = 0 : i64, scratch_operands = 24 : i64, tpu.core_type = #tpu.core_type<sc_vector_subcore>, window_params = [{transform_indices = #map}, {transform_indices = #map1}, {transform_indices = #map1}, {transform_indices = #map2}, {transform_indices = #map}]} {
    %mul3A = arith.constant 2 : i32
    %mul3A_0 = arith.muli %arg1, %mul3A : i32
    %add3A = arith.addi %mul3A_0, %arg0 : i32
    %mul3A_1 = arith.constant 10000 : i32
    %mul3A_2 = arith.muli %add3A, %mul3A_1 : i32
    %add3A_3 = arith.constant 0 : i32
    %add3A_4 = arith.addi %mul3A_2, %add3A_3 : i32
    %dma_start3A = tpu.memref_slice %arg3[%add3A_4] : memref<320000xi32, #tpu.memory_space<hbm>> -> memref<80xi32, #tpu.memory_space<hbm>>
    %dma_start3A_5 = tpu.memref_slice %arg3[%add3A_4] : memref<320000xi32, #tpu.memory_space<hbm>> -> memref<80xi32, #tpu.memory_space<hbm>>
    tpu.enqueue_dma source(%dma_start3A_5 : memref<80xi32, #tpu.memory_space<hbm>>) target(%arg8 : memref<80xi32, #tpu.memory_space<vmem>>) target_semaphore(%arg18 : memref<!tpu.dma_semaphore, #tpu.memory_space<semaphore_mem>>)
    %dma_start3A_6 = tpu.memref_slice %arg4[%add3A_4] : memref<320000xi32, #tpu.memory_space<hbm>> -> memref<80xi32, #tpu.memory_space<hbm>>
    %dma_start3A_7 = tpu.memref_slice %arg4[%add3A_4] : memref<320000xi32, #tpu.memory_space<hbm>> -> memref<80xi32, #tpu.memory_space<hbm>>
    tpu.enqueue_dma source(%dma_start3A_7 : memref<80xi32, #tpu.memory_space<hbm>>) target(%arg11 : memref<80xi32, #tpu.memory_space<vmem>>) target_semaphore(%arg21 : memref<!tpu.dma_semaphore, #tpu.memory_space<semaphore_mem>>)
    %add3A_8 = arith.constant 80 : i32
    %add3A_9 = arith.addi %mul3A_2, %add3A_8 : i32
    %dma_start3A_10 = tpu.memref_slice %arg3[%add3A_9] : memref<320000xi32, #tpu.memory_space<hbm>> -> memref<80xi32, #tpu.memory_space<hbm>>
    %dma_start3A_11 = tpu.memref_slice %arg3[%add3A_9] : memref<320000xi32, #tpu.memory_space<hbm>> -> memref<80xi32, #tpu.memory_space<hbm>>
    tpu.enqueue_dma source(%dma_start3A_11 : memref<80xi32, #tpu.memory_space<hbm>>) target(%arg9 : memref<80xi32, #tpu.memory_space<vmem>>) target_semaphore(%arg19 : memref<!tpu.dma_semaphore, #tpu.memory_space<semaphore_mem>>)
    %dma_start3A_12 = tpu.memref_slice %arg4[%add3A_9] : memref<320000xi32, #tpu.memory_space<hbm>> -> memref<80xi32, #tpu.memory_space<hbm>>
    %dma_start3A_13 = tpu.memref_slice %arg4[%add3A_9] : memref<320000xi32, #tpu.memory_space<hbm>> -> memref<80xi32, #tpu.memory_space<hbm>>
    tpu.enqueue_dma source(%dma_start3A_13 : memref<80xi32, #tpu.memory_space<hbm>>) target(%arg12 : memref<80xi32, #tpu.memory_space<vmem>>) target_semaphore(%arg22 : memref<!tpu.dma_semaphore, #tpu.memory_space<semaphore_mem>>)
    %scan3A = arith.constant 0 : i32
    %scan3A_14 = arith.constant 0 : i32
    %scan3A_15 = arith.constant 24 : i32
    %scan3A_16 = arith.addi %scan3A_14, %scan3A_15 : i32
    %scan3A_17 = arith.constant 1 : i32
    scf.for %scan3A_125 = %scan3A_14 to %scan3A_16 step %scan3A_17  : i32 {
      %broadcast_in_dim3A_126 = arith.constant 0.000000e+00 : f32
      %broadcast_in_dim3A_127 = vector.broadcast %broadcast_in_dim3A_126 : f32 to vector<16xf32>
      %swap3A = arith.index_cast %scan3A_125 : i32 to index
      %swap3A_128 = arith.constant 0 : index
      %swap3A_129 = tpu.vector_load %arg17[%swap3A, %swap3A_128] {strides = array<i32>} : memref<24x128xf32, #tpu.memory_space<vmem>>, vector<16xf32>,
      tpu.vector_store %arg17[%swap3A, %swap3A_128], %broadcast_in_dim3A_127 {strides = array<i32>} : memref<24x128xf32, #tpu.memory_space<vmem>>, vector<16xf32>,
      %broadcast_in_dim3A_130 = arith.constant 0.000000e+00 : f32
      %broadcast_in_dim3A_131 = vector.broadcast %broadcast_in_dim3A_130 : f32 to vector<16xf32>
      %swap3A_132 = arith.index_cast %scan3A_125 : i32 to index
      %swap3A_133 = arith.constant 16 : index
      %swap3A_134 = tpu.vector_load %arg17[%swap3A_132, %swap3A_133] {strides = array<i32>} : memref<24x128xf32, #tpu.memory_space<vmem>>, vector<16xf32>,
      tpu.vector_store %arg17[%swap3A_132, %swap3A_133], %broadcast_in_dim3A_131 {strides = array<i32>} : memref<24x128xf32, #tpu.memory_space<vmem>>, vector<16xf32>,
      %broadcast_in_dim3A_135 = arith.constant 0.000000e+00 : f32
      %broadcast_in_dim3A_136 = vector.broadcast %broadcast_in_dim3A_135 : f32 to vector<16xf32>
      %swap3A_137 = arith.index_cast %scan3A_125 : i32 to index
      %swap3A_138 = arith.constant 32 : index
      %swap3A_139 = tpu.vector_load %arg17[%swap3A_137, %swap3A_138] {strides = array<i32>} : memref<24x128xf32, #tpu.memory_space<vmem>>, vector<16xf32>,
      tpu.vector_store %arg17[%swap3A_137, %swap3A_138], %broadcast_in_dim3A_136 {strides = array<i32>} : memref<24x128xf32, #tpu.memory_space<vmem>>, vector<16xf32>,
      %broadcast_in_dim3A_140 = arith.constant 0.000000e+00 : f32
      %broadcast_in_dim3A_141 = vector.broadcast %broadcast_in_dim3A_140 : f32 to vector<16xf32>
      %swap3A_142 = arith.index_cast %scan3A_125 : i32 to index
      %swap3A_143 = arith.constant 48 : index
      %swap3A_144 = tpu.vector_load %arg17[%swap3A_142, %swap3A_143] {strides = array<i32>} : memref<24x128xf32, #tpu.memory_space<vmem>>, vector<16xf32>,
      tpu.vector_store %arg17[%swap3A_142, %swap3A_143], %broadcast_in_dim3A_141 {strides = array<i32>} : memref<24x128xf32, #tpu.memory_space<vmem>>, vector<16xf32>,
      %broadcast_in_dim3A_145 = arith.constant 0.000000e+00 : f32
      %broadcast_in_dim3A_146 = vector.broadcast %broadcast_in_dim3A_145 : f32 to vector<16xf32>
      %swap3A_147 = arith.index_cast %scan3A_125 : i32 to index
      %swap3A_148 = arith.constant 64 : index
      %swap3A_149 = tpu.vector_load %arg17[%swap3A_147, %swap3A_148] {strides = array<i32>} : memref<24x128xf32, #tpu.memory_space<vmem>>, vector<16xf32>,
      tpu.vector_store %arg17[%swap3A_147, %swap3A_148], %broadcast_in_dim3A_146 {strides = array<i32>} : memref<24x128xf32, #tpu.memory_space<vmem>>, vector<16xf32>,
      %broadcast_in_dim3A_150 = arith.constant 0.000000e+00 : f32
      %broadcast_in_dim3A_151 = vector.broadcast %broadcast_in_dim3A_150 : f32 to vector<16xf32>
      %swap3A_152 = arith.index_cast %scan3A_125 : i32 to index
      %swap3A_153 = arith.constant 80 : index
      %swap3A_154 = tpu.vector_load %arg17[%swap3A_152, %swap3A_153] {strides = array<i32>} : memref<24x128xf32, #tpu.memory_space<vmem>>, vector<16xf32>,
      tpu.vector_store %arg17[%swap3A_152, %swap3A_153], %broadcast_in_dim3A_151 {strides = array<i32>} : memref<24x128xf32, #tpu.memory_space<vmem>>, vector<16xf32>,
      %broadcast_in_dim3A_155 = arith.constant 0.000000e+00 : f32
      %broadcast_in_dim3A_156 = vector.broadcast %broadcast_in_dim3A_155 : f32 to vector<16xf32>
      %swap3A_157 = arith.index_cast %scan3A_125 : i32 to index
      %swap3A_158 = arith.constant 96 : index
      %swap3A_159 = tpu.vector_load %arg17[%swap3A_157, %swap3A_158] {strides = array<i32>} : memref<24x128xf32, #tpu.memory_space<vmem>>, vector<16xf32>,
      tpu.vector_store %arg17[%swap3A_157, %swap3A_158], %broadcast_in_dim3A_156 {strides = array<i32>} : memref<24x128xf32, #tpu.memory_space<vmem>>, vector<16xf32>,
      %broadcast_in_dim3A_160 = arith.constant 0.000000e+00 : f32
      %broadcast_in_dim3A_161 = vector.broadcast %broadcast_in_dim3A_160 : f32 to vector<16xf32>
      %swap3A_162 = arith.index_cast %scan3A_125 : i32 to index
      %swap3A_163 = arith.constant 112 : index
      %swap3A_164 = tpu.vector_load %arg17[%swap3A_162, %swap3A_163] {strides = array<i32>} : memref<24x128xf32, #tpu.memory_space<vmem>>, vector<16xf32>,
      tpu.vector_store %arg17[%swap3A_162, %swap3A_163], %broadcast_in_dim3A_161 {strides = array<i32>} : memref<24x128xf32, #tpu.memory_space<vmem>>, vector<16xf32>,
    }
    %scan3A_18 = arith.constant 24 : i32
    %scan3A_19 = arith.constant 0 : i32
    %scan3A_20 = arith.constant 0 : i32
    %scan3A_21 = arith.constant 26 : i32
    %scan3A_22 = arith.addi %scan3A_20, %scan3A_21 : i32
    %scan3A_23 = arith.constant 1 : i32
    scf.for %scan3A_125 = %scan3A_20 to %scan3A_22 step %scan3A_23  : i32 {
      %mul3A_126 = arith.constant 624 : i32
      %mul3A_127 = arith.muli %arg1, %mul3A_126 : i32
      %mul3A_128 = arith.constant 24 : i32
      %mul3A_129 = arith.muli %scan3A_125, %mul3A_128 : i32
      %add3A_130 = arith.addi %mul3A_127, %mul3A_129 : i32
      "tpu.region"() ({
        %run_scoped3A = tpu.sem_alloc : memref<!tpu.dma_semaphore, #tpu.memory_space<semaphore_mem>>
        %dma_start3A_131 = arith.constant 0 : i32
        %dma_start3A_132 = tpu.memref_slice %arg7[%add3A_130, %dma_start3A_131] : memref<10000x128xf32, #tpu.memory_space<vmem_shared>> -> memref<24x128xf32, #tpu.memory_space<vmem_shared>>
        %dma_start3A_133 = arith.constant 0 : i32
        %dma_start3A_134 = tpu.memref_slice %arg7[%add3A_130, %dma_start3A_133] : memref<10000x128xf32, #tpu.memory_space<vmem_shared>> -> memref<24x128xf32, #tpu.memory_space<vmem_shared>>
        tpu.enqueue_dma source(%arg17 : memref<24x128xf32, #tpu.memory_space<vmem>>) target(%dma_start3A_134 : memref<24x128xf32, #tpu.memory_space<vmem_shared>>) target_semaphore(%run_scoped3A : memref<!tpu.dma_semaphore, #tpu.memory_space<semaphore_mem>>)
        %dma_wait3A_135 = arith.constant 0 : i32
        %dma_wait3A_136 = tpu.memref_slice %arg7[%add3A_130, %dma_wait3A_135] : memref<10000x128xf32, #tpu.memory_space<vmem_shared>> -> memref<24x128xf32, #tpu.memory_space<vmem_shared>>
        %dma_wait3A_137 = arith.constant 0 : i32
        %dma_wait3A_138 = tpu.memref_slice %arg7[%add3A_130, %dma_wait3A_137] : memref<10000x128xf32, #tpu.memory_space<vmem_shared>> -> memref<24x128xf32, #tpu.memory_space<vmem_shared>>
        tpu.wait_dma2 semaphore(%run_scoped3A : memref<!tpu.dma_semaphore, #tpu.memory_space<semaphore_mem>>) src(%arg17 : memref<24x128xf32, #tpu.memory_space<vmem>>) dst(%dma_wait3A_138 : memref<24x128xf32, #tpu.memory_space<vmem_shared>>)
        tpu.yield
      }) : () -> ()
    }
    %scan3A_24 = arith.constant 26 : i32
    %eq3A = arith.constant 0 : i32
    %eq3A_25 = arith.cmpi eq, %arg1, %eq3A : i32
    %convert_element_type3A = arith.extui %eq3A_25 : i1 to i32
    %cond3A = arith.constant 0 : i32
    %cond3A_26 = arith.cmpi ne, %convert_element_type3A, %cond3A : i32
    scf.if %cond3A_26 {
      "tpu.region"() ({
        %run_scoped3A = tpu.sem_alloc : memref<!tpu.dma_semaphore, #tpu.memory_space<semaphore_mem>>
        %dma_start3A_125 = arith.constant 0 : i32
        %dma_start3A_126 = arith.constant 0 : i32
        %dma_start3A_127 = tpu.memref_slice %arg17[%dma_start3A_125, %dma_start3A_126] : memref<24x128xf32, #tpu.memory_space<vmem>> -> memref<16x128xf32, #tpu.memory_space<vmem>>
        %dma_start3A_128 = arith.constant 9984 : i32
        %dma_start3A_129 = arith.constant 0 : i32
        %dma_start3A_130 = tpu.memref_slice %arg7[%dma_start3A_128, %dma_start3A_129] : memref<10000x128xf32, #tpu.memory_space<vmem_shared>> -> memref<16x128xf32, #tpu.memory_space<vmem_shared>>
        %dma_start3A_131 = arith.constant 9984 : i32
        %dma_start3A_132 = arith.constant 0 : i32
        %dma_start3A_133 = tpu.memref_slice %arg7[%dma_start3A_131, %dma_start3A_132] : memref<10000x128xf32, #tpu.memory_space<vmem_shared>> -> memref<16x128xf32, #tpu.memory_space<vmem_shared>>
        %dma_start3A_134 = arith.constant 0 : i32
        %dma_start3A_135 = arith.constant 0 : i32
        %dma_start3A_136 = tpu.memref_slice %arg17[%dma_start3A_134, %dma_start3A_135] : memref<24x128xf32, #tpu.memory_space<vmem>> -> memref<16x128xf32, #tpu.memory_space<vmem>>
        tpu.enqueue_dma source(%dma_start3A_136 : memref<16x128xf32, #tpu.memory_space<vmem>>) target(%dma_start3A_133 : memref<16x128xf32, #tpu.memory_space<vmem_shared>>) target_semaphore(%run_scoped3A : memref<!tpu.dma_semaphore, #tpu.memory_space<semaphore_mem>>)
        %dma_wait3A_137 = arith.constant 0 : i32
        %dma_wait3A_138 = arith.constant 0 : i32
        %dma_wait3A_139 = tpu.memref_slice %arg17[%dma_wait3A_137, %dma_wait3A_138] : memref<24x128xf32, #tpu.memory_space<vmem>> -> memref<16x128xf32, #tpu.memory_space<vmem>>
        %dma_wait3A_140 = arith.constant 9984 : i32
        %dma_wait3A_141 = arith.constant 0 : i32
        %dma_wait3A_142 = tpu.memref_slice %arg7[%dma_wait3A_140, %dma_wait3A_141] : memref<10000x128xf32, #tpu.memory_space<vmem_shared>> -> memref<16x128xf32, #tpu.memory_space<vmem_shared>>
        %dma_wait3A_143 = arith.constant 9984 : i32
        %dma_wait3A_144 = arith.constant 0 : i32
        %dma_wait3A_145 = tpu.memref_slice %arg7[%dma_wait3A_143, %dma_wait3A_144] : memref<10000x128xf32, #tpu.memory_space<vmem_shared>> -> memref<16x128xf32, #tpu.memory_space<vmem_shared>>
        %dma_wait3A_146 = arith.constant 0 : i32
        %dma_wait3A_147 = arith.constant 0 : i32
        %dma_wait3A_148 = tpu.memref_slice %arg17[%dma_wait3A_146, %dma_wait3A_147] : memref<24x128xf32, #tpu.memory_space<vmem>> -> memref<16x128xf32, #tpu.memory_space<vmem>>
        tpu.wait_dma2 semaphore(%run_scoped3A : memref<!tpu.dma_semaphore, #tpu.memory_space<semaphore_mem>>) src(%dma_wait3A_148 : memref<16x128xf32, #tpu.memory_space<vmem>>) dst(%dma_wait3A_145 : memref<16x128xf32, #tpu.memory_space<vmem_shared>>)
        tpu.yield
      }) : () -> ()
    } else {
    }
    %scan3A_27 = arith.constant 0 : i32
    %scan3A_28 = arith.constant 0 : i32
    %scan3A_29 = arith.constant 625 : i32
    %scan3A_30 = arith.addi %scan3A_28, %scan3A_29 : i32
    %scan3A_31 = arith.constant 1 : i32
    scf.for %scan3A_125 = %scan3A_28 to %scan3A_30 step %scan3A_31  : i32 {
      %broadcast_in_dim3A_126 = arith.constant 0.000000e+00 : f32
      %broadcast_in_dim3A_127 = vector.broadcast %broadcast_in_dim3A_126 : f32 to vector<16xf32>
      %mul3A_128 = arith.constant 16 : i32
      %mul3A_129 = arith.muli %scan3A_125, %mul3A_128 : i32
      %swap3A = arith.index_cast %mul3A_129 : i32 to index
      %swap3A_130 = tpu.vector_load %arg30[%swap3A] {strides = array<i32>} : memref<10000xf32, #tpu.memory_space<vmem>>, vector<16xf32>,
      tpu.vector_store %arg30[%swap3A], %broadcast_in_dim3A_127 {strides = array<i32>} : memref<10000xf32, #tpu.memory_space<vmem>>, vector<16xf32>,
    }
    %scan3A_32 = arith.constant 625 : i32
    %broadcast_in_dim3A = arith.constant 1.000000e+00 : f32
    %broadcast_in_dim3A_33 = vector.broadcast %broadcast_in_dim3A : f32 to vector<16xf32>
    %dma_wait3A = arith.constant 0 : i32
    %dma_wait3A_34 = tpu.memref_slice %arg3[%dma_wait3A] : memref<320000xi32, #tpu.memory_space<hbm>> -> memref<80xi32, #tpu.memory_space<hbm>>
    %dma_wait3A_35 = arith.constant 0 : i32
    %dma_wait3A_36 = tpu.memref_slice %arg3[%dma_wait3A_35] : memref<320000xi32, #tpu.memory_space<hbm>> -> memref<80xi32, #tpu.memory_space<hbm>>
    tpu.wait_dma2 semaphore(%arg18 : memref<!tpu.dma_semaphore, #tpu.memory_space<semaphore_mem>>) src(%dma_wait3A_36 : memref<80xi32, #tpu.memory_space<hbm>>) dst(%arg8 : memref<80xi32, #tpu.memory_space<vmem>>)
    %dma_wait3A_37 = arith.constant 0 : i32
    %dma_wait3A_38 = tpu.memref_slice %arg4[%dma_wait3A_37] : memref<320000xi32, #tpu.memory_space<hbm>> -> memref<80xi32, #tpu.memory_space<hbm>>
    %dma_wait3A_39 = arith.constant 0 : i32
    %dma_wait3A_40 = tpu.memref_slice %arg4[%dma_wait3A_39] : memref<320000xi32, #tpu.memory_space<hbm>> -> memref<80xi32, #tpu.memory_space<hbm>>
    tpu.wait_dma2 semaphore(%arg21 : memref<!tpu.dma_semaphore, #tpu.memory_space<semaphore_mem>>) src(%dma_wait3A_40 : memref<80xi32, #tpu.memory_space<hbm>>) dst(%arg11 : memref<80xi32, #tpu.memory_space<vmem>>)
    %dma_start3A_41 = arith.constant 0 : i32
    %dma_start3A_42 = arith.constant 0 : i32
    %dma_start3A_43 = tpu.memref_slice %arg2[%dma_start3A_41, %dma_start3A_42] : memref<10000x128xf32, #tpu.memory_space<hbm>> -> memref<10000x128xf32, #tpu.memory_space<hbm>>
    tpu.enqueue_indirect_dma source(%dma_start3A_43 : memref<10000x128xf32, #tpu.memory_space<hbm>>) target(%arg14 : memref<80x128xf32, #tpu.memory_space<vmem>>) offsets(%arg8 : memref<80xi32, #tpu.memory_space<vmem>>) semaphore(%arg24 : memref<!tpu.dma_semaphore, #tpu.memory_space<semaphore_mem>>)
    %barrier3A = arith.constant 0 : index
    tpu.barrier barrier_id(%barrier3A)
    %dma_wait3A_44 = arith.constant 0 : i32
    %dma_wait3A_45 = arith.constant 0 : i32
    %dma_wait3A_46 = tpu.memref_slice %arg2[%dma_wait3A_44, %dma_wait3A_45] : memref<10000x128xf32, #tpu.memory_space<hbm>> -> memref<10000x128xf32, #tpu.memory_space<hbm>>
    tpu.wait_indirect_dma semaphore(%arg24 : memref<!tpu.dma_semaphore, #tpu.memory_space<semaphore_mem>>) src(%dma_wait3A_46 : memref<10000x128xf32, #tpu.memory_space<hbm>>) dst(%arg14 : memref<80x128xf32, #tpu.memory_space<vmem>>)
    %dma_start3A_47 = arith.constant 0 : i32
    %dma_start3A_48 = arith.constant 0 : i32
    %dma_start3A_49 = tpu.memref_slice %arg7[%dma_start3A_47, %dma_start3A_48] : memref<10000x128xf32, #tpu.memory_space<vmem_shared>> -> memref<10000x128xf32, #tpu.memory_space<vmem_shared>>
    tpu.enqueue_indirect_dma source(%arg14 : memref<80x128xf32, #tpu.memory_space<vmem>>) target(%dma_start3A_49 : memref<10000x128xf32, #tpu.memory_space<vmem_shared>>) offsets(%arg11 : memref<80xi32, #tpu.memory_space<vmem>>) semaphore(%arg27 : memref<!tpu.dma_semaphore, #tpu.memory_space<semaphore_mem>>) {add = true}
    %dma_wait3A_50 = arith.constant 0 : i32
    %dma_wait3A_51 = tpu.memref_slice %arg3[%dma_wait3A_50] : memref<320000xi32, #tpu.memory_space<hbm>> -> memref<80xi32, #tpu.memory_space<hbm>>
    %dma_wait3A_52 = arith.constant 0 : i32
    %dma_wait3A_53 = tpu.memref_slice %arg3[%dma_wait3A_52] : memref<320000xi32, #tpu.memory_space<hbm>> -> memref<80xi32, #tpu.memory_space<hbm>>
    tpu.wait_dma2 semaphore(%arg19 : memref<!tpu.dma_semaphore, #tpu.memory_space<semaphore_mem>>) src(%dma_wait3A_53 : memref<80xi32, #tpu.memory_space<hbm>>) dst(%arg9 : memref<80xi32, #tpu.memory_space<vmem>>)
    %dma_wait3A_54 = arith.constant 0 : i32
    %dma_wait3A_55 = tpu.memref_slice %arg4[%dma_wait3A_54] : memref<320000xi32, #tpu.memory_space<hbm>> -> memref<80xi32, #tpu.memory_space<hbm>>
    %dma_wait3A_56 = arith.constant 0 : i32
    %dma_wait3A_57 = tpu.memref_slice %arg4[%dma_wait3A_56] : memref<320000xi32, #tpu.memory_space<hbm>> -> memref<80xi32, #tpu.memory_space<hbm>>
    tpu.wait_dma2 semaphore(%arg22 : memref<!tpu.dma_semaphore, #tpu.memory_space<semaphore_mem>>) src(%dma_wait3A_57 : memref<80xi32, #tpu.memory_space<hbm>>) dst(%arg12 : memref<80xi32, #tpu.memory_space<vmem>>)
    %dma_start3A_58 = arith.constant 0 : i32
    %dma_start3A_59 = arith.constant 0 : i32
    %dma_start3A_60 = tpu.memref_slice %arg2[%dma_start3A_58, %dma_start3A_59] : memref<10000x128xf32, #tpu.memory_space<hbm>> -> memref<10000x128xf32, #tpu.memory_space<hbm>>
    tpu.enqueue_indirect_dma source(%dma_start3A_60 : memref<10000x128xf32, #tpu.memory_space<hbm>>) target(%arg15 : memref<80x128xf32, #tpu.memory_space<vmem>>) offsets(%arg9 : memref<80xi32, #tpu.memory_space<vmem>>) semaphore(%arg25 : memref<!tpu.dma_semaphore, #tpu.memory_space<semaphore_mem>>)
    %get3A = arith.constant 0 : index
    %get3A_61 = tpu.vector_load %arg11[%get3A] {strides = array<i32>} : memref<80xi32, #tpu.memory_space<vmem>>, vector<16xi32>,
    tpu.vector_store_idx %arg30[%get3A_61], %broadcast_in_dim3A_33 {add = true} : memref<10000xf32, #tpu.memory_space<vmem>>[vector<16xi32>], vector<16xf32>,
    %get3A_62 = arith.constant 16 : index
    %get3A_63 = tpu.vector_load %arg11[%get3A_62] {strides = array<i32>} : memref<80xi32, #tpu.memory_space<vmem>>, vector<16xi32>,
    tpu.vector_store_idx %arg30[%get3A_63], %broadcast_in_dim3A_33 {add = true} : memref<10000xf32, #tpu.memory_space<vmem>>[vector<16xi32>], vector<16xf32>,
    %get3A_64 = arith.constant 32 : index
    %get3A_65 = tpu.vector_load %arg11[%get3A_64] {strides = array<i32>} : memref<80xi32, #tpu.memory_space<vmem>>, vector<16xi32>,
    tpu.vector_store_idx %arg30[%get3A_65], %broadcast_in_dim3A_33 {add = true} : memref<10000xf32, #tpu.memory_space<vmem>>[vector<16xi32>], vector<16xf32>,
    %get3A_66 = arith.constant 48 : index
    %get3A_67 = tpu.vector_load %arg11[%get3A_66] {strides = array<i32>} : memref<80xi32, #tpu.memory_space<vmem>>, vector<16xi32>,
    tpu.vector_store_idx %arg30[%get3A_67], %broadcast_in_dim3A_33 {add = true} : memref<10000xf32, #tpu.memory_space<vmem>>[vector<16xi32>], vector<16xf32>,
    %get3A_68 = arith.constant 64 : index
    %get3A_69 = tpu.vector_load %arg11[%get3A_68] {strides = array<i32>} : memref<80xi32, #tpu.memory_space<vmem>>, vector<16xi32>,
    tpu.vector_store_idx %arg30[%get3A_69], %broadcast_in_dim3A_33 {add = true} : memref<10000xf32, #tpu.memory_space<vmem>>[vector<16xi32>], vector<16xf32>,
    %rem3A = arith.constant 2 : i32
    %rem3A_70 = arith.constant 125 : i32
    %rem3A_71 = arith.remsi %rem3A, %rem3A_70 : i32
    %mul3A_72 = arith.constant 80 : i32
    %mul3A_73 = arith.muli %rem3A_71, %mul3A_72 : i32
    %add3A_74 = arith.addi %mul3A_2, %mul3A_73 : i32
    %dma_start3A_75 = tpu.memref_slice %arg3[%add3A_74] : memref<320000xi32, #tpu.memory_space<hbm>> -> memref<80xi32, #tpu.memory_space<hbm>>
    %dma_start3A_76 = tpu.memref_slice %arg3[%add3A_74] : memref<320000xi32, #tpu.memory_space<hbm>> -> memref<80xi32, #tpu.memory_space<hbm>>
    tpu.enqueue_dma source(%dma_start3A_76 : memref<80xi32, #tpu.memory_space<hbm>>) target(%arg10 : memref<80xi32, #tpu.memory_space<vmem>>) target_semaphore(%arg20 : memref<!tpu.dma_semaphore, #tpu.memory_space<semaphore_mem>>)
    %dma_start3A_77 = tpu.memref_slice %arg4[%add3A_74] : memref<320000xi32, #tpu.memory_space<hbm>> -> memref<80xi32, #tpu.memory_space<hbm>>
    %dma_start3A_78 = tpu.memref_slice %arg4[%add3A_74] : memref<320000xi32, #tpu.memory_space<hbm>> -> memref<80xi32, #tpu.memory_space<hbm>>
    tpu.enqueue_dma source(%dma_start3A_78 : memref<80xi32, #tpu.memory_space<hbm>>) target(%arg13 : memref<80xi32, #tpu.memory_space<vmem>>) target_semaphore(%arg23 : memref<!tpu.dma_semaphore, #tpu.memory_space<semaphore_mem>>)
    %scan3A_79 = arith.constant 0 : i32
    %scan3A_80 = arith.constant 0 : i32
    %scan3A_81 = arith.constant 41 : i32
    %scan3A_82 = arith.addi %scan3A_80, %scan3A_81 : i32
    %scan3A_83 = arith.constant 1 : i32
    scf.for %scan3A_125 = %scan3A_80 to %scan3A_82 step %scan3A_83  : i32 {
      %mul3A_126 = arith.constant 3 : i32
      %mul3A_127 = arith.muli %mul3A_126, %scan3A_125 : i32
      %add3A_128 = arith.constant 1 : i32
      %add3A_129 = arith.addi %mul3A_127, %add3A_128 : i32
      %add3A_130 = arith.constant 0 : i32
      %add3A_131 = arith.addi %add3A_129, %add3A_130 : i32
      %dma_wait3A_132 = arith.constant 0 : i32
      %dma_wait3A_133 = arith.constant 0 : i32
      %dma_wait3A_134 = tpu.memref_slice %arg2[%dma_wait3A_132, %dma_wait3A_133] : memref<10000x128xf32, #tpu.memory_space<hbm>> -> memref<10000x128xf32, #tpu.memory_space<hbm>>
      tpu.wait_indirect_dma semaphore(%arg25 : memref<!tpu.dma_semaphore, #tpu.memory_space<semaphore_mem>>) src(%dma_wait3A_134 : memref<10000x128xf32, #tpu.memory_space<hbm>>) dst(%arg15 : memref<80x128xf32, #tpu.memory_space<vmem>>)
      %dma_start3A_135 = arith.constant 0 : i32
      %dma_start3A_136 = arith.constant 0 : i32
      %dma_start3A_137 = tpu.memref_slice %arg7[%dma_start3A_135, %dma_start3A_136] : memref<10000x128xf32, #tpu.memory_space<vmem_shared>> -> memref<10000x128xf32, #tpu.memory_space<vmem_shared>>
      tpu.enqueue_indirect_dma source(%arg15 : memref<80x128xf32, #tpu.memory_space<vmem>>) target(%dma_start3A_137 : memref<10000x128xf32, #tpu.memory_space<vmem_shared>>) offsets(%arg12 : memref<80xi32, #tpu.memory_space<vmem>>) semaphore(%arg28 : memref<!tpu.dma_semaphore, #tpu.memory_space<semaphore_mem>>) {add = true}
      %dma_wait3A_138 = arith.constant 0 : i32
      %dma_wait3A_139 = tpu.memref_slice %arg3[%dma_wait3A_138] : memref<320000xi32, #tpu.memory_space<hbm>> -> memref<80xi32, #tpu.memory_space<hbm>>
      %dma_wait3A_140 = arith.constant 0 : i32
      %dma_wait3A_141 = tpu.memref_slice %arg3[%dma_wait3A_140] : memref<320000xi32, #tpu.memory_space<hbm>> -> memref<80xi32, #tpu.memory_space<hbm>>
      tpu.wait_dma2 semaphore(%arg20 : memref<!tpu.dma_semaphore, #tpu.memory_space<semaphore_mem>>) src(%dma_wait3A_141 : memref<80xi32, #tpu.memory_space<hbm>>) dst(%arg10 : memref<80xi32, #tpu.memory_space<vmem>>)
      %dma_wait3A_142 = arith.constant 0 : i32
      %dma_wait3A_143 = tpu.memref_slice %arg4[%dma_wait3A_142] : memref<320000xi32, #tpu.memory_space<hbm>> -> memref<80xi32, #tpu.memory_space<hbm>>
      %dma_wait3A_144 = arith.constant 0 : i32
      %dma_wait3A_145 = tpu.memref_slice %arg4[%dma_wait3A_144] : memref<320000xi32, #tpu.memory_space<hbm>> -> memref<80xi32, #tpu.memory_space<hbm>>
      tpu.wait_dma2 semaphore(%arg23 : memref<!tpu.dma_semaphore, #tpu.memory_space<semaphore_mem>>) src(%dma_wait3A_145 : memref<80xi32, #tpu.memory_space<hbm>>) dst(%arg13 : memref<80xi32, #tpu.memory_space<vmem>>)
      %dma_start3A_146 = arith.constant 0 : i32
      %dma_start3A_147 = arith.constant 0 : i32
      %dma_start3A_148 = tpu.memref_slice %arg2[%dma_start3A_146, %dma_start3A_147] : memref<10000x128xf32, #tpu.memory_space<hbm>> -> memref<10000x128xf32, #tpu.memory_space<hbm>>
      tpu.enqueue_indirect_dma source(%dma_start3A_148 : memref<10000x128xf32, #tpu.memory_space<hbm>>) target(%arg16 : memref<80x128xf32, #tpu.memory_space<vmem>>) offsets(%arg10 : memref<80xi32, #tpu.memory_space<vmem>>) semaphore(%arg26 : memref<!tpu.dma_semaphore, #tpu.memory_space<semaphore_mem>>)
      %dma_wait3A_149 = arith.constant 0 : i32
      %dma_wait3A_150 = arith.constant 0 : i32
      %dma_wait3A_151 = tpu.memref_slice %arg7[%dma_wait3A_149, %dma_wait3A_150] : memref<10000x128xf32, #tpu.memory_space<vmem_shared>> -> memref<10000x128xf32, #tpu.memory_space<vmem_shared>>
      tpu.wait_indirect_dma semaphore(%arg27 : memref<!tpu.dma_semaphore, #tpu.memory_space<semaphore_mem>>) src(%arg14 : memref<80x128xf32, #tpu.memory_space<vmem>>) dst(%dma_wait3A_151 : memref<10000x128xf32, #tpu.memory_space<vmem_shared>>)
      %get3A_152 = arith.constant 0 : index
      %get3A_153 = tpu.vector_load %arg12[%get3A_152] {strides = array<i32>} : memref<80xi32, #tpu.memory_space<vmem>>, vector<16xi32>,
      tpu.vector_store_idx %arg30[%get3A_153], %broadcast_in_dim3A_33 {add = true} : memref<10000xf32, #tpu.memory_space<vmem>>[vector<16xi32>], vector<16xf32>,
      %get3A_154 = arith.constant 16 : index
      %get3A_155 = tpu.vector_load %arg12[%get3A_154] {strides = array<i32>} : memref<80xi32, #tpu.memory_space<vmem>>, vector<16xi32>,
      tpu.vector_store_idx %arg30[%get3A_155], %broadcast_in_dim3A_33 {add = true} : memref<10000xf32, #tpu.memory_space<vmem>>[vector<16xi32>], vector<16xf32>,
      %get3A_156 = arith.constant 32 : index
      %get3A_157 = tpu.vector_load %arg12[%get3A_156] {strides = array<i32>} : memref<80xi32, #tpu.memory_space<vmem>>, vector<16xi32>,
      tpu.vector_store_idx %arg30[%get3A_157], %broadcast_in_dim3A_33 {add = true} : memref<10000xf32, #tpu.memory_space<vmem>>[vector<16xi32>], vector<16xf32>,
      %get3A_158 = arith.constant 48 : index
      %get3A_159 = tpu.vector_load %arg12[%get3A_158] {strides = array<i32>} : memref<80xi32, #tpu.memory_space<vmem>>, vector<16xi32>,
      tpu.vector_store_idx %arg30[%get3A_159], %broadcast_in_dim3A_33 {add = true} : memref<10000xf32, #tpu.memory_space<vmem>>[vector<16xi32>], vector<16xf32>,
      %get3A_160 = arith.constant 64 : index
      %get3A_161 = tpu.vector_load %arg12[%get3A_160] {strides = array<i32>} : memref<80xi32, #tpu.memory_space<vmem>>, vector<16xi32>,
      tpu.vector_store_idx %arg30[%get3A_161], %broadcast_in_dim3A_33 {add = true} : memref<10000xf32, #tpu.memory_space<vmem>>[vector<16xi32>], vector<16xf32>,
      %add3A_162 = arith.constant 2 : i32
      %add3A_163 = arith.addi %add3A_131, %add3A_162 : i32
      %rem3A_164 = arith.constant 125 : i32
      %rem3A_165 = arith.remsi %add3A_163, %rem3A_164 : i32
      %mul3A_166 = arith.constant 80 : i32
      %mul3A_167 = arith.muli %rem3A_165, %mul3A_166 : i32
      %add3A_168 = arith.addi %mul3A_2, %mul3A_167 : i32
      %dma_start3A_169 = tpu.memref_slice %arg3[%add3A_168] : memref<320000xi32, #tpu.memory_space<hbm>> -> memref<80xi32, #tpu.memory_space<hbm>>
      %dma_start3A_170 = tpu.memref_slice %arg3[%add3A_168] : memref<320000xi32, #tpu.memory_space<hbm>> -> memref<80xi32, #tpu.memory_space<hbm>>
      tpu.enqueue_dma source(%dma_start3A_170 : memref<80xi32, #tpu.memory_space<hbm>>) target(%arg8 : memref<80xi32, #tpu.memory_space<vmem>>) target_semaphore(%arg18 : memref<!tpu.dma_semaphore, #tpu.memory_space<semaphore_mem>>)
      %dma_start3A_171 = tpu.memref_slice %arg4[%add3A_168] : memref<320000xi32, #tpu.memory_space<hbm>> -> memref<80xi32, #tpu.memory_space<hbm>>
      %dma_start3A_172 = tpu.memref_slice %arg4[%add3A_168] : memref<320000xi32, #tpu.memory_space<hbm>> -> memref<80xi32, #tpu.memory_space<hbm>>
      tpu.enqueue_dma source(%dma_start3A_172 : memref<80xi32, #tpu.memory_space<hbm>>) target(%arg11 : memref<80xi32, #tpu.memory_space<vmem>>) target_semaphore(%arg21 : memref<!tpu.dma_semaphore, #tpu.memory_space<semaphore_mem>>)
      %mul3A_173 = arith.constant 3 : i32
      %mul3A_174 = arith.muli %mul3A_173, %scan3A_125 : i32
      %add3A_175 = arith.constant 1 : i32
      %add3A_176 = arith.addi %mul3A_174, %add3A_175 : i32
      %add3A_177 = arith.constant 1 : i32
      %add3A_178 = arith.addi %add3A_176, %add3A_177 : i32
      %dma_wait3A_179 = arith.constant 0 : i32
      %dma_wait3A_180 = arith.constant 0 : i32
      %dma_wait3A_181 = tpu.memref_slice %arg2[%dma_wait3A_179, %dma_wait3A_180] : memref<10000x128xf32, #tpu.memory_space<hbm>> -> memref<10000x128xf32, #tpu.memory_space<hbm>>
      tpu.wait_indirect_dma semaphore(%arg26 : memref<!tpu.dma_semaphore, #tpu.memory_space<semaphore_mem>>) src(%dma_wait3A_181 : memref<10000x128xf32, #tpu.memory_space<hbm>>) dst(%arg16 : memref<80x128xf32, #tpu.memory_space<vmem>>)
      %dma_start3A_182 = arith.constant 0 : i32
      %dma_start3A_183 = arith.constant 0 : i32
      %dma_start3A_184 = tpu.memref_slice %arg7[%dma_start3A_182, %dma_start3A_183] : memref<10000x128xf32, #tpu.memory_space<vmem_shared>> -> memref<10000x128xf32, #tpu.memory_space<vmem_shared>>
      tpu.enqueue_indirect_dma source(%arg16 : memref<80x128xf32, #tpu.memory_space<vmem>>) target(%dma_start3A_184 : memref<10000x128xf32, #tpu.memory_space<vmem_shared>>) offsets(%arg13 : memref<80xi32, #tpu.memory_space<vmem>>) semaphore(%arg29 : memref<!tpu.dma_semaphore, #tpu.memory_space<semaphore_mem>>) {add = true}
      %dma_wait3A_185 = arith.constant 0 : i32
      %dma_wait3A_186 = tpu.memref_slice %arg3[%dma_wait3A_185] : memref<320000xi32, #tpu.memory_space<hbm>> -> memref<80xi32, #tpu.memory_space<hbm>>
      %dma_wait3A_187 = arith.constant 0 : i32
      %dma_wait3A_188 = tpu.memref_slice %arg3[%dma_wait3A_187] : memref<320000xi32, #tpu.memory_space<hbm>> -> memref<80xi32, #tpu.memory_space<hbm>>
      tpu.wait_dma2 semaphore(%arg18 : memref<!tpu.dma_semaphore, #tpu.memory_space<semaphore_mem>>) src(%dma_wait3A_188 : memref<80xi32, #tpu.memory_space<hbm>>) dst(%arg8 : memref<80xi32, #tpu.memory_space<vmem>>)
      %dma_wait3A_189 = arith.constant 0 : i32
      %dma_wait3A_190 = tpu.memref_slice %arg4[%dma_wait3A_189] : memref<320000xi32, #tpu.memory_space<hbm>> -> memref<80xi32, #tpu.memory_space<hbm>>
      %dma_wait3A_191 = arith.constant 0 : i32
      %dma_wait3A_192 = tpu.memref_slice %arg4[%dma_wait3A_191] : memref<320000xi32, #tpu.memory_space<hbm>> -> memref<80xi32, #tpu.memory_space<hbm>>
      tpu.wait_dma2 semaphore(%arg21 : memref<!tpu.dma_semaphore, #tpu.memory_space<semaphore_mem>>) src(%dma_wait3A_192 : memref<80xi32, #tpu.memory_space<hbm>>) dst(%arg11 : memref<80xi32, #tpu.memory_space<vmem>>)
      %dma_start3A_193 = arith.constant 0 : i32
      %dma_start3A_194 = arith.constant 0 : i32
      %dma_start3A_195 = tpu.memref_slice %arg2[%dma_start3A_193, %dma_start3A_194] : memref<10000x128xf32, #tpu.memory_space<hbm>> -> memref<10000x128xf32, #tpu.memory_space<hbm>>
      tpu.enqueue_indirect_dma source(%dma_start3A_195 : memref<10000x128xf32, #tpu.memory_space<hbm>>) target(%arg14 : memref<80x128xf32, #tpu.memory_space<vmem>>) offsets(%arg8 : memref<80xi32, #tpu.memory_space<vmem>>) semaphore(%arg24 : memref<!tpu.dma_semaphore, #tpu.memory_space<semaphore_mem>>)
      %dma_wait3A_196 = arith.constant 0 : i32
      %dma_wait3A_197 = arith.constant 0 : i32
      %dma_wait3A_198 = tpu.memref_slice %arg7[%dma_wait3A_196, %dma_wait3A_197] : memref<10000x128xf32, #tpu.memory_space<vmem_shared>> -> memref<10000x128xf32, #tpu.memory_space<vmem_shared>>
      tpu.wait_indirect_dma semaphore(%arg28 : memref<!tpu.dma_semaphore, #tpu.memory_space<semaphore_mem>>) src(%arg15 : memref<80x128xf32, #tpu.memory_space<vmem>>) dst(%dma_wait3A_198 : memref<10000x128xf32, #tpu.memory_space<vmem_shared>>)
      %get3A_199 = arith.constant 0 : index
      %get3A_200 = tpu.vector_load %arg13[%get3A_199] {strides = array<i32>} : memref<80xi32, #tpu.memory_space<vmem>>, vector<16xi32>,
      tpu.vector_store_idx %arg30[%get3A_200], %broadcast_in_dim3A_33 {add = true} : memref<10000xf32, #tpu.memory_space<vmem>>[vector<16xi32>], vector<16xf32>,
      %get3A_201 = arith.constant 16 : index
      %get3A_202 = tpu.vector_load %arg13[%get3A_201] {strides = array<i32>} : memref<80xi32, #tpu.memory_space<vmem>>, vector<16xi32>,
      tpu.vector_store_idx %arg30[%get3A_202], %broadcast_in_dim3A_33 {add = true} : memref<10000xf32, #tpu.memory_space<vmem>>[vector<16xi32>], vector<16xf32>,
      %get3A_203 = arith.constant 32 : index
      %get3A_204 = tpu.vector_load %arg13[%get3A_203] {strides = array<i32>} : memref<80xi32, #tpu.memory_space<vmem>>, vector<16xi32>,
      tpu.vector_store_idx %arg30[%get3A_204], %broadcast_in_dim3A_33 {add = true} : memref<10000xf32, #tpu.memory_space<vmem>>[vector<16xi32>], vector<16xf32>,
      %get3A_205 = arith.constant 48 : index
      %get3A_206 = tpu.vector_load %arg13[%get3A_205] {strides = array<i32>} : memref<80xi32, #tpu.memory_space<vmem>>, vector<16xi32>,
      tpu.vector_store_idx %arg30[%get3A_206], %broadcast_in_dim3A_33 {add = true} : memref<10000xf32, #tpu.memory_space<vmem>>[vector<16xi32>], vector<16xf32>,
      %get3A_207 = arith.constant 64 : index
      %get3A_208 = tpu.vector_load %arg13[%get3A_207] {strides = array<i32>} : memref<80xi32, #tpu.memory_space<vmem>>, vector<16xi32>,
      tpu.vector_store_idx %arg30[%get3A_208], %broadcast_in_dim3A_33 {add = true} : memref<10000xf32, #tpu.memory_space<vmem>>[vector<16xi32>], vector<16xf32>,
      %add3A_209 = arith.constant 2 : i32
      %add3A_210 = arith.addi %add3A_178, %add3A_209 : i32
      %rem3A_211 = arith.constant 125 : i32
      %rem3A_212 = arith.remsi %add3A_210, %rem3A_211 : i32
      %mul3A_213 = arith.constant 80 : i32
      %mul3A_214 = arith.muli %rem3A_212, %mul3A_213 : i32
      %add3A_215 = arith.addi %mul3A_2, %mul3A_214 : i32
      %dma_start3A_216 = tpu.memref_slice %arg3[%add3A_215] : memref<320000xi32, #tpu.memory_space<hbm>> -> memref<80xi32, #tpu.memory_space<hbm>>
      %dma_start3A_217 = tpu.memref_slice %arg3[%add3A_215] : memref<320000xi32, #tpu.memory_space<hbm>> -> memref<80xi32, #tpu.memory_space<hbm>>
      tpu.enqueue_dma source(%dma_start3A_217 : memref<80xi32, #tpu.memory_space<hbm>>) target(%arg9 : memref<80xi32, #tpu.memory_space<vmem>>) target_semaphore(%arg19 : memref<!tpu.dma_semaphore, #tpu.memory_space<semaphore_mem>>)
      %dma_start3A_218 = tpu.memref_slice %arg4[%add3A_215] : memref<320000xi32, #tpu.memory_space<hbm>> -> memref<80xi32, #tpu.memory_space<hbm>>
      %dma_start3A_219 = tpu.memref_slice %arg4[%add3A_215] : memref<320000xi32, #tpu.memory_space<hbm>> -> memref<80xi32, #tpu.memory_space<hbm>>
      tpu.enqueue_dma source(%dma_start3A_219 : memref<80xi32, #tpu.memory_space<hbm>>) target(%arg12 : memref<80xi32, #tpu.memory_space<vmem>>) target_semaphore(%arg22 : memref<!tpu.dma_semaphore, #tpu.memory_space<semaphore_mem>>)
      %mul3A_220 = arith.constant 3 : i32
      %mul3A_221 = arith.muli %mul3A_220, %scan3A_125 : i32
      %add3A_222 = arith.constant 1 : i32
      %add3A_223 = arith.addi %mul3A_221, %add3A_222 : i32
      %add3A_224 = arith.constant 2 : i32
      %add3A_225 = arith.addi %add3A_223, %add3A_224 : i32
      %dma_wait3A_226 = arith.constant 0 : i32
      %dma_wait3A_227 = arith.constant 0 : i32
      %dma_wait3A_228 = tpu.memref_slice %arg2[%dma_wait3A_226, %dma_wait3A_227] : memref<10000x128xf32, #tpu.memory_space<hbm>> -> memref<10000x128xf32, #tpu.memory_space<hbm>>
      tpu.wait_indirect_dma semaphore(%arg24 : memref<!tpu.dma_semaphore, #tpu.memory_space<semaphore_mem>>) src(%dma_wait3A_228 : memref<10000x128xf32, #tpu.memory_space<hbm>>) dst(%arg14 : memref<80x128xf32, #tpu.memory_space<vmem>>)
      %dma_start3A_229 = arith.constant 0 : i32
      %dma_start3A_230 = arith.constant 0 : i32
      %dma_start3A_231 = tpu.memref_slice %arg7[%dma_start3A_229, %dma_start3A_230] : memref<10000x128xf32, #tpu.memory_space<vmem_shared>> -> memref<10000x128xf32, #tpu.memory_space<vmem_shared>>
      tpu.enqueue_indirect_dma source(%arg14 : memref<80x128xf32, #tpu.memory_space<vmem>>) target(%dma_start3A_231 : memref<10000x128xf32, #tpu.memory_space<vmem_shared>>) offsets(%arg11 : memref<80xi32, #tpu.memory_space<vmem>>) semaphore(%arg27 : memref<!tpu.dma_semaphore, #tpu.memory_space<semaphore_mem>>) {add = true}
      %dma_wait3A_232 = arith.constant 0 : i32
      %dma_wait3A_233 = tpu.memref_slice %arg3[%dma_wait3A_232] : memref<320000xi32, #tpu.memory_space<hbm>> -> memref<80xi32, #tpu.memory_space<hbm>>
      %dma_wait3A_234 = arith.constant 0 : i32
      %dma_wait3A_235 = tpu.memref_slice %arg3[%dma_wait3A_234] : memref<320000xi32, #tpu.memory_space<hbm>> -> memref<80xi32, #tpu.memory_space<hbm>>
      tpu.wait_dma2 semaphore(%arg19 : memref<!tpu.dma_semaphore, #tpu.memory_space<semaphore_mem>>) src(%dma_wait3A_235 : memref<80xi32, #tpu.memory_space<hbm>>) dst(%arg9 : memref<80xi32, #tpu.memory_space<vmem>>)
      %dma_wait3A_236 = arith.constant 0 : i32
      %dma_wait3A_237 = tpu.memref_slice %arg4[%dma_wait3A_236] : memref<320000xi32, #tpu.memory_space<hbm>> -> memref<80xi32, #tpu.memory_space<hbm>>
      %dma_wait3A_238 = arith.constant 0 : i32
      %dma_wait3A_239 = tpu.memref_slice %arg4[%dma_wait3A_238] : memref<320000xi32, #tpu.memory_space<hbm>> -> memref<80xi32, #tpu.memory_space<hbm>>
      tpu.wait_dma2 semaphore(%arg22 : memref<!tpu.dma_semaphore, #tpu.memory_space<semaphore_mem>>) src(%dma_wait3A_239 : memref<80xi32, #tpu.memory_space<hbm>>) dst(%arg12 : memref<80xi32, #tpu.memory_space<vmem>>)
      %dma_start3A_240 = arith.constant 0 : i32
      %dma_start3A_241 = arith.constant 0 : i32
      %dma_start3A_242 = tpu.memref_slice %arg2[%dma_start3A_240, %dma_start3A_241] : memref<10000x128xf32, #tpu.memory_space<hbm>> -> memref<10000x128xf32, #tpu.memory_space<hbm>>
      tpu.enqueue_indirect_dma source(%dma_start3A_242 : memref<10000x128xf32, #tpu.memory_space<hbm>>) target(%arg15 : memref<80x128xf32, #tpu.memory_space<vmem>>) offsets(%arg9 : memref<80xi32, #tpu.memory_space<vmem>>) semaphore(%arg25 : memref<!tpu.dma_semaphore, #tpu.memory_space<semaphore_mem>>)
      %dma_wait3A_243 = arith.constant 0 : i32
      %dma_wait3A_244 = arith.constant 0 : i32
      %dma_wait3A_245 = tpu.memref_slice %arg7[%dma_wait3A_243, %dma_wait3A_244] : memref<10000x128xf32, #tpu.memory_space<vmem_shared>> -> memref<10000x128xf32, #tpu.memory_space<vmem_shared>>
      tpu.wait_indirect_dma semaphore(%arg29 : memref<!tpu.dma_semaphore, #tpu.memory_space<semaphore_mem>>) src(%arg16 : memref<80x128xf32, #tpu.memory_space<vmem>>) dst(%dma_wait3A_245 : memref<10000x128xf32, #tpu.memory_space<vmem_shared>>)
      %get3A_246 = arith.constant 0 : index
      %get3A_247 = tpu.vector_load %arg11[%get3A_246] {strides = array<i32>} : memref<80xi32, #tpu.memory_space<vmem>>, vector<16xi32>,
      tpu.vector_store_idx %arg30[%get3A_247], %broadcast_in_dim3A_33 {add = true} : memref<10000xf32, #tpu.memory_space<vmem>>[vector<16xi32>], vector<16xf32>,
      %get3A_248 = arith.constant 16 : index
      %get3A_249 = tpu.vector_load %arg11[%get3A_248] {strides = array<i32>} : memref<80xi32, #tpu.memory_space<vmem>>, vector<16xi32>,
      tpu.vector_store_idx %arg30[%get3A_249], %broadcast_in_dim3A_33 {add = true} : memref<10000xf32, #tpu.memory_space<vmem>>[vector<16xi32>], vector<16xf32>,
      %get3A_250 = arith.constant 32 : index
      %get3A_251 = tpu.vector_load %arg11[%get3A_250] {strides = array<i32>} : memref<80xi32, #tpu.memory_space<vmem>>, vector<16xi32>,
      tpu.vector_store_idx %arg30[%get3A_251], %broadcast_in_dim3A_33 {add = true} : memref<10000xf32, #tpu.memory_space<vmem>>[vector<16xi32>], vector<16xf32>,
      %get3A_252 = arith.constant 48 : index
      %get3A_253 = tpu.vector_load %arg11[%get3A_252] {strides = array<i32>} : memref<80xi32, #tpu.memory_space<vmem>>, vector<16xi32>,
      tpu.vector_store_idx %arg30[%get3A_253], %broadcast_in_dim3A_33 {add = true} : memref<10000xf32, #tpu.memory_space<vmem>>[vector<16xi32>], vector<16xf32>,
      %get3A_254 = arith.constant 64 : index
      %get3A_255 = tpu.vector_load %arg11[%get3A_254] {strides = array<i32>} : memref<80xi32, #tpu.memory_space<vmem>>, vector<16xi32>,
      tpu.vector_store_idx %arg30[%get3A_255], %broadcast_in_dim3A_33 {add = true} : memref<10000xf32, #tpu.memory_space<vmem>>[vector<16xi32>], vector<16xf32>,
      %add3A_256 = arith.constant 2 : i32
      %add3A_257 = arith.addi %add3A_225, %add3A_256 : i32
      %rem3A_258 = arith.constant 125 : i32
      %rem3A_259 = arith.remsi %add3A_257, %rem3A_258 : i32
      %mul3A_260 = arith.constant 80 : i32
      %mul3A_261 = arith.muli %rem3A_259, %mul3A_260 : i32
      %add3A_262 = arith.addi %mul3A_2, %mul3A_261 : i32
      %dma_start3A_263 = tpu.memref_slice %arg3[%add3A_262] : memref<320000xi32, #tpu.memory_space<hbm>> -> memref<80xi32, #tpu.memory_space<hbm>>
      %dma_start3A_264 = tpu.memref_slice %arg3[%add3A_262] : memref<320000xi32, #tpu.memory_space<hbm>> -> memref<80xi32, #tpu.memory_space<hbm>>
      tpu.enqueue_dma source(%dma_start3A_264 : memref<80xi32, #tpu.memory_space<hbm>>) target(%arg10 : memref<80xi32, #tpu.memory_space<vmem>>) target_semaphore(%arg20 : memref<!tpu.dma_semaphore, #tpu.memory_space<semaphore_mem>>)
      %dma_start3A_265 = tpu.memref_slice %arg4[%add3A_262] : memref<320000xi32, #tpu.memory_space<hbm>> -> memref<80xi32, #tpu.memory_space<hbm>>
      %dma_start3A_266 = tpu.memref_slice %arg4[%add3A_262] : memref<320000xi32, #tpu.memory_space<hbm>> -> memref<80xi32, #tpu.memory_space<hbm>>
      tpu.enqueue_dma source(%dma_start3A_266 : memref<80xi32, #tpu.memory_space<hbm>>) target(%arg13 : memref<80xi32, #tpu.memory_space<vmem>>) target_semaphore(%arg23 : memref<!tpu.dma_semaphore, #tpu.memory_space<semaphore_mem>>)
    }
    %scan3A_84 = arith.constant 41 : i32
    %dma_wait3A_85 = arith.constant 0 : i32
    %dma_wait3A_86 = arith.constant 0 : i32
    %dma_wait3A_87 = tpu.memref_slice %arg2[%dma_wait3A_85, %dma_wait3A_86] : memref<10000x128xf32, #tpu.memory_space<hbm>> -> memref<10000x128xf32, #tpu.memory_space<hbm>>
    tpu.wait_indirect_dma semaphore(%arg25 : memref<!tpu.dma_semaphore, #tpu.memory_space<semaphore_mem>>) src(%dma_wait3A_87 : memref<10000x128xf32, #tpu.memory_space<hbm>>) dst(%arg15 : memref<80x128xf32, #tpu.memory_space<vmem>>)
    %dma_start3A_88 = arith.constant 0 : i32
    %dma_start3A_89 = arith.constant 0 : i32
    %dma_start3A_90 = tpu.memref_slice %arg7[%dma_start3A_88, %dma_start3A_89] : memref<10000x128xf32, #tpu.memory_space<vmem_shared>> -> memref<10000x128xf32, #tpu.memory_space<vmem_shared>>
    tpu.enqueue_indirect_dma source(%arg15 : memref<80x128xf32, #tpu.memory_space<vmem>>) target(%dma_start3A_90 : memref<10000x128xf32, #tpu.memory_space<vmem_shared>>) offsets(%arg12 : memref<80xi32, #tpu.memory_space<vmem>>) semaphore(%arg28 : memref<!tpu.dma_semaphore, #tpu.memory_space<semaphore_mem>>) {add = true}
    %dma_wait3A_91 = arith.constant 0 : i32
    %dma_wait3A_92 = arith.constant 0 : i32
    %dma_wait3A_93 = tpu.memref_slice %arg7[%dma_wait3A_91, %dma_wait3A_92] : memref<10000x128xf32, #tpu.memory_space<vmem_shared>> -> memref<10000x128xf32, #tpu.memory_space<vmem_shared>>
    tpu.wait_indirect_dma semaphore(%arg27 : memref<!tpu.dma_semaphore, #tpu.memory_space<semaphore_mem>>) src(%arg14 : memref<80x128xf32, #tpu.memory_space<vmem>>) dst(%dma_wait3A_93 : memref<10000x128xf32, #tpu.memory_space<vmem_shared>>)
    %get3A_94 = arith.constant 0 : index
    %get3A_95 = tpu.vector_load %arg12[%get3A_94] {strides = array<i32>} : memref<80xi32, #tpu.memory_space<vmem>>, vector<16xi32>,
    tpu.vector_store_idx %arg30[%get3A_95], %broadcast_in_dim3A_33 {add = true} : memref<10000xf32, #tpu.memory_space<vmem>>[vector<16xi32>], vector<16xf32>,
    %get3A_96 = arith.constant 16 : index
    %get3A_97 = tpu.vector_load %arg12[%get3A_96] {strides = array<i32>} : memref<80xi32, #tpu.memory_space<vmem>>, vector<16xi32>,
    tpu.vector_store_idx %arg30[%get3A_97], %broadcast_in_dim3A_33 {add = true} : memref<10000xf32, #tpu.memory_space<vmem>>[vector<16xi32>], vector<16xf32>,
    %get3A_98 = arith.constant 32 : index
    %get3A_99 = tpu.vector_load %arg12[%get3A_98] {strides = array<i32>} : memref<80xi32, #tpu.memory_space<vmem>>, vector<16xi32>,
    tpu.vector_store_idx %arg30[%get3A_99], %broadcast_in_dim3A_33 {add = true} : memref<10000xf32, #tpu.memory_space<vmem>>[vector<16xi32>], vector<16xf32>,
    %get3A_100 = arith.constant 48 : index
    %get3A_101 = tpu.vector_load %arg12[%get3A_100] {strides = array<i32>} : memref<80xi32, #tpu.memory_space<vmem>>, vector<16xi32>,
    tpu.vector_store_idx %arg30[%get3A_101], %broadcast_in_dim3A_33 {add = true} : memref<10000xf32, #tpu.memory_space<vmem>>[vector<16xi32>], vector<16xf32>,
    %get3A_102 = arith.constant 64 : index
    %get3A_103 = tpu.vector_load %arg12[%get3A_102] {strides = array<i32>} : memref<80xi32, #tpu.memory_space<vmem>>, vector<16xi32>,
    tpu.vector_store_idx %arg30[%get3A_103], %broadcast_in_dim3A_33 {add = true} : memref<10000xf32, #tpu.memory_space<vmem>>[vector<16xi32>], vector<16xf32>,
    %dma_wait3A_104 = arith.constant 0 : i32
    %dma_wait3A_105 = arith.constant 0 : i32
    %dma_wait3A_106 = tpu.memref_slice %arg7[%dma_wait3A_104, %dma_wait3A_105] : memref<10000x128xf32, #tpu.memory_space<vmem_shared>> -> memref<10000x128xf32, #tpu.memory_space<vmem_shared>>
    tpu.wait_indirect_dma semaphore(%arg28 : memref<!tpu.dma_semaphore, #tpu.memory_space<semaphore_mem>>) src(%arg15 : memref<80x128xf32, #tpu.memory_space<vmem>>) dst(%dma_wait3A_106 : memref<10000x128xf32, #tpu.memory_space<vmem_shared>>)
    %dma_wait3A_107 = arith.constant 0 : i32
    %dma_wait3A_108 = tpu.memref_slice %arg3[%dma_wait3A_107] : memref<320000xi32, #tpu.memory_space<hbm>> -> memref<80xi32, #tpu.memory_space<hbm>>
    %dma_wait3A_109 = arith.constant 0 : i32
    %dma_wait3A_110 = tpu.memref_slice %arg3[%dma_wait3A_109] : memref<320000xi32, #tpu.memory_space<hbm>> -> memref<80xi32, #tpu.memory_space<hbm>>
    tpu.wait_dma2 semaphore(%arg20 : memref<!tpu.dma_semaphore, #tpu.memory_space<semaphore_mem>>) src(%dma_wait3A_110 : memref<80xi32, #tpu.memory_space<hbm>>) dst(%arg10 : memref<80xi32, #tpu.memory_space<vmem>>)
    %dma_wait3A_111 = arith.constant 0 : i32
    %dma_wait3A_112 = tpu.memref_slice %arg4[%dma_wait3A_111] : memref<320000xi32, #tpu.memory_space<hbm>> -> memref<80xi32, #tpu.memory_space<hbm>>
    %dma_wait3A_113 = arith.constant 0 : i32
    %dma_wait3A_114 = tpu.memref_slice %arg4[%dma_wait3A_113] : memref<320000xi32, #tpu.memory_space<hbm>> -> memref<80xi32, #tpu.memory_space<hbm>>
    tpu.wait_dma2 semaphore(%arg23 : memref<!tpu.dma_semaphore, #tpu.memory_space<semaphore_mem>>) src(%dma_wait3A_114 : memref<80xi32, #tpu.memory_space<hbm>>) dst(%arg13 : memref<80xi32, #tpu.memory_space<vmem>>)
    %barrier3A_115 = arith.constant 0 : index
    tpu.barrier barrier_id(%barrier3A_115)
    %mul3A_116 = arith.constant 624 : i32
    %mul3A_117 = arith.muli %arg1, %mul3A_116 : i32
    %mul3A_118 = arith.constant 624 : i32
    %mul3A_119 = arith.muli %arg1, %mul3A_118 : i32
    "tpu.region"() ({
      %run_scoped3A = tpu.sem_alloc : memref<!tpu.dma_semaphore, #tpu.memory_space<semaphore_mem>>
      %dma_start3A_125 = arith.constant 0 : i32
      %dma_start3A_126 = tpu.memref_slice %arg5[%arg0, %mul3A_119, %dma_start3A_125] : memref<2x10000x128xf32, #tpu.memory_space<hbm>> -> memref<1x624x128xf32, #tpu.memory_space<hbm>>
      %dma_start3A_127 = tpu.memref_squeeze %dma_start3A_126 : memref<1x624x128xf32, #tpu.memory_space<hbm>> -> memref<624x128xf32, #tpu.memory_space<hbm>>
      %dma_start3A_128 = arith.constant 0 : i32
      %dma_start3A_129 = tpu.memref_slice %arg7[%mul3A_117, %dma_start3A_128] : memref<10000x128xf32, #tpu.memory_space<vmem_shared>> -> memref<624x128xf32, #tpu.memory_space<vmem_shared>>
      tpu.enqueue_dma source(%dma_start3A_129 : memref<624x128xf32, #tpu.memory_space<vmem_shared>>) target(%dma_start3A_127 : memref<624x128xf32, #tpu.memory_space<hbm>>) target_semaphore(%run_scoped3A : memref<!tpu.dma_semaphore, #tpu.memory_space<semaphore_mem>>)
      %dma_wait3A_130 = arith.constant 0 : i32
      %dma_wait3A_131 = tpu.memref_slice %arg5[%arg0, %mul3A_119, %dma_wait3A_130] : memref<2x10000x128xf32, #tpu.memory_space<hbm>> -> memref<1x624x128xf32, #tpu.memory_space<hbm>>
      %dma_wait3A_132 = tpu.memref_squeeze %dma_wait3A_131 : memref<1x624x128xf32, #tpu.memory_space<hbm>> -> memref<624x128xf32, #tpu.memory_space<hbm>>
      %dma_wait3A_133 = arith.constant 0 : i32
      %dma_wait3A_134 = tpu.memref_slice %arg7[%mul3A_117, %dma_wait3A_133] : memref<10000x128xf32, #tpu.memory_space<vmem_shared>> -> memref<624x128xf32, #tpu.memory_space<vmem_shared>>
      tpu.wait_dma2 semaphore(%run_scoped3A : memref<!tpu.dma_semaphore, #tpu.memory_space<semaphore_mem>>) src(%dma_wait3A_134 : memref<624x128xf32, #tpu.memory_space<vmem_shared>>) dst(%dma_wait3A_132 : memref<624x128xf32, #tpu.memory_space<hbm>>)
      tpu.yield
    }) : () -> ()
    %eq3A_120 = arith.constant 0 : i32
    %eq3A_121 = arith.cmpi eq, %arg1, %eq3A_120 : i32
    %convert_element_type3A_122 = arith.extui %eq3A_121 : i1 to i32
    %cond3A_123 = arith.constant 0 : i32
    %cond3A_124 = arith.cmpi ne, %convert_element_type3A_122, %cond3A_123 : i32
    scf.if %cond3A_124 {
      "tpu.region"() ({
        %run_scoped3A = tpu.sem_alloc : memref<!tpu.dma_semaphore, #tpu.memory_space<semaphore_mem>>
        %dma_start3A_125 = arith.constant 9984 : i32
        %dma_start3A_126 = arith.constant 0 : i32
        %dma_start3A_127 = tpu.memref_slice %arg5[%arg0, %dma_start3A_125, %dma_start3A_126] : memref<2x10000x128xf32, #tpu.memory_space<hbm>> -> memref<1x16x128xf32, #tpu.memory_space<hbm>>
        %dma_start3A_128 = tpu.memref_squeeze %dma_start3A_127 : memref<1x16x128xf32, #tpu.memory_space<hbm>> -> memref<16x128xf32, #tpu.memory_space<hbm>>
        %dma_start3A_129 = arith.constant 9984 : i32
        %dma_start3A_130 = arith.constant 0 : i32
        %dma_start3A_131 = tpu.memref_slice %arg7[%dma_start3A_129, %dma_start3A_130] : memref<10000x128xf32, #tpu.memory_space<vmem_shared>> -> memref<16x128xf32, #tpu.memory_space<vmem_shared>>
        tpu.enqueue_dma source(%dma_start3A_131 : memref<16x128xf32, #tpu.memory_space<vmem_shared>>) target(%dma_start3A_128 : memref<16x128xf32, #tpu.memory_space<hbm>>) target_semaphore(%run_scoped3A : memref<!tpu.dma_semaphore, #tpu.memory_space<semaphore_mem>>)
        %dma_wait3A_132 = arith.constant 9984 : i32
        %dma_wait3A_133 = arith.constant 0 : i32
        %dma_wait3A_134 = tpu.memref_slice %arg5[%arg0, %dma_wait3A_132, %dma_wait3A_133] : memref<2x10000x128xf32, #tpu.memory_space<hbm>> -> memref<1x16x128xf32, #tpu.memory_space<hbm>>
        %dma_wait3A_135 = tpu.memref_squeeze %dma_wait3A_134 : memref<1x16x128xf32, #tpu.memory_space<hbm>> -> memref<16x128xf32, #tpu.memory_space<hbm>>
        %dma_wait3A_136 = arith.constant 9984 : i32
        %dma_wait3A_137 = arith.constant 0 : i32
        %dma_wait3A_138 = tpu.memref_slice %arg7[%dma_wait3A_136, %dma_wait3A_137] : memref<10000x128xf32, #tpu.memory_space<vmem_shared>> -> memref<16x128xf32, #tpu.memory_space<vmem_shared>>
        tpu.wait_dma2 semaphore(%run_scoped3A : memref<!tpu.dma_semaphore, #tpu.memory_space<semaphore_mem>>) src(%dma_wait3A_138 : memref<16x128xf32, #tpu.memory_space<vmem_shared>>) dst(%dma_wait3A_135 : memref<16x128xf32, #tpu.memory_space<hbm>>)
        tpu.yield
      }) : () -> ()
    } else {
    }
    "tpu.region"() ({
      %run_scoped3A = tpu.sem_alloc : memref<!tpu.dma_semaphore, #tpu.memory_space<semaphore_mem>>
      %dma_start3A_125 = arith.constant 0 : i32
      %dma_start3A_126 = tpu.memref_slice %arg6[%add3A, %dma_start3A_125] : memref<32x10000xf32, #tpu.memory_space<hbm>> -> memref<1x10000xf32, #tpu.memory_space<hbm>>
      %dma_start3A_127 = tpu.memref_squeeze %dma_start3A_126 : memref<1x10000xf32, #tpu.memory_space<hbm>> -> memref<10000xf32, #tpu.memory_space<hbm>>
      %dma_start3A_128 = arith.constant 0 : i32
      %dma_start3A_129 = tpu.memref_slice %arg6[%add3A, %dma_start3A_128] : memref<32x10000xf32, #tpu.memory_space<hbm>> -> memref<1x10000xf32, #tpu.memory_space<hbm>>
      %dma_start3A_130 = tpu.memref_squeeze %dma_start3A_129 : memref<1x10000xf32, #tpu.memory_space<hbm>> -> memref<10000xf32, #tpu.memory_space<hbm>>
      tpu.enqueue_dma source(%arg30 : memref<10000xf32, #tpu.memory_space<vmem>>) target(%dma_start3A_130 : memref<10000xf32, #tpu.memory_space<hbm>>) target_semaphore(%run_scoped3A : memref<!tpu.dma_semaphore, #tpu.memory_space<semaphore_mem>>)
      %dma_wait3A_131 = arith.constant 0 : i32
      %dma_wait3A_132 = tpu.memref_slice %arg6[%add3A, %dma_wait3A_131] : memref<32x10000xf32, #tpu.memory_space<hbm>> -> memref<1x10000xf32, #tpu.memory_space<hbm>>
      %dma_wait3A_133 = tpu.memref_squeeze %dma_wait3A_132 : memref<1x10000xf32, #tpu.memory_space<hbm>> -> memref<10000xf32, #tpu.memory_space<hbm>>
      %dma_wait3A_134 = arith.constant 0 : i32
      %dma_wait3A_135 = tpu.memref_slice %arg6[%add3A, %dma_wait3A_134] : memref<32x10000xf32, #tpu.memory_space<hbm>> -> memref<1x10000xf32, #tpu.memory_space<hbm>>
      %dma_wait3A_136 = tpu.memref_squeeze %dma_wait3A_135 : memref<1x10000xf32, #tpu.memory_space<hbm>> -> memref<10000xf32, #tpu.memory_space<hbm>>
      tpu.wait_dma2 semaphore(%run_scoped3A : memref<!tpu.dma_semaphore, #tpu.memory_space<semaphore_mem>>) src(%arg30 : memref<10000xf32, #tpu.memory_space<vmem>>) dst(%dma_wait3A_136 : memref<10000xf32, #tpu.memory_space<hbm>>)
      tpu.yield
    }) : () -> ()
    return
  }
}

#map = affine_map<(d0, d1) -> (0, 0)>
#map1 = affine_map<(d0, d1) -> (0)>
#map2 = affine_map<(d0, d1) -> (0, 0, 0)>
module attributes {stable_mosaic.version = 14 : i64} {
  func.func @sc_agg(%arg0: i32, %arg1: i32, %arg2: memref<10000x128xf32, #tpu.memory_space<hbm>>, %arg3: memref<320000xi32, #tpu.memory_space<hbm>>, %arg4: memref<320000xi32, #tpu.memory_space<hbm>>, %arg5: memref<2x10000x128xf32, #tpu.memory_space<hbm>>, %arg6: memref<10000x128xf32, #tpu.memory_space<vmem_shared>>, %arg7: memref<80xi32, #tpu.memory_space<vmem>>, %arg8: memref<80xi32, #tpu.memory_space<vmem>>, %arg9: memref<80xi32, #tpu.memory_space<vmem>>, %arg10: memref<80xi32, #tpu.memory_space<vmem>>, %arg11: memref<80xi32, #tpu.memory_space<vmem>>, %arg12: memref<80xi32, #tpu.memory_space<vmem>>, %arg13: memref<80x128xf32, #tpu.memory_space<vmem>>, %arg14: memref<80x128xf32, #tpu.memory_space<vmem>>, %arg15: memref<80x128xf32, #tpu.memory_space<vmem>>, %arg16: memref<24x128xf32, #tpu.memory_space<vmem>>, %arg17: memref<!tpu.dma_semaphore, #tpu.memory_space<semaphore_mem>>, %arg18: memref<!tpu.dma_semaphore, #tpu.memory_space<semaphore_mem>>, %arg19: memref<!tpu.dma_semaphore, #tpu.memory_space<semaphore_mem>>, %arg20: memref<!tpu.dma_semaphore, #tpu.memory_space<semaphore_mem>>, %arg21: memref<!tpu.dma_semaphore, #tpu.memory_space<semaphore_mem>>, %arg22: memref<!tpu.dma_semaphore, #tpu.memory_space<semaphore_mem>>, %arg23: memref<!tpu.dma_semaphore, #tpu.memory_space<semaphore_mem>>, %arg24: memref<!tpu.dma_semaphore, #tpu.memory_space<semaphore_mem>>, %arg25: memref<!tpu.dma_semaphore, #tpu.memory_space<semaphore_mem>>, %arg26: memref<!tpu.dma_semaphore, #tpu.memory_space<semaphore_mem>>, %arg27: memref<!tpu.dma_semaphore, #tpu.memory_space<semaphore_mem>>, %arg28: memref<!tpu.dma_semaphore, #tpu.memory_space<semaphore_mem>>) attributes {dimension_semantics = [#tpu.dimension_semantics<core_parallel>, #tpu.dimension_semantics<subcore_parallel>], iteration_bounds = array<i64: 2, 16>, scalar_prefetch = 0 : i64, scratch_operands = 23 : i64, tpu.core_type = #tpu.core_type<sc_vector_subcore>, window_params = [{transform_indices = #map}, {transform_indices = #map1}, {transform_indices = #map1}, {transform_indices = #map2}]} {
    %mul3A = arith.constant 2 : i32
    %mul3A_0 = arith.muli %arg1, %mul3A : i32
    %add3A = arith.addi %mul3A_0, %arg0 : i32
    %mul3A_1 = arith.constant 10000 : i32
    %mul3A_2 = arith.muli %add3A, %mul3A_1 : i32
    %add3A_3 = arith.constant 0 : i32
    %add3A_4 = arith.addi %mul3A_2, %add3A_3 : i32
    %dma_start3A = tpu.memref_slice %arg3[%add3A_4] : memref<320000xi32, #tpu.memory_space<hbm>> -> memref<80xi32, #tpu.memory_space<hbm>>
    %dma_start3A_5 = tpu.memref_slice %arg3[%add3A_4] : memref<320000xi32, #tpu.memory_space<hbm>> -> memref<80xi32, #tpu.memory_space<hbm>>
    tpu.enqueue_dma source(%dma_start3A_5 : memref<80xi32, #tpu.memory_space<hbm>>) target(%arg7 : memref<80xi32, #tpu.memory_space<vmem>>) target_semaphore(%arg17 : memref<!tpu.dma_semaphore, #tpu.memory_space<semaphore_mem>>)
    %dma_start3A_6 = tpu.memref_slice %arg4[%add3A_4] : memref<320000xi32, #tpu.memory_space<hbm>> -> memref<80xi32, #tpu.memory_space<hbm>>
    %dma_start3A_7 = tpu.memref_slice %arg4[%add3A_4] : memref<320000xi32, #tpu.memory_space<hbm>> -> memref<80xi32, #tpu.memory_space<hbm>>
    tpu.enqueue_dma source(%dma_start3A_7 : memref<80xi32, #tpu.memory_space<hbm>>) target(%arg10 : memref<80xi32, #tpu.memory_space<vmem>>) target_semaphore(%arg20 : memref<!tpu.dma_semaphore, #tpu.memory_space<semaphore_mem>>)
    %add3A_8 = arith.constant 80 : i32
    %add3A_9 = arith.addi %mul3A_2, %add3A_8 : i32
    %dma_start3A_10 = tpu.memref_slice %arg3[%add3A_9] : memref<320000xi32, #tpu.memory_space<hbm>> -> memref<80xi32, #tpu.memory_space<hbm>>
    %dma_start3A_11 = tpu.memref_slice %arg3[%add3A_9] : memref<320000xi32, #tpu.memory_space<hbm>> -> memref<80xi32, #tpu.memory_space<hbm>>
    tpu.enqueue_dma source(%dma_start3A_11 : memref<80xi32, #tpu.memory_space<hbm>>) target(%arg8 : memref<80xi32, #tpu.memory_space<vmem>>) target_semaphore(%arg18 : memref<!tpu.dma_semaphore, #tpu.memory_space<semaphore_mem>>)
    %dma_start3A_12 = tpu.memref_slice %arg4[%add3A_9] : memref<320000xi32, #tpu.memory_space<hbm>> -> memref<80xi32, #tpu.memory_space<hbm>>
    %dma_start3A_13 = tpu.memref_slice %arg4[%add3A_9] : memref<320000xi32, #tpu.memory_space<hbm>> -> memref<80xi32, #tpu.memory_space<hbm>>
    tpu.enqueue_dma source(%dma_start3A_13 : memref<80xi32, #tpu.memory_space<hbm>>) target(%arg11 : memref<80xi32, #tpu.memory_space<vmem>>) target_semaphore(%arg21 : memref<!tpu.dma_semaphore, #tpu.memory_space<semaphore_mem>>)
    %scan3A = arith.constant 0 : i32
    %scan3A_14 = arith.constant 0 : i32
    %scan3A_15 = arith.constant 24 : i32
    %scan3A_16 = arith.addi %scan3A_14, %scan3A_15 : i32
    %scan3A_17 = arith.constant 1 : i32
    scf.for %scan3A_100 = %scan3A_14 to %scan3A_16 step %scan3A_17  : i32 {
      %broadcast_in_dim3A_101 = arith.constant 0.000000e+00 : f32
      %broadcast_in_dim3A_102 = vector.broadcast %broadcast_in_dim3A_101 : f32 to vector<16xf32>
      %swap3A = arith.index_cast %scan3A_100 : i32 to index
      %swap3A_103 = arith.constant 0 : index
      %swap3A_104 = tpu.vector_load %arg16[%swap3A, %swap3A_103] {strides = array<i32>} : memref<24x128xf32, #tpu.memory_space<vmem>>, vector<16xf32>,
      tpu.vector_store %arg16[%swap3A, %swap3A_103], %broadcast_in_dim3A_102 {strides = array<i32>} : memref<24x128xf32, #tpu.memory_space<vmem>>, vector<16xf32>,
      %broadcast_in_dim3A_105 = arith.constant 0.000000e+00 : f32
      %broadcast_in_dim3A_106 = vector.broadcast %broadcast_in_dim3A_105 : f32 to vector<16xf32>
      %swap3A_107 = arith.index_cast %scan3A_100 : i32 to index
      %swap3A_108 = arith.constant 16 : index
      %swap3A_109 = tpu.vector_load %arg16[%swap3A_107, %swap3A_108] {strides = array<i32>} : memref<24x128xf32, #tpu.memory_space<vmem>>, vector<16xf32>,
      tpu.vector_store %arg16[%swap3A_107, %swap3A_108], %broadcast_in_dim3A_106 {strides = array<i32>} : memref<24x128xf32, #tpu.memory_space<vmem>>, vector<16xf32>,
      %broadcast_in_dim3A_110 = arith.constant 0.000000e+00 : f32
      %broadcast_in_dim3A_111 = vector.broadcast %broadcast_in_dim3A_110 : f32 to vector<16xf32>
      %swap3A_112 = arith.index_cast %scan3A_100 : i32 to index
      %swap3A_113 = arith.constant 32 : index
      %swap3A_114 = tpu.vector_load %arg16[%swap3A_112, %swap3A_113] {strides = array<i32>} : memref<24x128xf32, #tpu.memory_space<vmem>>, vector<16xf32>,
      tpu.vector_store %arg16[%swap3A_112, %swap3A_113], %broadcast_in_dim3A_111 {strides = array<i32>} : memref<24x128xf32, #tpu.memory_space<vmem>>, vector<16xf32>,
      %broadcast_in_dim3A_115 = arith.constant 0.000000e+00 : f32
      %broadcast_in_dim3A_116 = vector.broadcast %broadcast_in_dim3A_115 : f32 to vector<16xf32>
      %swap3A_117 = arith.index_cast %scan3A_100 : i32 to index
      %swap3A_118 = arith.constant 48 : index
      %swap3A_119 = tpu.vector_load %arg16[%swap3A_117, %swap3A_118] {strides = array<i32>} : memref<24x128xf32, #tpu.memory_space<vmem>>, vector<16xf32>,
      tpu.vector_store %arg16[%swap3A_117, %swap3A_118], %broadcast_in_dim3A_116 {strides = array<i32>} : memref<24x128xf32, #tpu.memory_space<vmem>>, vector<16xf32>,
      %broadcast_in_dim3A_120 = arith.constant 0.000000e+00 : f32
      %broadcast_in_dim3A_121 = vector.broadcast %broadcast_in_dim3A_120 : f32 to vector<16xf32>
      %swap3A_122 = arith.index_cast %scan3A_100 : i32 to index
      %swap3A_123 = arith.constant 64 : index
      %swap3A_124 = tpu.vector_load %arg16[%swap3A_122, %swap3A_123] {strides = array<i32>} : memref<24x128xf32, #tpu.memory_space<vmem>>, vector<16xf32>,
      tpu.vector_store %arg16[%swap3A_122, %swap3A_123], %broadcast_in_dim3A_121 {strides = array<i32>} : memref<24x128xf32, #tpu.memory_space<vmem>>, vector<16xf32>,
      %broadcast_in_dim3A_125 = arith.constant 0.000000e+00 : f32
      %broadcast_in_dim3A_126 = vector.broadcast %broadcast_in_dim3A_125 : f32 to vector<16xf32>
      %swap3A_127 = arith.index_cast %scan3A_100 : i32 to index
      %swap3A_128 = arith.constant 80 : index
      %swap3A_129 = tpu.vector_load %arg16[%swap3A_127, %swap3A_128] {strides = array<i32>} : memref<24x128xf32, #tpu.memory_space<vmem>>, vector<16xf32>,
      tpu.vector_store %arg16[%swap3A_127, %swap3A_128], %broadcast_in_dim3A_126 {strides = array<i32>} : memref<24x128xf32, #tpu.memory_space<vmem>>, vector<16xf32>,
      %broadcast_in_dim3A_130 = arith.constant 0.000000e+00 : f32
      %broadcast_in_dim3A_131 = vector.broadcast %broadcast_in_dim3A_130 : f32 to vector<16xf32>
      %swap3A_132 = arith.index_cast %scan3A_100 : i32 to index
      %swap3A_133 = arith.constant 96 : index
      %swap3A_134 = tpu.vector_load %arg16[%swap3A_132, %swap3A_133] {strides = array<i32>} : memref<24x128xf32, #tpu.memory_space<vmem>>, vector<16xf32>,
      tpu.vector_store %arg16[%swap3A_132, %swap3A_133], %broadcast_in_dim3A_131 {strides = array<i32>} : memref<24x128xf32, #tpu.memory_space<vmem>>, vector<16xf32>,
      %broadcast_in_dim3A_135 = arith.constant 0.000000e+00 : f32
      %broadcast_in_dim3A_136 = vector.broadcast %broadcast_in_dim3A_135 : f32 to vector<16xf32>
      %swap3A_137 = arith.index_cast %scan3A_100 : i32 to index
      %swap3A_138 = arith.constant 112 : index
      %swap3A_139 = tpu.vector_load %arg16[%swap3A_137, %swap3A_138] {strides = array<i32>} : memref<24x128xf32, #tpu.memory_space<vmem>>, vector<16xf32>,
      tpu.vector_store %arg16[%swap3A_137, %swap3A_138], %broadcast_in_dim3A_136 {strides = array<i32>} : memref<24x128xf32, #tpu.memory_space<vmem>>, vector<16xf32>,
    }
    %scan3A_18 = arith.constant 24 : i32
    %scan3A_19 = arith.constant 0 : i32
    %scan3A_20 = arith.constant 0 : i32
    %scan3A_21 = arith.constant 26 : i32
    %scan3A_22 = arith.addi %scan3A_20, %scan3A_21 : i32
    %scan3A_23 = arith.constant 1 : i32
    scf.for %scan3A_100 = %scan3A_20 to %scan3A_22 step %scan3A_23  : i32 {
      %mul3A_101 = arith.constant 624 : i32
      %mul3A_102 = arith.muli %arg1, %mul3A_101 : i32
      %mul3A_103 = arith.constant 24 : i32
      %mul3A_104 = arith.muli %scan3A_100, %mul3A_103 : i32
      %add3A_105 = arith.addi %mul3A_102, %mul3A_104 : i32
      "tpu.region"() ({
        %run_scoped3A = tpu.sem_alloc : memref<!tpu.dma_semaphore, #tpu.memory_space<semaphore_mem>>
        %dma_start3A_106 = arith.constant 0 : i32
        %dma_start3A_107 = tpu.memref_slice %arg6[%add3A_105, %dma_start3A_106] : memref<10000x128xf32, #tpu.memory_space<vmem_shared>> -> memref<24x128xf32, #tpu.memory_space<vmem_shared>>
        %dma_start3A_108 = arith.constant 0 : i32
        %dma_start3A_109 = tpu.memref_slice %arg6[%add3A_105, %dma_start3A_108] : memref<10000x128xf32, #tpu.memory_space<vmem_shared>> -> memref<24x128xf32, #tpu.memory_space<vmem_shared>>
        tpu.enqueue_dma source(%arg16 : memref<24x128xf32, #tpu.memory_space<vmem>>) target(%dma_start3A_109 : memref<24x128xf32, #tpu.memory_space<vmem_shared>>) target_semaphore(%run_scoped3A : memref<!tpu.dma_semaphore, #tpu.memory_space<semaphore_mem>>)
        %dma_wait3A_110 = arith.constant 0 : i32
        %dma_wait3A_111 = tpu.memref_slice %arg6[%add3A_105, %dma_wait3A_110] : memref<10000x128xf32, #tpu.memory_space<vmem_shared>> -> memref<24x128xf32, #tpu.memory_space<vmem_shared>>
        %dma_wait3A_112 = arith.constant 0 : i32
        %dma_wait3A_113 = tpu.memref_slice %arg6[%add3A_105, %dma_wait3A_112] : memref<10000x128xf32, #tpu.memory_space<vmem_shared>> -> memref<24x128xf32, #tpu.memory_space<vmem_shared>>
        tpu.wait_dma2 semaphore(%run_scoped3A : memref<!tpu.dma_semaphore, #tpu.memory_space<semaphore_mem>>) src(%arg16 : memref<24x128xf32, #tpu.memory_space<vmem>>) dst(%dma_wait3A_113 : memref<24x128xf32, #tpu.memory_space<vmem_shared>>)
        tpu.yield
      }) : () -> ()
    }
    %scan3A_24 = arith.constant 26 : i32
    %eq3A = arith.constant 0 : i32
    %eq3A_25 = arith.cmpi eq, %arg1, %eq3A : i32
    %convert_element_type3A = arith.extui %eq3A_25 : i1 to i32
    %cond3A = arith.constant 0 : i32
    %cond3A_26 = arith.cmpi ne, %convert_element_type3A, %cond3A : i32
    scf.if %cond3A_26 {
      "tpu.region"() ({
        %run_scoped3A = tpu.sem_alloc : memref<!tpu.dma_semaphore, #tpu.memory_space<semaphore_mem>>
        %dma_start3A_100 = arith.constant 0 : i32
        %dma_start3A_101 = arith.constant 0 : i32
        %dma_start3A_102 = tpu.memref_slice %arg16[%dma_start3A_100, %dma_start3A_101] : memref<24x128xf32, #tpu.memory_space<vmem>> -> memref<16x128xf32, #tpu.memory_space<vmem>>
        %dma_start3A_103 = arith.constant 9984 : i32
        %dma_start3A_104 = arith.constant 0 : i32
        %dma_start3A_105 = tpu.memref_slice %arg6[%dma_start3A_103, %dma_start3A_104] : memref<10000x128xf32, #tpu.memory_space<vmem_shared>> -> memref<16x128xf32, #tpu.memory_space<vmem_shared>>
        %dma_start3A_106 = arith.constant 9984 : i32
        %dma_start3A_107 = arith.constant 0 : i32
        %dma_start3A_108 = tpu.memref_slice %arg6[%dma_start3A_106, %dma_start3A_107] : memref<10000x128xf32, #tpu.memory_space<vmem_shared>> -> memref<16x128xf32, #tpu.memory_space<vmem_shared>>
        %dma_start3A_109 = arith.constant 0 : i32
        %dma_start3A_110 = arith.constant 0 : i32
        %dma_start3A_111 = tpu.memref_slice %arg16[%dma_start3A_109, %dma_start3A_110] : memref<24x128xf32, #tpu.memory_space<vmem>> -> memref<16x128xf32, #tpu.memory_space<vmem>>
        tpu.enqueue_dma source(%dma_start3A_111 : memref<16x128xf32, #tpu.memory_space<vmem>>) target(%dma_start3A_108 : memref<16x128xf32, #tpu.memory_space<vmem_shared>>) target_semaphore(%run_scoped3A : memref<!tpu.dma_semaphore, #tpu.memory_space<semaphore_mem>>)
        %dma_wait3A_112 = arith.constant 0 : i32
        %dma_wait3A_113 = arith.constant 0 : i32
        %dma_wait3A_114 = tpu.memref_slice %arg16[%dma_wait3A_112, %dma_wait3A_113] : memref<24x128xf32, #tpu.memory_space<vmem>> -> memref<16x128xf32, #tpu.memory_space<vmem>>
        %dma_wait3A_115 = arith.constant 9984 : i32
        %dma_wait3A_116 = arith.constant 0 : i32
        %dma_wait3A_117 = tpu.memref_slice %arg6[%dma_wait3A_115, %dma_wait3A_116] : memref<10000x128xf32, #tpu.memory_space<vmem_shared>> -> memref<16x128xf32, #tpu.memory_space<vmem_shared>>
        %dma_wait3A_118 = arith.constant 9984 : i32
        %dma_wait3A_119 = arith.constant 0 : i32
        %dma_wait3A_120 = tpu.memref_slice %arg6[%dma_wait3A_118, %dma_wait3A_119] : memref<10000x128xf32, #tpu.memory_space<vmem_shared>> -> memref<16x128xf32, #tpu.memory_space<vmem_shared>>
        %dma_wait3A_121 = arith.constant 0 : i32
        %dma_wait3A_122 = arith.constant 0 : i32
        %dma_wait3A_123 = tpu.memref_slice %arg16[%dma_wait3A_121, %dma_wait3A_122] : memref<24x128xf32, #tpu.memory_space<vmem>> -> memref<16x128xf32, #tpu.memory_space<vmem>>
        tpu.wait_dma2 semaphore(%run_scoped3A : memref<!tpu.dma_semaphore, #tpu.memory_space<semaphore_mem>>) src(%dma_wait3A_123 : memref<16x128xf32, #tpu.memory_space<vmem>>) dst(%dma_wait3A_120 : memref<16x128xf32, #tpu.memory_space<vmem_shared>>)
        tpu.yield
      }) : () -> ()
    } else {
    }
    %broadcast_in_dim3A = arith.constant 1.000000e+00 : f32
    %broadcast_in_dim3A_27 = vector.broadcast %broadcast_in_dim3A : f32 to vector<16xf32>
    %dma_wait3A = arith.constant 0 : i32
    %dma_wait3A_28 = tpu.memref_slice %arg3[%dma_wait3A] : memref<320000xi32, #tpu.memory_space<hbm>> -> memref<80xi32, #tpu.memory_space<hbm>>
    %dma_wait3A_29 = arith.constant 0 : i32
    %dma_wait3A_30 = tpu.memref_slice %arg3[%dma_wait3A_29] : memref<320000xi32, #tpu.memory_space<hbm>> -> memref<80xi32, #tpu.memory_space<hbm>>
    tpu.wait_dma2 semaphore(%arg17 : memref<!tpu.dma_semaphore, #tpu.memory_space<semaphore_mem>>) src(%dma_wait3A_30 : memref<80xi32, #tpu.memory_space<hbm>>) dst(%arg7 : memref<80xi32, #tpu.memory_space<vmem>>)
    %dma_wait3A_31 = arith.constant 0 : i32
    %dma_wait3A_32 = tpu.memref_slice %arg4[%dma_wait3A_31] : memref<320000xi32, #tpu.memory_space<hbm>> -> memref<80xi32, #tpu.memory_space<hbm>>
    %dma_wait3A_33 = arith.constant 0 : i32
    %dma_wait3A_34 = tpu.memref_slice %arg4[%dma_wait3A_33] : memref<320000xi32, #tpu.memory_space<hbm>> -> memref<80xi32, #tpu.memory_space<hbm>>
    tpu.wait_dma2 semaphore(%arg20 : memref<!tpu.dma_semaphore, #tpu.memory_space<semaphore_mem>>) src(%dma_wait3A_34 : memref<80xi32, #tpu.memory_space<hbm>>) dst(%arg10 : memref<80xi32, #tpu.memory_space<vmem>>)
    %dma_start3A_35 = arith.constant 0 : i32
    %dma_start3A_36 = arith.constant 0 : i32
    %dma_start3A_37 = tpu.memref_slice %arg2[%dma_start3A_35, %dma_start3A_36] : memref<10000x128xf32, #tpu.memory_space<hbm>> -> memref<10000x128xf32, #tpu.memory_space<hbm>>
    tpu.enqueue_indirect_dma source(%dma_start3A_37 : memref<10000x128xf32, #tpu.memory_space<hbm>>) target(%arg13 : memref<80x128xf32, #tpu.memory_space<vmem>>) offsets(%arg7 : memref<80xi32, #tpu.memory_space<vmem>>) semaphore(%arg23 : memref<!tpu.dma_semaphore, #tpu.memory_space<semaphore_mem>>)
    %barrier3A = arith.constant 0 : index
    tpu.barrier barrier_id(%barrier3A)
    %dma_wait3A_38 = arith.constant 0 : i32
    %dma_wait3A_39 = arith.constant 0 : i32
    %dma_wait3A_40 = tpu.memref_slice %arg2[%dma_wait3A_38, %dma_wait3A_39] : memref<10000x128xf32, #tpu.memory_space<hbm>> -> memref<10000x128xf32, #tpu.memory_space<hbm>>
    tpu.wait_indirect_dma semaphore(%arg23 : memref<!tpu.dma_semaphore, #tpu.memory_space<semaphore_mem>>) src(%dma_wait3A_40 : memref<10000x128xf32, #tpu.memory_space<hbm>>) dst(%arg13 : memref<80x128xf32, #tpu.memory_space<vmem>>)
    %dma_start3A_41 = arith.constant 0 : i32
    %dma_start3A_42 = arith.constant 0 : i32
    %dma_start3A_43 = tpu.memref_slice %arg6[%dma_start3A_41, %dma_start3A_42] : memref<10000x128xf32, #tpu.memory_space<vmem_shared>> -> memref<10000x128xf32, #tpu.memory_space<vmem_shared>>
    tpu.enqueue_indirect_dma source(%arg13 : memref<80x128xf32, #tpu.memory_space<vmem>>) target(%dma_start3A_43 : memref<10000x128xf32, #tpu.memory_space<vmem_shared>>) offsets(%arg10 : memref<80xi32, #tpu.memory_space<vmem>>) semaphore(%arg26 : memref<!tpu.dma_semaphore, #tpu.memory_space<semaphore_mem>>) {add = true}
    %dma_wait3A_44 = arith.constant 0 : i32
    %dma_wait3A_45 = tpu.memref_slice %arg3[%dma_wait3A_44] : memref<320000xi32, #tpu.memory_space<hbm>> -> memref<80xi32, #tpu.memory_space<hbm>>
    %dma_wait3A_46 = arith.constant 0 : i32
    %dma_wait3A_47 = tpu.memref_slice %arg3[%dma_wait3A_46] : memref<320000xi32, #tpu.memory_space<hbm>> -> memref<80xi32, #tpu.memory_space<hbm>>
    tpu.wait_dma2 semaphore(%arg18 : memref<!tpu.dma_semaphore, #tpu.memory_space<semaphore_mem>>) src(%dma_wait3A_47 : memref<80xi32, #tpu.memory_space<hbm>>) dst(%arg8 : memref<80xi32, #tpu.memory_space<vmem>>)
    %dma_wait3A_48 = arith.constant 0 : i32
    %dma_wait3A_49 = tpu.memref_slice %arg4[%dma_wait3A_48] : memref<320000xi32, #tpu.memory_space<hbm>> -> memref<80xi32, #tpu.memory_space<hbm>>
    %dma_wait3A_50 = arith.constant 0 : i32
    %dma_wait3A_51 = tpu.memref_slice %arg4[%dma_wait3A_50] : memref<320000xi32, #tpu.memory_space<hbm>> -> memref<80xi32, #tpu.memory_space<hbm>>
    tpu.wait_dma2 semaphore(%arg21 : memref<!tpu.dma_semaphore, #tpu.memory_space<semaphore_mem>>) src(%dma_wait3A_51 : memref<80xi32, #tpu.memory_space<hbm>>) dst(%arg11 : memref<80xi32, #tpu.memory_space<vmem>>)
    %dma_start3A_52 = arith.constant 0 : i32
    %dma_start3A_53 = arith.constant 0 : i32
    %dma_start3A_54 = tpu.memref_slice %arg2[%dma_start3A_52, %dma_start3A_53] : memref<10000x128xf32, #tpu.memory_space<hbm>> -> memref<10000x128xf32, #tpu.memory_space<hbm>>
    tpu.enqueue_indirect_dma source(%dma_start3A_54 : memref<10000x128xf32, #tpu.memory_space<hbm>>) target(%arg14 : memref<80x128xf32, #tpu.memory_space<vmem>>) offsets(%arg8 : memref<80xi32, #tpu.memory_space<vmem>>) semaphore(%arg24 : memref<!tpu.dma_semaphore, #tpu.memory_space<semaphore_mem>>)
    %rem3A = arith.constant 2 : i32
    %rem3A_55 = arith.constant 125 : i32
    %rem3A_56 = arith.remsi %rem3A, %rem3A_55 : i32
    %mul3A_57 = arith.constant 80 : i32
    %mul3A_58 = arith.muli %rem3A_56, %mul3A_57 : i32
    %add3A_59 = arith.addi %mul3A_2, %mul3A_58 : i32
    %dma_start3A_60 = tpu.memref_slice %arg3[%add3A_59] : memref<320000xi32, #tpu.memory_space<hbm>> -> memref<80xi32, #tpu.memory_space<hbm>>
    %dma_start3A_61 = tpu.memref_slice %arg3[%add3A_59] : memref<320000xi32, #tpu.memory_space<hbm>> -> memref<80xi32, #tpu.memory_space<hbm>>
    tpu.enqueue_dma source(%dma_start3A_61 : memref<80xi32, #tpu.memory_space<hbm>>) target(%arg9 : memref<80xi32, #tpu.memory_space<vmem>>) target_semaphore(%arg19 : memref<!tpu.dma_semaphore, #tpu.memory_space<semaphore_mem>>)
    %dma_start3A_62 = tpu.memref_slice %arg4[%add3A_59] : memref<320000xi32, #tpu.memory_space<hbm>> -> memref<80xi32, #tpu.memory_space<hbm>>
    %dma_start3A_63 = tpu.memref_slice %arg4[%add3A_59] : memref<320000xi32, #tpu.memory_space<hbm>> -> memref<80xi32, #tpu.memory_space<hbm>>
    tpu.enqueue_dma source(%dma_start3A_63 : memref<80xi32, #tpu.memory_space<hbm>>) target(%arg12 : memref<80xi32, #tpu.memory_space<vmem>>) target_semaphore(%arg22 : memref<!tpu.dma_semaphore, #tpu.memory_space<semaphore_mem>>)
    %scan3A_64 = arith.constant 0 : i32
    %scan3A_65 = arith.constant 0 : i32
    %scan3A_66 = arith.constant 41 : i32
    %scan3A_67 = arith.addi %scan3A_65, %scan3A_66 : i32
    %scan3A_68 = arith.constant 1 : i32
    scf.for %scan3A_100 = %scan3A_65 to %scan3A_67 step %scan3A_68  : i32 {
      %mul3A_101 = arith.constant 3 : i32
      %mul3A_102 = arith.muli %mul3A_101, %scan3A_100 : i32
      %add3A_103 = arith.constant 1 : i32
      %add3A_104 = arith.addi %mul3A_102, %add3A_103 : i32
      %add3A_105 = arith.constant 0 : i32
      %add3A_106 = arith.addi %add3A_104, %add3A_105 : i32
      %dma_wait3A_107 = arith.constant 0 : i32
      %dma_wait3A_108 = arith.constant 0 : i32
      %dma_wait3A_109 = tpu.memref_slice %arg2[%dma_wait3A_107, %dma_wait3A_108] : memref<10000x128xf32, #tpu.memory_space<hbm>> -> memref<10000x128xf32, #tpu.memory_space<hbm>>
      tpu.wait_indirect_dma semaphore(%arg24 : memref<!tpu.dma_semaphore, #tpu.memory_space<semaphore_mem>>) src(%dma_wait3A_109 : memref<10000x128xf32, #tpu.memory_space<hbm>>) dst(%arg14 : memref<80x128xf32, #tpu.memory_space<vmem>>)
      %dma_start3A_110 = arith.constant 0 : i32
      %dma_start3A_111 = arith.constant 0 : i32
      %dma_start3A_112 = tpu.memref_slice %arg6[%dma_start3A_110, %dma_start3A_111] : memref<10000x128xf32, #tpu.memory_space<vmem_shared>> -> memref<10000x128xf32, #tpu.memory_space<vmem_shared>>
      tpu.enqueue_indirect_dma source(%arg14 : memref<80x128xf32, #tpu.memory_space<vmem>>) target(%dma_start3A_112 : memref<10000x128xf32, #tpu.memory_space<vmem_shared>>) offsets(%arg11 : memref<80xi32, #tpu.memory_space<vmem>>) semaphore(%arg27 : memref<!tpu.dma_semaphore, #tpu.memory_space<semaphore_mem>>) {add = true}
      %dma_wait3A_113 = arith.constant 0 : i32
      %dma_wait3A_114 = tpu.memref_slice %arg3[%dma_wait3A_113] : memref<320000xi32, #tpu.memory_space<hbm>> -> memref<80xi32, #tpu.memory_space<hbm>>
      %dma_wait3A_115 = arith.constant 0 : i32
      %dma_wait3A_116 = tpu.memref_slice %arg3[%dma_wait3A_115] : memref<320000xi32, #tpu.memory_space<hbm>> -> memref<80xi32, #tpu.memory_space<hbm>>
      tpu.wait_dma2 semaphore(%arg19 : memref<!tpu.dma_semaphore, #tpu.memory_space<semaphore_mem>>) src(%dma_wait3A_116 : memref<80xi32, #tpu.memory_space<hbm>>) dst(%arg9 : memref<80xi32, #tpu.memory_space<vmem>>)
      %dma_wait3A_117 = arith.constant 0 : i32
      %dma_wait3A_118 = tpu.memref_slice %arg4[%dma_wait3A_117] : memref<320000xi32, #tpu.memory_space<hbm>> -> memref<80xi32, #tpu.memory_space<hbm>>
      %dma_wait3A_119 = arith.constant 0 : i32
      %dma_wait3A_120 = tpu.memref_slice %arg4[%dma_wait3A_119] : memref<320000xi32, #tpu.memory_space<hbm>> -> memref<80xi32, #tpu.memory_space<hbm>>
      tpu.wait_dma2 semaphore(%arg22 : memref<!tpu.dma_semaphore, #tpu.memory_space<semaphore_mem>>) src(%dma_wait3A_120 : memref<80xi32, #tpu.memory_space<hbm>>) dst(%arg12 : memref<80xi32, #tpu.memory_space<vmem>>)
      %dma_start3A_121 = arith.constant 0 : i32
      %dma_start3A_122 = arith.constant 0 : i32
      %dma_start3A_123 = tpu.memref_slice %arg2[%dma_start3A_121, %dma_start3A_122] : memref<10000x128xf32, #tpu.memory_space<hbm>> -> memref<10000x128xf32, #tpu.memory_space<hbm>>
      tpu.enqueue_indirect_dma source(%dma_start3A_123 : memref<10000x128xf32, #tpu.memory_space<hbm>>) target(%arg15 : memref<80x128xf32, #tpu.memory_space<vmem>>) offsets(%arg9 : memref<80xi32, #tpu.memory_space<vmem>>) semaphore(%arg25 : memref<!tpu.dma_semaphore, #tpu.memory_space<semaphore_mem>>)
      %dma_wait3A_124 = arith.constant 0 : i32
      %dma_wait3A_125 = arith.constant 0 : i32
      %dma_wait3A_126 = tpu.memref_slice %arg6[%dma_wait3A_124, %dma_wait3A_125] : memref<10000x128xf32, #tpu.memory_space<vmem_shared>> -> memref<10000x128xf32, #tpu.memory_space<vmem_shared>>
      tpu.wait_indirect_dma semaphore(%arg26 : memref<!tpu.dma_semaphore, #tpu.memory_space<semaphore_mem>>) src(%arg13 : memref<80x128xf32, #tpu.memory_space<vmem>>) dst(%dma_wait3A_126 : memref<10000x128xf32, #tpu.memory_space<vmem_shared>>)
      %add3A_127 = arith.constant 2 : i32
      %add3A_128 = arith.addi %add3A_106, %add3A_127 : i32
      %rem3A_129 = arith.constant 125 : i32
      %rem3A_130 = arith.remsi %add3A_128, %rem3A_129 : i32
      %mul3A_131 = arith.constant 80 : i32
      %mul3A_132 = arith.muli %rem3A_130, %mul3A_131 : i32
      %add3A_133 = arith.addi %mul3A_2, %mul3A_132 : i32
      %dma_start3A_134 = tpu.memref_slice %arg3[%add3A_133] : memref<320000xi32, #tpu.memory_space<hbm>> -> memref<80xi32, #tpu.memory_space<hbm>>
      %dma_start3A_135 = tpu.memref_slice %arg3[%add3A_133] : memref<320000xi32, #tpu.memory_space<hbm>> -> memref<80xi32, #tpu.memory_space<hbm>>
      tpu.enqueue_dma source(%dma_start3A_135 : memref<80xi32, #tpu.memory_space<hbm>>) target(%arg7 : memref<80xi32, #tpu.memory_space<vmem>>) target_semaphore(%arg17 : memref<!tpu.dma_semaphore, #tpu.memory_space<semaphore_mem>>)
      %dma_start3A_136 = tpu.memref_slice %arg4[%add3A_133] : memref<320000xi32, #tpu.memory_space<hbm>> -> memref<80xi32, #tpu.memory_space<hbm>>
      %dma_start3A_137 = tpu.memref_slice %arg4[%add3A_133] : memref<320000xi32, #tpu.memory_space<hbm>> -> memref<80xi32, #tpu.memory_space<hbm>>
      tpu.enqueue_dma source(%dma_start3A_137 : memref<80xi32, #tpu.memory_space<hbm>>) target(%arg10 : memref<80xi32, #tpu.memory_space<vmem>>) target_semaphore(%arg20 : memref<!tpu.dma_semaphore, #tpu.memory_space<semaphore_mem>>)
      %mul3A_138 = arith.constant 3 : i32
      %mul3A_139 = arith.muli %mul3A_138, %scan3A_100 : i32
      %add3A_140 = arith.constant 1 : i32
      %add3A_141 = arith.addi %mul3A_139, %add3A_140 : i32
      %add3A_142 = arith.constant 1 : i32
      %add3A_143 = arith.addi %add3A_141, %add3A_142 : i32
      %dma_wait3A_144 = arith.constant 0 : i32
      %dma_wait3A_145 = arith.constant 0 : i32
      %dma_wait3A_146 = tpu.memref_slice %arg2[%dma_wait3A_144, %dma_wait3A_145] : memref<10000x128xf32, #tpu.memory_space<hbm>> -> memref<10000x128xf32, #tpu.memory_space<hbm>>
      tpu.wait_indirect_dma semaphore(%arg25 : memref<!tpu.dma_semaphore, #tpu.memory_space<semaphore_mem>>) src(%dma_wait3A_146 : memref<10000x128xf32, #tpu.memory_space<hbm>>) dst(%arg15 : memref<80x128xf32, #tpu.memory_space<vmem>>)
      %dma_start3A_147 = arith.constant 0 : i32
      %dma_start3A_148 = arith.constant 0 : i32
      %dma_start3A_149 = tpu.memref_slice %arg6[%dma_start3A_147, %dma_start3A_148] : memref<10000x128xf32, #tpu.memory_space<vmem_shared>> -> memref<10000x128xf32, #tpu.memory_space<vmem_shared>>
      tpu.enqueue_indirect_dma source(%arg15 : memref<80x128xf32, #tpu.memory_space<vmem>>) target(%dma_start3A_149 : memref<10000x128xf32, #tpu.memory_space<vmem_shared>>) offsets(%arg12 : memref<80xi32, #tpu.memory_space<vmem>>) semaphore(%arg28 : memref<!tpu.dma_semaphore, #tpu.memory_space<semaphore_mem>>) {add = true}
      %dma_wait3A_150 = arith.constant 0 : i32
      %dma_wait3A_151 = tpu.memref_slice %arg3[%dma_wait3A_150] : memref<320000xi32, #tpu.memory_space<hbm>> -> memref<80xi32, #tpu.memory_space<hbm>>
      %dma_wait3A_152 = arith.constant 0 : i32
      %dma_wait3A_153 = tpu.memref_slice %arg3[%dma_wait3A_152] : memref<320000xi32, #tpu.memory_space<hbm>> -> memref<80xi32, #tpu.memory_space<hbm>>
      tpu.wait_dma2 semaphore(%arg17 : memref<!tpu.dma_semaphore, #tpu.memory_space<semaphore_mem>>) src(%dma_wait3A_153 : memref<80xi32, #tpu.memory_space<hbm>>) dst(%arg7 : memref<80xi32, #tpu.memory_space<vmem>>)
      %dma_wait3A_154 = arith.constant 0 : i32
      %dma_wait3A_155 = tpu.memref_slice %arg4[%dma_wait3A_154] : memref<320000xi32, #tpu.memory_space<hbm>> -> memref<80xi32, #tpu.memory_space<hbm>>
      %dma_wait3A_156 = arith.constant 0 : i32
      %dma_wait3A_157 = tpu.memref_slice %arg4[%dma_wait3A_156] : memref<320000xi32, #tpu.memory_space<hbm>> -> memref<80xi32, #tpu.memory_space<hbm>>
      tpu.wait_dma2 semaphore(%arg20 : memref<!tpu.dma_semaphore, #tpu.memory_space<semaphore_mem>>) src(%dma_wait3A_157 : memref<80xi32, #tpu.memory_space<hbm>>) dst(%arg10 : memref<80xi32, #tpu.memory_space<vmem>>)
      %dma_start3A_158 = arith.constant 0 : i32
      %dma_start3A_159 = arith.constant 0 : i32
      %dma_start3A_160 = tpu.memref_slice %arg2[%dma_start3A_158, %dma_start3A_159] : memref<10000x128xf32, #tpu.memory_space<hbm>> -> memref<10000x128xf32, #tpu.memory_space<hbm>>
      tpu.enqueue_indirect_dma source(%dma_start3A_160 : memref<10000x128xf32, #tpu.memory_space<hbm>>) target(%arg13 : memref<80x128xf32, #tpu.memory_space<vmem>>) offsets(%arg7 : memref<80xi32, #tpu.memory_space<vmem>>) semaphore(%arg23 : memref<!tpu.dma_semaphore, #tpu.memory_space<semaphore_mem>>)
      %dma_wait3A_161 = arith.constant 0 : i32
      %dma_wait3A_162 = arith.constant 0 : i32
      %dma_wait3A_163 = tpu.memref_slice %arg6[%dma_wait3A_161, %dma_wait3A_162] : memref<10000x128xf32, #tpu.memory_space<vmem_shared>> -> memref<10000x128xf32, #tpu.memory_space<vmem_shared>>
      tpu.wait_indirect_dma semaphore(%arg27 : memref<!tpu.dma_semaphore, #tpu.memory_space<semaphore_mem>>) src(%arg14 : memref<80x128xf32, #tpu.memory_space<vmem>>) dst(%dma_wait3A_163 : memref<10000x128xf32, #tpu.memory_space<vmem_shared>>)
      %add3A_164 = arith.constant 2 : i32
      %add3A_165 = arith.addi %add3A_143, %add3A_164 : i32
      %rem3A_166 = arith.constant 125 : i32
      %rem3A_167 = arith.remsi %add3A_165, %rem3A_166 : i32
      %mul3A_168 = arith.constant 80 : i32
      %mul3A_169 = arith.muli %rem3A_167, %mul3A_168 : i32
      %add3A_170 = arith.addi %mul3A_2, %mul3A_169 : i32
      %dma_start3A_171 = tpu.memref_slice %arg3[%add3A_170] : memref<320000xi32, #tpu.memory_space<hbm>> -> memref<80xi32, #tpu.memory_space<hbm>>
      %dma_start3A_172 = tpu.memref_slice %arg3[%add3A_170] : memref<320000xi32, #tpu.memory_space<hbm>> -> memref<80xi32, #tpu.memory_space<hbm>>
      tpu.enqueue_dma source(%dma_start3A_172 : memref<80xi32, #tpu.memory_space<hbm>>) target(%arg8 : memref<80xi32, #tpu.memory_space<vmem>>) target_semaphore(%arg18 : memref<!tpu.dma_semaphore, #tpu.memory_space<semaphore_mem>>)
      %dma_start3A_173 = tpu.memref_slice %arg4[%add3A_170] : memref<320000xi32, #tpu.memory_space<hbm>> -> memref<80xi32, #tpu.memory_space<hbm>>
      %dma_start3A_174 = tpu.memref_slice %arg4[%add3A_170] : memref<320000xi32, #tpu.memory_space<hbm>> -> memref<80xi32, #tpu.memory_space<hbm>>
      tpu.enqueue_dma source(%dma_start3A_174 : memref<80xi32, #tpu.memory_space<hbm>>) target(%arg11 : memref<80xi32, #tpu.memory_space<vmem>>) target_semaphore(%arg21 : memref<!tpu.dma_semaphore, #tpu.memory_space<semaphore_mem>>)
      %mul3A_175 = arith.constant 3 : i32
      %mul3A_176 = arith.muli %mul3A_175, %scan3A_100 : i32
      %add3A_177 = arith.constant 1 : i32
      %add3A_178 = arith.addi %mul3A_176, %add3A_177 : i32
      %add3A_179 = arith.constant 2 : i32
      %add3A_180 = arith.addi %add3A_178, %add3A_179 : i32
      %dma_wait3A_181 = arith.constant 0 : i32
      %dma_wait3A_182 = arith.constant 0 : i32
      %dma_wait3A_183 = tpu.memref_slice %arg2[%dma_wait3A_181, %dma_wait3A_182] : memref<10000x128xf32, #tpu.memory_space<hbm>> -> memref<10000x128xf32, #tpu.memory_space<hbm>>
      tpu.wait_indirect_dma semaphore(%arg23 : memref<!tpu.dma_semaphore, #tpu.memory_space<semaphore_mem>>) src(%dma_wait3A_183 : memref<10000x128xf32, #tpu.memory_space<hbm>>) dst(%arg13 : memref<80x128xf32, #tpu.memory_space<vmem>>)
      %dma_start3A_184 = arith.constant 0 : i32
      %dma_start3A_185 = arith.constant 0 : i32
      %dma_start3A_186 = tpu.memref_slice %arg6[%dma_start3A_184, %dma_start3A_185] : memref<10000x128xf32, #tpu.memory_space<vmem_shared>> -> memref<10000x128xf32, #tpu.memory_space<vmem_shared>>
      tpu.enqueue_indirect_dma source(%arg13 : memref<80x128xf32, #tpu.memory_space<vmem>>) target(%dma_start3A_186 : memref<10000x128xf32, #tpu.memory_space<vmem_shared>>) offsets(%arg10 : memref<80xi32, #tpu.memory_space<vmem>>) semaphore(%arg26 : memref<!tpu.dma_semaphore, #tpu.memory_space<semaphore_mem>>) {add = true}
      %dma_wait3A_187 = arith.constant 0 : i32
      %dma_wait3A_188 = tpu.memref_slice %arg3[%dma_wait3A_187] : memref<320000xi32, #tpu.memory_space<hbm>> -> memref<80xi32, #tpu.memory_space<hbm>>
      %dma_wait3A_189 = arith.constant 0 : i32
      %dma_wait3A_190 = tpu.memref_slice %arg3[%dma_wait3A_189] : memref<320000xi32, #tpu.memory_space<hbm>> -> memref<80xi32, #tpu.memory_space<hbm>>
      tpu.wait_dma2 semaphore(%arg18 : memref<!tpu.dma_semaphore, #tpu.memory_space<semaphore_mem>>) src(%dma_wait3A_190 : memref<80xi32, #tpu.memory_space<hbm>>) dst(%arg8 : memref<80xi32, #tpu.memory_space<vmem>>)
      %dma_wait3A_191 = arith.constant 0 : i32
      %dma_wait3A_192 = tpu.memref_slice %arg4[%dma_wait3A_191] : memref<320000xi32, #tpu.memory_space<hbm>> -> memref<80xi32, #tpu.memory_space<hbm>>
      %dma_wait3A_193 = arith.constant 0 : i32
      %dma_wait3A_194 = tpu.memref_slice %arg4[%dma_wait3A_193] : memref<320000xi32, #tpu.memory_space<hbm>> -> memref<80xi32, #tpu.memory_space<hbm>>
      tpu.wait_dma2 semaphore(%arg21 : memref<!tpu.dma_semaphore, #tpu.memory_space<semaphore_mem>>) src(%dma_wait3A_194 : memref<80xi32, #tpu.memory_space<hbm>>) dst(%arg11 : memref<80xi32, #tpu.memory_space<vmem>>)
      %dma_start3A_195 = arith.constant 0 : i32
      %dma_start3A_196 = arith.constant 0 : i32
      %dma_start3A_197 = tpu.memref_slice %arg2[%dma_start3A_195, %dma_start3A_196] : memref<10000x128xf32, #tpu.memory_space<hbm>> -> memref<10000x128xf32, #tpu.memory_space<hbm>>
      tpu.enqueue_indirect_dma source(%dma_start3A_197 : memref<10000x128xf32, #tpu.memory_space<hbm>>) target(%arg14 : memref<80x128xf32, #tpu.memory_space<vmem>>) offsets(%arg8 : memref<80xi32, #tpu.memory_space<vmem>>) semaphore(%arg24 : memref<!tpu.dma_semaphore, #tpu.memory_space<semaphore_mem>>)
      %dma_wait3A_198 = arith.constant 0 : i32
      %dma_wait3A_199 = arith.constant 0 : i32
      %dma_wait3A_200 = tpu.memref_slice %arg6[%dma_wait3A_198, %dma_wait3A_199] : memref<10000x128xf32, #tpu.memory_space<vmem_shared>> -> memref<10000x128xf32, #tpu.memory_space<vmem_shared>>
      tpu.wait_indirect_dma semaphore(%arg28 : memref<!tpu.dma_semaphore, #tpu.memory_space<semaphore_mem>>) src(%arg15 : memref<80x128xf32, #tpu.memory_space<vmem>>) dst(%dma_wait3A_200 : memref<10000x128xf32, #tpu.memory_space<vmem_shared>>)
      %add3A_201 = arith.constant 2 : i32
      %add3A_202 = arith.addi %add3A_180, %add3A_201 : i32
      %rem3A_203 = arith.constant 125 : i32
      %rem3A_204 = arith.remsi %add3A_202, %rem3A_203 : i32
      %mul3A_205 = arith.constant 80 : i32
      %mul3A_206 = arith.muli %rem3A_204, %mul3A_205 : i32
      %add3A_207 = arith.addi %mul3A_2, %mul3A_206 : i32
      %dma_start3A_208 = tpu.memref_slice %arg3[%add3A_207] : memref<320000xi32, #tpu.memory_space<hbm>> -> memref<80xi32, #tpu.memory_space<hbm>>
      %dma_start3A_209 = tpu.memref_slice %arg3[%add3A_207] : memref<320000xi32, #tpu.memory_space<hbm>> -> memref<80xi32, #tpu.memory_space<hbm>>
      tpu.enqueue_dma source(%dma_start3A_209 : memref<80xi32, #tpu.memory_space<hbm>>) target(%arg9 : memref<80xi32, #tpu.memory_space<vmem>>) target_semaphore(%arg19 : memref<!tpu.dma_semaphore, #tpu.memory_space<semaphore_mem>>)
      %dma_start3A_210 = tpu.memref_slice %arg4[%add3A_207] : memref<320000xi32, #tpu.memory_space<hbm>> -> memref<80xi32, #tpu.memory_space<hbm>>
      %dma_start3A_211 = tpu.memref_slice %arg4[%add3A_207] : memref<320000xi32, #tpu.memory_space<hbm>> -> memref<80xi32, #tpu.memory_space<hbm>>
      tpu.enqueue_dma source(%dma_start3A_211 : memref<80xi32, #tpu.memory_space<hbm>>) target(%arg12 : memref<80xi32, #tpu.memory_space<vmem>>) target_semaphore(%arg22 : memref<!tpu.dma_semaphore, #tpu.memory_space<semaphore_mem>>)
    }
    %scan3A_69 = arith.constant 41 : i32
    %dma_wait3A_70 = arith.constant 0 : i32
    %dma_wait3A_71 = arith.constant 0 : i32
    %dma_wait3A_72 = tpu.memref_slice %arg2[%dma_wait3A_70, %dma_wait3A_71] : memref<10000x128xf32, #tpu.memory_space<hbm>> -> memref<10000x128xf32, #tpu.memory_space<hbm>>
    tpu.wait_indirect_dma semaphore(%arg24 : memref<!tpu.dma_semaphore, #tpu.memory_space<semaphore_mem>>) src(%dma_wait3A_72 : memref<10000x128xf32, #tpu.memory_space<hbm>>) dst(%arg14 : memref<80x128xf32, #tpu.memory_space<vmem>>)
    %dma_start3A_73 = arith.constant 0 : i32
    %dma_start3A_74 = arith.constant 0 : i32
    %dma_start3A_75 = tpu.memref_slice %arg6[%dma_start3A_73, %dma_start3A_74] : memref<10000x128xf32, #tpu.memory_space<vmem_shared>> -> memref<10000x128xf32, #tpu.memory_space<vmem_shared>>
    tpu.enqueue_indirect_dma source(%arg14 : memref<80x128xf32, #tpu.memory_space<vmem>>) target(%dma_start3A_75 : memref<10000x128xf32, #tpu.memory_space<vmem_shared>>) offsets(%arg11 : memref<80xi32, #tpu.memory_space<vmem>>) semaphore(%arg27 : memref<!tpu.dma_semaphore, #tpu.memory_space<semaphore_mem>>) {add = true}
    %dma_wait3A_76 = arith.constant 0 : i32
    %dma_wait3A_77 = arith.constant 0 : i32
    %dma_wait3A_78 = tpu.memref_slice %arg6[%dma_wait3A_76, %dma_wait3A_77] : memref<10000x128xf32, #tpu.memory_space<vmem_shared>> -> memref<10000x128xf32, #tpu.memory_space<vmem_shared>>
    tpu.wait_indirect_dma semaphore(%arg26 : memref<!tpu.dma_semaphore, #tpu.memory_space<semaphore_mem>>) src(%arg13 : memref<80x128xf32, #tpu.memory_space<vmem>>) dst(%dma_wait3A_78 : memref<10000x128xf32, #tpu.memory_space<vmem_shared>>)
    %dma_wait3A_79 = arith.constant 0 : i32
    %dma_wait3A_80 = arith.constant 0 : i32
    %dma_wait3A_81 = tpu.memref_slice %arg6[%dma_wait3A_79, %dma_wait3A_80] : memref<10000x128xf32, #tpu.memory_space<vmem_shared>> -> memref<10000x128xf32, #tpu.memory_space<vmem_shared>>
    tpu.wait_indirect_dma semaphore(%arg27 : memref<!tpu.dma_semaphore, #tpu.memory_space<semaphore_mem>>) src(%arg14 : memref<80x128xf32, #tpu.memory_space<vmem>>) dst(%dma_wait3A_81 : memref<10000x128xf32, #tpu.memory_space<vmem_shared>>)
    %dma_wait3A_82 = arith.constant 0 : i32
    %dma_wait3A_83 = tpu.memref_slice %arg3[%dma_wait3A_82] : memref<320000xi32, #tpu.memory_space<hbm>> -> memref<80xi32, #tpu.memory_space<hbm>>
    %dma_wait3A_84 = arith.constant 0 : i32
    %dma_wait3A_85 = tpu.memref_slice %arg3[%dma_wait3A_84] : memref<320000xi32, #tpu.memory_space<hbm>> -> memref<80xi32, #tpu.memory_space<hbm>>
    tpu.wait_dma2 semaphore(%arg19 : memref<!tpu.dma_semaphore, #tpu.memory_space<semaphore_mem>>) src(%dma_wait3A_85 : memref<80xi32, #tpu.memory_space<hbm>>) dst(%arg9 : memref<80xi32, #tpu.memory_space<vmem>>)
    %dma_wait3A_86 = arith.constant 0 : i32
    %dma_wait3A_87 = tpu.memref_slice %arg4[%dma_wait3A_86] : memref<320000xi32, #tpu.memory_space<hbm>> -> memref<80xi32, #tpu.memory_space<hbm>>
    %dma_wait3A_88 = arith.constant 0 : i32
    %dma_wait3A_89 = tpu.memref_slice %arg4[%dma_wait3A_88] : memref<320000xi32, #tpu.memory_space<hbm>> -> memref<80xi32, #tpu.memory_space<hbm>>
    tpu.wait_dma2 semaphore(%arg22 : memref<!tpu.dma_semaphore, #tpu.memory_space<semaphore_mem>>) src(%dma_wait3A_89 : memref<80xi32, #tpu.memory_space<hbm>>) dst(%arg12 : memref<80xi32, #tpu.memory_space<vmem>>)
    %barrier3A_90 = arith.constant 0 : index
    tpu.barrier barrier_id(%barrier3A_90)
    %mul3A_91 = arith.constant 624 : i32
    %mul3A_92 = arith.muli %arg1, %mul3A_91 : i32
    %mul3A_93 = arith.constant 624 : i32
    %mul3A_94 = arith.muli %arg1, %mul3A_93 : i32
    "tpu.region"() ({
      %run_scoped3A = tpu.sem_alloc : memref<!tpu.dma_semaphore, #tpu.memory_space<semaphore_mem>>
      %dma_start3A_100 = arith.constant 0 : i32
      %dma_start3A_101 = tpu.memref_slice %arg5[%arg0, %mul3A_94, %dma_start3A_100] : memref<2x10000x128xf32, #tpu.memory_space<hbm>> -> memref<1x624x128xf32, #tpu.memory_space<hbm>>
      %dma_start3A_102 = tpu.memref_squeeze %dma_start3A_101 : memref<1x624x128xf32, #tpu.memory_space<hbm>> -> memref<624x128xf32, #tpu.memory_space<hbm>>
      %dma_start3A_103 = arith.constant 0 : i32
      %dma_start3A_104 = tpu.memref_slice %arg6[%mul3A_92, %dma_start3A_103] : memref<10000x128xf32, #tpu.memory_space<vmem_shared>> -> memref<624x128xf32, #tpu.memory_space<vmem_shared>>
      tpu.enqueue_dma source(%dma_start3A_104 : memref<624x128xf32, #tpu.memory_space<vmem_shared>>) target(%dma_start3A_102 : memref<624x128xf32, #tpu.memory_space<hbm>>) target_semaphore(%run_scoped3A : memref<!tpu.dma_semaphore, #tpu.memory_space<semaphore_mem>>)
      %dma_wait3A_105 = arith.constant 0 : i32
      %dma_wait3A_106 = tpu.memref_slice %arg5[%arg0, %mul3A_94, %dma_wait3A_105] : memref<2x10000x128xf32, #tpu.memory_space<hbm>> -> memref<1x624x128xf32, #tpu.memory_space<hbm>>
      %dma_wait3A_107 = tpu.memref_squeeze %dma_wait3A_106 : memref<1x624x128xf32, #tpu.memory_space<hbm>> -> memref<624x128xf32, #tpu.memory_space<hbm>>
      %dma_wait3A_108 = arith.constant 0 : i32
      %dma_wait3A_109 = tpu.memref_slice %arg6[%mul3A_92, %dma_wait3A_108] : memref<10000x128xf32, #tpu.memory_space<vmem_shared>> -> memref<624x128xf32, #tpu.memory_space<vmem_shared>>
      tpu.wait_dma2 semaphore(%run_scoped3A : memref<!tpu.dma_semaphore, #tpu.memory_space<semaphore_mem>>) src(%dma_wait3A_109 : memref<624x128xf32, #tpu.memory_space<vmem_shared>>) dst(%dma_wait3A_107 : memref<624x128xf32, #tpu.memory_space<hbm>>)
      tpu.yield
    }) : () -> ()
    %eq3A_95 = arith.constant 0 : i32
    %eq3A_96 = arith.cmpi eq, %arg1, %eq3A_95 : i32
    %convert_element_type3A_97 = arith.extui %eq3A_96 : i1 to i32
    %cond3A_98 = arith.constant 0 : i32
    %cond3A_99 = arith.cmpi ne, %convert_element_type3A_97, %cond3A_98 : i32
    scf.if %cond3A_99 {
      "tpu.region"() ({
        %run_scoped3A = tpu.sem_alloc : memref<!tpu.dma_semaphore, #tpu.memory_space<semaphore_mem>>
        %dma_start3A_100 = arith.constant 9984 : i32
        %dma_start3A_101 = arith.constant 0 : i32
        %dma_start3A_102 = tpu.memref_slice %arg5[%arg0, %dma_start3A_100, %dma_start3A_101] : memref<2x10000x128xf32, #tpu.memory_space<hbm>> -> memref<1x16x128xf32, #tpu.memory_space<hbm>>
        %dma_start3A_103 = tpu.memref_squeeze %dma_start3A_102 : memref<1x16x128xf32, #tpu.memory_space<hbm>> -> memref<16x128xf32, #tpu.memory_space<hbm>>
        %dma_start3A_104 = arith.constant 9984 : i32
        %dma_start3A_105 = arith.constant 0 : i32
        %dma_start3A_106 = tpu.memref_slice %arg6[%dma_start3A_104, %dma_start3A_105] : memref<10000x128xf32, #tpu.memory_space<vmem_shared>> -> memref<16x128xf32, #tpu.memory_space<vmem_shared>>
        tpu.enqueue_dma source(%dma_start3A_106 : memref<16x128xf32, #tpu.memory_space<vmem_shared>>) target(%dma_start3A_103 : memref<16x128xf32, #tpu.memory_space<hbm>>) target_semaphore(%run_scoped3A : memref<!tpu.dma_semaphore, #tpu.memory_space<semaphore_mem>>)
        %dma_wait3A_107 = arith.constant 9984 : i32
        %dma_wait3A_108 = arith.constant 0 : i32
        %dma_wait3A_109 = tpu.memref_slice %arg5[%arg0, %dma_wait3A_107, %dma_wait3A_108] : memref<2x10000x128xf32, #tpu.memory_space<hbm>> -> memref<1x16x128xf32, #tpu.memory_space<hbm>>
        %dma_wait3A_110 = tpu.memref_squeeze %dma_wait3A_109 : memref<1x16x128xf32, #tpu.memory_space<hbm>> -> memref<16x128xf32, #tpu.memory_space<hbm>>
        %dma_wait3A_111 = arith.constant 9984 : i32
        %dma_wait3A_112 = arith.constant 0 : i32
        %dma_wait3A_113 = tpu.memref_slice %arg6[%dma_wait3A_111, %dma_wait3A_112] : memref<10000x128xf32, #tpu.memory_space<vmem_shared>> -> memref<16x128xf32, #tpu.memory_space<vmem_shared>>
        tpu.wait_dma2 semaphore(%run_scoped3A : memref<!tpu.dma_semaphore, #tpu.memory_space<semaphore_mem>>) src(%dma_wait3A_113 : memref<16x128xf32, #tpu.memory_space<vmem_shared>>) dst(%dma_wait3A_110 : memref<16x128xf32, #tpu.memory_space<hbm>>)
        tpu.yield
      }) : () -> ()
    } else {
    }
    return
  }
}

module attributes {stable_mosaic.version = 14 : i64} {
  func.func @_tc_input_body(%arg0: memref<10000x128xf32, #tpu.memory_space<vmem>>, %arg1: memref<128x128xf32, #tpu.memory_space<vmem>>, %arg2: memref<1x128xf32, #tpu.memory_space<vmem>>, %arg3: memref<1x128xf32, #tpu.memory_space<vmem>>, %arg4: memref<1x128xf32, #tpu.memory_space<vmem>>, %arg5: memref<10000x128xf32, #tpu.memory_space<vmem>>) attributes {dimension_semantics = [], scalar_prefetch = 0 : i64, scratch_operands = 0 : i64, tpu.core_type = #tpu.core_type<tc>} {
    %get3A = arith.constant 0 : index
    %get3A_0 = arith.constant 0 : index
    %get3A_1 = vector.load %arg0[%get3A, %get3A_0] : memref<10000x128xf32, #tpu.memory_space<vmem>>, vector<2000x128xf32>
    %get3A_2 = arith.constant 0 : index
    %get3A_3 = arith.constant 0 : index
    %get3A_4 = vector.load %arg1[%get3A_2, %get3A_3] : memref<128x128xf32, #tpu.memory_space<vmem>>, vector<128x128xf32>
    %dot_general3A = arith.constant dense<0.000000e+00> : vector<2000x128xf32>
    %dot_general3A_5 = tpu.matmul %get3A_1, %get3A_4, %dot_general3A {dimension_numbers = #tpu.dot_dimension_numbers<[1], [1], [0], [0], [0, 0, 1, 0], [], []>, precision = #tpu.contract_precision<fp32>, transpose_lhs_hint = false} : vector<2000x128xf32>, vector<128x128xf32>, vector<2000x128xf32> -> vector<2000x128xf32>
    %get3A_6 = arith.constant 0 : index
    %get3A_7 = arith.constant 0 : index
    %get3A_8 = vector.load %arg2[%get3A_6, %get3A_7] : memref<1x128xf32, #tpu.memory_space<vmem>>, vector<1x128xf32>
    %add3A = vector.broadcast %get3A_8 : vector<1x128xf32> to vector<2000x128xf32>
    %add3A_9 = arith.addf %dot_general3A_5, %add3A : vector<2000x128xf32>
    %gt3A = arith.constant 0.000000e+00 : f32
    %gt3A_10 = vector.broadcast %gt3A : f32 to vector<2000x128xf32>
    %gt3A_11 = arith.cmpf ogt, %add3A_9, %gt3A_10 : vector<2000x128xf32>
    %mul3A = arith.constant 2.000000e-01 : f32
    %mul3A_12 = vector.broadcast %mul3A : f32 to vector<2000x128xf32>
    %mul3A_13 = arith.mulf %mul3A_12, %add3A_9 : vector<2000x128xf32>
    %select_n3A = arith.select %gt3A_11, %add3A_9, %mul3A_13 : vector<2000x128xi1>, vector<2000x128xf32>
    %swap3A = arith.constant 0 : index
    %swap3A_14 = arith.constant 0 : index
    %swap3A_15 = vector.load %arg5[%swap3A, %swap3A_14] : memref<10000x128xf32, #tpu.memory_space<vmem>>, vector<2000x128xf32>
    tpu.vector_store %arg5[%swap3A, %swap3A_14], %select_n3A {strides = array<i32>} : memref<10000x128xf32, #tpu.memory_space<vmem>>, vector<2000x128xf32>,
    %get3A_16 = arith.constant 2000 : index
    %get3A_17 = arith.constant 0 : index
    %get3A_18 = vector.load %arg0[%get3A_16, %get3A_17] : memref<10000x128xf32, #tpu.memory_space<vmem>>, vector<2000x128xf32>
    %get3A_19 = arith.constant 0 : index
    %get3A_20 = arith.constant 0 : index
    %get3A_21 = vector.load %arg1[%get3A_19, %get3A_20] : memref<128x128xf32, #tpu.memory_space<vmem>>, vector<128x128xf32>
    %dot_general3A_22 = arith.constant dense<0.000000e+00> : vector<2000x128xf32>
    %dot_general3A_23 = tpu.matmul %get3A_18, %get3A_21, %dot_general3A_22 {dimension_numbers = #tpu.dot_dimension_numbers<[1], [1], [0], [0], [0, 0, 1, 0], [], []>, precision = #tpu.contract_precision<fp32>, transpose_lhs_hint = false} : vector<2000x128xf32>, vector<128x128xf32>, vector<2000x128xf32> -> vector<2000x128xf32>
    %get3A_24 = arith.constant 0 : index
    %get3A_25 = arith.constant 0 : index
    %get3A_26 = vector.load %arg2[%get3A_24, %get3A_25] : memref<1x128xf32, #tpu.memory_space<vmem>>, vector<1x128xf32>
    %add3A_27 = vector.broadcast %get3A_26 : vector<1x128xf32> to vector<2000x128xf32>
    %add3A_28 = arith.addf %dot_general3A_23, %add3A_27 : vector<2000x128xf32>
    %gt3A_29 = arith.constant 0.000000e+00 : f32
    %gt3A_30 = vector.broadcast %gt3A_29 : f32 to vector<2000x128xf32>
    %gt3A_31 = arith.cmpf ogt, %add3A_28, %gt3A_30 : vector<2000x128xf32>
    %mul3A_32 = arith.constant 2.000000e-01 : f32
    %mul3A_33 = vector.broadcast %mul3A_32 : f32 to vector<2000x128xf32>
    %mul3A_34 = arith.mulf %mul3A_33, %add3A_28 : vector<2000x128xf32>
    %select_n3A_35 = arith.select %gt3A_31, %add3A_28, %mul3A_34 : vector<2000x128xi1>, vector<2000x128xf32>
    %swap3A_36 = arith.constant 2000 : index
    %swap3A_37 = arith.constant 0 : index
    %swap3A_38 = vector.load %arg5[%swap3A_36, %swap3A_37] : memref<10000x128xf32, #tpu.memory_space<vmem>>, vector<2000x128xf32>
    tpu.vector_store %arg5[%swap3A_36, %swap3A_37], %select_n3A_35 {strides = array<i32>} : memref<10000x128xf32, #tpu.memory_space<vmem>>, vector<2000x128xf32>,
    %get3A_39 = arith.constant 4000 : index
    %get3A_40 = arith.constant 0 : index
    %get3A_41 = vector.load %arg0[%get3A_39, %get3A_40] : memref<10000x128xf32, #tpu.memory_space<vmem>>, vector<2000x128xf32>
    %get3A_42 = arith.constant 0 : index
    %get3A_43 = arith.constant 0 : index
    %get3A_44 = vector.load %arg1[%get3A_42, %get3A_43] : memref<128x128xf32, #tpu.memory_space<vmem>>, vector<128x128xf32>
    %dot_general3A_45 = arith.constant dense<0.000000e+00> : vector<2000x128xf32>
    %dot_general3A_46 = tpu.matmul %get3A_41, %get3A_44, %dot_general3A_45 {dimension_numbers = #tpu.dot_dimension_numbers<[1], [1], [0], [0], [0, 0, 1, 0], [], []>, precision = #tpu.contract_precision<fp32>, transpose_lhs_hint = false} : vector<2000x128xf32>, vector<128x128xf32>, vector<2000x128xf32> -> vector<2000x128xf32>
    %get3A_47 = arith.constant 0 : index
    %get3A_48 = arith.constant 0 : index
    %get3A_49 = vector.load %arg2[%get3A_47, %get3A_48] : memref<1x128xf32, #tpu.memory_space<vmem>>, vector<1x128xf32>
    %add3A_50 = vector.broadcast %get3A_49 : vector<1x128xf32> to vector<2000x128xf32>
    %add3A_51 = arith.addf %dot_general3A_46, %add3A_50 : vector<2000x128xf32>
    %gt3A_52 = arith.constant 0.000000e+00 : f32
    %gt3A_53 = vector.broadcast %gt3A_52 : f32 to vector<2000x128xf32>
    %gt3A_54 = arith.cmpf ogt, %add3A_51, %gt3A_53 : vector<2000x128xf32>
    %mul3A_55 = arith.constant 2.000000e-01 : f32
    %mul3A_56 = vector.broadcast %mul3A_55 : f32 to vector<2000x128xf32>
    %mul3A_57 = arith.mulf %mul3A_56, %add3A_51 : vector<2000x128xf32>
    %select_n3A_58 = arith.select %gt3A_54, %add3A_51, %mul3A_57 : vector<2000x128xi1>, vector<2000x128xf32>
    %swap3A_59 = arith.constant 4000 : index
    %swap3A_60 = arith.constant 0 : index
    %swap3A_61 = vector.load %arg5[%swap3A_59, %swap3A_60] : memref<10000x128xf32, #tpu.memory_space<vmem>>, vector<2000x128xf32>
    tpu.vector_store %arg5[%swap3A_59, %swap3A_60], %select_n3A_58 {strides = array<i32>} : memref<10000x128xf32, #tpu.memory_space<vmem>>, vector<2000x128xf32>,
    %get3A_62 = arith.constant 6000 : index
    %get3A_63 = arith.constant 0 : index
    %get3A_64 = vector.load %arg0[%get3A_62, %get3A_63] : memref<10000x128xf32, #tpu.memory_space<vmem>>, vector<2000x128xf32>
    %get3A_65 = arith.constant 0 : index
    %get3A_66 = arith.constant 0 : index
    %get3A_67 = vector.load %arg1[%get3A_65, %get3A_66] : memref<128x128xf32, #tpu.memory_space<vmem>>, vector<128x128xf32>
    %dot_general3A_68 = arith.constant dense<0.000000e+00> : vector<2000x128xf32>
    %dot_general3A_69 = tpu.matmul %get3A_64, %get3A_67, %dot_general3A_68 {dimension_numbers = #tpu.dot_dimension_numbers<[1], [1], [0], [0], [0, 0, 1, 0], [], []>, precision = #tpu.contract_precision<fp32>, transpose_lhs_hint = false} : vector<2000x128xf32>, vector<128x128xf32>, vector<2000x128xf32> -> vector<2000x128xf32>
    %get3A_70 = arith.constant 0 : index
    %get3A_71 = arith.constant 0 : index
    %get3A_72 = vector.load %arg2[%get3A_70, %get3A_71] : memref<1x128xf32, #tpu.memory_space<vmem>>, vector<1x128xf32>
    %add3A_73 = vector.broadcast %get3A_72 : vector<1x128xf32> to vector<2000x128xf32>
    %add3A_74 = arith.addf %dot_general3A_69, %add3A_73 : vector<2000x128xf32>
    %gt3A_75 = arith.constant 0.000000e+00 : f32
    %gt3A_76 = vector.broadcast %gt3A_75 : f32 to vector<2000x128xf32>
    %gt3A_77 = arith.cmpf ogt, %add3A_74, %gt3A_76 : vector<2000x128xf32>
    %mul3A_78 = arith.constant 2.000000e-01 : f32
    %mul3A_79 = vector.broadcast %mul3A_78 : f32 to vector<2000x128xf32>
    %mul3A_80 = arith.mulf %mul3A_79, %add3A_74 : vector<2000x128xf32>
    %select_n3A_81 = arith.select %gt3A_77, %add3A_74, %mul3A_80 : vector<2000x128xi1>, vector<2000x128xf32>
    %swap3A_82 = arith.constant 6000 : index
    %swap3A_83 = arith.constant 0 : index
    %swap3A_84 = vector.load %arg5[%swap3A_82, %swap3A_83] : memref<10000x128xf32, #tpu.memory_space<vmem>>, vector<2000x128xf32>
    tpu.vector_store %arg5[%swap3A_82, %swap3A_83], %select_n3A_81 {strides = array<i32>} : memref<10000x128xf32, #tpu.memory_space<vmem>>, vector<2000x128xf32>,
    %get3A_85 = arith.constant 8000 : index
    %get3A_86 = arith.constant 0 : index
    %get3A_87 = vector.load %arg0[%get3A_85, %get3A_86] : memref<10000x128xf32, #tpu.memory_space<vmem>>, vector<2000x128xf32>
    %get3A_88 = arith.constant 0 : index
    %get3A_89 = arith.constant 0 : index
    %get3A_90 = vector.load %arg1[%get3A_88, %get3A_89] : memref<128x128xf32, #tpu.memory_space<vmem>>, vector<128x128xf32>
    %dot_general3A_91 = arith.constant dense<0.000000e+00> : vector<2000x128xf32>
    %dot_general3A_92 = tpu.matmul %get3A_87, %get3A_90, %dot_general3A_91 {dimension_numbers = #tpu.dot_dimension_numbers<[1], [1], [0], [0], [0, 0, 1, 0], [], []>, precision = #tpu.contract_precision<fp32>, transpose_lhs_hint = false} : vector<2000x128xf32>, vector<128x128xf32>, vector<2000x128xf32> -> vector<2000x128xf32>
    %get3A_93 = arith.constant 0 : index
    %get3A_94 = arith.constant 0 : index
    %get3A_95 = vector.load %arg2[%get3A_93, %get3A_94] : memref<1x128xf32, #tpu.memory_space<vmem>>, vector<1x128xf32>
    %add3A_96 = vector.broadcast %get3A_95 : vector<1x128xf32> to vector<2000x128xf32>
    %add3A_97 = arith.addf %dot_general3A_92, %add3A_96 : vector<2000x128xf32>
    %gt3A_98 = arith.constant 0.000000e+00 : f32
    %gt3A_99 = vector.broadcast %gt3A_98 : f32 to vector<2000x128xf32>
    %gt3A_100 = arith.cmpf ogt, %add3A_97, %gt3A_99 : vector<2000x128xf32>
    %mul3A_101 = arith.constant 2.000000e-01 : f32
    %mul3A_102 = vector.broadcast %mul3A_101 : f32 to vector<2000x128xf32>
    %mul3A_103 = arith.mulf %mul3A_102, %add3A_97 : vector<2000x128xf32>
    %select_n3A_104 = arith.select %gt3A_100, %add3A_97, %mul3A_103 : vector<2000x128xi1>, vector<2000x128xf32>
    %swap3A_105 = arith.constant 8000 : index
    %swap3A_106 = arith.constant 0 : index
    %swap3A_107 = vector.load %arg5[%swap3A_105, %swap3A_106] : memref<10000x128xf32, #tpu.memory_space<vmem>>, vector<2000x128xf32>
    tpu.vector_store %arg5[%swap3A_105, %swap3A_106], %select_n3A_104 {strides = array<i32>} : memref<10000x128xf32, #tpu.memory_space<vmem>>, vector<2000x128xf32>,
    %broadcast_in_dim3A = arith.constant 0.000000e+00 : f32
    %broadcast_in_dim3A_108 = vector.broadcast %broadcast_in_dim3A : f32 to vector<1x128xf32>
    %broadcast_in_dim3A_109 = arith.constant 0.000000e+00 : f32
    %broadcast_in_dim3A_110 = vector.broadcast %broadcast_in_dim3A_109 : f32 to vector<1x128xf32>
    %get3A_111 = arith.constant 0 : index
    %get3A_112 = arith.constant 0 : index
    %get3A_113 = vector.load %arg5[%get3A_111, %get3A_112] : memref<10000x128xf32, #tpu.memory_space<vmem>>, vector<2000x128xf32>
    %reduce_sum3A = arith.constant dense<0.000000e+00> : vector<128xf32>
    %reduce_sum3A_114 = vector.multi_reduction <add>, %get3A_113, %reduce_sum3A [0] : vector<2000x128xf32> to vector<128xf32>
    %broadcast_in_dim3A_115 = vector.shape_cast %reduce_sum3A_114 : vector<128xf32> to vector<1x128xf32>
    %add3A_116 = arith.addf %broadcast_in_dim3A_108, %broadcast_in_dim3A_115 : vector<1x128xf32>
    %mul3A_117 = arith.mulf %get3A_113, %get3A_113 : vector<2000x128xf32>
    %reduce_sum3A_118 = arith.constant dense<0.000000e+00> : vector<128xf32>
    %reduce_sum3A_119 = vector.multi_reduction <add>, %mul3A_117, %reduce_sum3A_118 [0] : vector<2000x128xf32> to vector<128xf32>
    %broadcast_in_dim3A_120 = vector.shape_cast %reduce_sum3A_119 : vector<128xf32> to vector<1x128xf32>
    %add3A_121 = arith.addf %broadcast_in_dim3A_110, %broadcast_in_dim3A_120 : vector<1x128xf32>
    %get3A_122 = arith.constant 2000 : index
    %get3A_123 = arith.constant 0 : index
    %get3A_124 = vector.load %arg5[%get3A_122, %get3A_123] : memref<10000x128xf32, #tpu.memory_space<vmem>>, vector<2000x128xf32>
    %reduce_sum3A_125 = arith.constant dense<0.000000e+00> : vector<128xf32>
    %reduce_sum3A_126 = vector.multi_reduction <add>, %get3A_124, %reduce_sum3A_125 [0] : vector<2000x128xf32> to vector<128xf32>
    %broadcast_in_dim3A_127 = vector.shape_cast %reduce_sum3A_126 : vector<128xf32> to vector<1x128xf32>
    %add3A_128 = arith.addf %add3A_116, %broadcast_in_dim3A_127 : vector<1x128xf32>
    %mul3A_129 = arith.mulf %get3A_124, %get3A_124 : vector<2000x128xf32>
    %reduce_sum3A_130 = arith.constant dense<0.000000e+00> : vector<128xf32>
    %reduce_sum3A_131 = vector.multi_reduction <add>, %mul3A_129, %reduce_sum3A_130 [0] : vector<2000x128xf32> to vector<128xf32>
    %broadcast_in_dim3A_132 = vector.shape_cast %reduce_sum3A_131 : vector<128xf32> to vector<1x128xf32>
    %add3A_133 = arith.addf %add3A_121, %broadcast_in_dim3A_132 : vector<1x128xf32>
    %get3A_134 = arith.constant 4000 : index
    %get3A_135 = arith.constant 0 : index
    %get3A_136 = vector.load %arg5[%get3A_134, %get3A_135] : memref<10000x128xf32, #tpu.memory_space<vmem>>, vector<2000x128xf32>
    %reduce_sum3A_137 = arith.constant dense<0.000000e+00> : vector<128xf32>
    %reduce_sum3A_138 = vector.multi_reduction <add>, %get3A_136, %reduce_sum3A_137 [0] : vector<2000x128xf32> to vector<128xf32>
    %broadcast_in_dim3A_139 = vector.shape_cast %reduce_sum3A_138 : vector<128xf32> to vector<1x128xf32>
    %add3A_140 = arith.addf %add3A_128, %broadcast_in_dim3A_139 : vector<1x128xf32>
    %mul3A_141 = arith.mulf %get3A_136, %get3A_136 : vector<2000x128xf32>
    %reduce_sum3A_142 = arith.constant dense<0.000000e+00> : vector<128xf32>
    %reduce_sum3A_143 = vector.multi_reduction <add>, %mul3A_141, %reduce_sum3A_142 [0] : vector<2000x128xf32> to vector<128xf32>
    %broadcast_in_dim3A_144 = vector.shape_cast %reduce_sum3A_143 : vector<128xf32> to vector<1x128xf32>
    %add3A_145 = arith.addf %add3A_133, %broadcast_in_dim3A_144 : vector<1x128xf32>
    %get3A_146 = arith.constant 6000 : index
    %get3A_147 = arith.constant 0 : index
    %get3A_148 = vector.load %arg5[%get3A_146, %get3A_147] : memref<10000x128xf32, #tpu.memory_space<vmem>>, vector<2000x128xf32>
    %reduce_sum3A_149 = arith.constant dense<0.000000e+00> : vector<128xf32>
    %reduce_sum3A_150 = vector.multi_reduction <add>, %get3A_148, %reduce_sum3A_149 [0] : vector<2000x128xf32> to vector<128xf32>
    %broadcast_in_dim3A_151 = vector.shape_cast %reduce_sum3A_150 : vector<128xf32> to vector<1x128xf32>
    %add3A_152 = arith.addf %add3A_140, %broadcast_in_dim3A_151 : vector<1x128xf32>
    %mul3A_153 = arith.mulf %get3A_148, %get3A_148 : vector<2000x128xf32>
    %reduce_sum3A_154 = arith.constant dense<0.000000e+00> : vector<128xf32>
    %reduce_sum3A_155 = vector.multi_reduction <add>, %mul3A_153, %reduce_sum3A_154 [0] : vector<2000x128xf32> to vector<128xf32>
    %broadcast_in_dim3A_156 = vector.shape_cast %reduce_sum3A_155 : vector<128xf32> to vector<1x128xf32>
    %add3A_157 = arith.addf %add3A_145, %broadcast_in_dim3A_156 : vector<1x128xf32>
    %get3A_158 = arith.constant 8000 : index
    %get3A_159 = arith.constant 0 : index
    %get3A_160 = vector.load %arg5[%get3A_158, %get3A_159] : memref<10000x128xf32, #tpu.memory_space<vmem>>, vector<2000x128xf32>
    %reduce_sum3A_161 = arith.constant dense<0.000000e+00> : vector<128xf32>
    %reduce_sum3A_162 = vector.multi_reduction <add>, %get3A_160, %reduce_sum3A_161 [0] : vector<2000x128xf32> to vector<128xf32>
    %broadcast_in_dim3A_163 = vector.shape_cast %reduce_sum3A_162 : vector<128xf32> to vector<1x128xf32>
    %add3A_164 = arith.addf %add3A_152, %broadcast_in_dim3A_163 : vector<1x128xf32>
    %mul3A_165 = arith.mulf %get3A_160, %get3A_160 : vector<2000x128xf32>
    %reduce_sum3A_166 = arith.constant dense<0.000000e+00> : vector<128xf32>
    %reduce_sum3A_167 = vector.multi_reduction <add>, %mul3A_165, %reduce_sum3A_166 [0] : vector<2000x128xf32> to vector<128xf32>
    %broadcast_in_dim3A_168 = vector.shape_cast %reduce_sum3A_167 : vector<128xf32> to vector<1x128xf32>
    %add3A_169 = arith.addf %add3A_157, %broadcast_in_dim3A_168 : vector<1x128xf32>
    %div3A = arith.constant 1.000000e+04 : f32
    %div3A_170 = vector.broadcast %div3A : f32 to vector<1x128xf32>
    %div3A_171 = arith.divf %add3A_164, %div3A_170 : vector<1x128xf32>
    %div3A_172 = arith.constant 1.000000e+04 : f32
    %div3A_173 = vector.broadcast %div3A_172 : f32 to vector<1x128xf32>
    %div3A_174 = arith.divf %add3A_169, %div3A_173 : vector<1x128xf32>
    %mul3A_175 = arith.mulf %div3A_171, %div3A_171 : vector<1x128xf32>
    %sub3A = arith.subf %div3A_174, %mul3A_175 : vector<1x128xf32>
    %add3A_176 = arith.constant 9.99999974E-6 : f32
    %add3A_177 = vector.broadcast %add3A_176 : f32 to vector<1x128xf32>
    %add3A_178 = arith.addf %sub3A, %add3A_177 : vector<1x128xf32>
    %rsqrt3A = math.rsqrt %add3A_178 : vector<1x128xf32>
    %get3A_179 = arith.constant 0 : index
    %get3A_180 = arith.constant 0 : index
    %get3A_181 = vector.load %arg3[%get3A_179, %get3A_180] : memref<1x128xf32, #tpu.memory_space<vmem>>, vector<1x128xf32>
    %get3A_182 = arith.constant 0 : index
    %get3A_183 = arith.constant 0 : index
    %get3A_184 = vector.load %arg5[%get3A_182, %get3A_183] : memref<10000x128xf32, #tpu.memory_space<vmem>>, vector<2000x128xf32>
    %sub3A_185 = vector.broadcast %div3A_171 : vector<1x128xf32> to vector<2000x128xf32>
    %sub3A_186 = arith.subf %get3A_184, %sub3A_185 : vector<2000x128xf32>
    %mul3A_187 = vector.broadcast %get3A_181 : vector<1x128xf32> to vector<2000x128xf32>
    %mul3A_188 = arith.mulf %mul3A_187, %sub3A_186 : vector<2000x128xf32>
    %mul3A_189 = vector.broadcast %rsqrt3A : vector<1x128xf32> to vector<2000x128xf32>
    %mul3A_190 = arith.mulf %mul3A_188, %mul3A_189 : vector<2000x128xf32>
    %get3A_191 = arith.constant 0 : index
    %get3A_192 = arith.constant 0 : index
    %get3A_193 = vector.load %arg4[%get3A_191, %get3A_192] : memref<1x128xf32, #tpu.memory_space<vmem>>, vector<1x128xf32>
    %add3A_194 = vector.broadcast %get3A_193 : vector<1x128xf32> to vector<2000x128xf32>
    %add3A_195 = arith.addf %mul3A_190, %add3A_194 : vector<2000x128xf32>
    %swap3A_196 = arith.constant 0 : index
    %swap3A_197 = arith.constant 0 : index
    %swap3A_198 = vector.load %arg5[%swap3A_196, %swap3A_197] : memref<10000x128xf32, #tpu.memory_space<vmem>>, vector<2000x128xf32>
    tpu.vector_store %arg5[%swap3A_196, %swap3A_197], %add3A_195 {strides = array<i32>} : memref<10000x128xf32, #tpu.memory_space<vmem>>, vector<2000x128xf32>,
    %get3A_199 = arith.constant 0 : index
    %get3A_200 = arith.constant 0 : index
    %get3A_201 = vector.load %arg3[%get3A_199, %get3A_200] : memref<1x128xf32, #tpu.memory_space<vmem>>, vector<1x128xf32>
    %get3A_202 = arith.constant 2000 : index
    %get3A_203 = arith.constant 0 : index
    %get3A_204 = vector.load %arg5[%get3A_202, %get3A_203] : memref<10000x128xf32, #tpu.memory_space<vmem>>, vector<2000x128xf32>
    %sub3A_205 = vector.broadcast %div3A_171 : vector<1x128xf32> to vector<2000x128xf32>
    %sub3A_206 = arith.subf %get3A_204, %sub3A_205 : vector<2000x128xf32>
    %mul3A_207 = vector.broadcast %get3A_201 : vector<1x128xf32> to vector<2000x128xf32>
    %mul3A_208 = arith.mulf %mul3A_207, %sub3A_206 : vector<2000x128xf32>
    %mul3A_209 = vector.broadcast %rsqrt3A : vector<1x128xf32> to vector<2000x128xf32>
    %mul3A_210 = arith.mulf %mul3A_208, %mul3A_209 : vector<2000x128xf32>
    %get3A_211 = arith.constant 0 : index
    %get3A_212 = arith.constant 0 : index
    %get3A_213 = vector.load %arg4[%get3A_211, %get3A_212] : memref<1x128xf32, #tpu.memory_space<vmem>>, vector<1x128xf32>
    %add3A_214 = vector.broadcast %get3A_213 : vector<1x128xf32> to vector<2000x128xf32>
    %add3A_215 = arith.addf %mul3A_210, %add3A_214 : vector<2000x128xf32>
    %swap3A_216 = arith.constant 2000 : index
    %swap3A_217 = arith.constant 0 : index
    %swap3A_218 = vector.load %arg5[%swap3A_216, %swap3A_217] : memref<10000x128xf32, #tpu.memory_space<vmem>>, vector<2000x128xf32>
    tpu.vector_store %arg5[%swap3A_216, %swap3A_217], %add3A_215 {strides = array<i32>} : memref<10000x128xf32, #tpu.memory_space<vmem>>, vector<2000x128xf32>,
    %get3A_219 = arith.constant 0 : index
    %get3A_220 = arith.constant 0 : index
    %get3A_221 = vector.load %arg3[%get3A_219, %get3A_220] : memref<1x128xf32, #tpu.memory_space<vmem>>, vector<1x128xf32>
    %get3A_222 = arith.constant 4000 : index
    %get3A_223 = arith.constant 0 : index
    %get3A_224 = vector.load %arg5[%get3A_222, %get3A_223] : memref<10000x128xf32, #tpu.memory_space<vmem>>, vector<2000x128xf32>
    %sub3A_225 = vector.broadcast %div3A_171 : vector<1x128xf32> to vector<2000x128xf32>
    %sub3A_226 = arith.subf %get3A_224, %sub3A_225 : vector<2000x128xf32>
    %mul3A_227 = vector.broadcast %get3A_221 : vector<1x128xf32> to vector<2000x128xf32>
    %mul3A_228 = arith.mulf %mul3A_227, %sub3A_226 : vector<2000x128xf32>
    %mul3A_229 = vector.broadcast %rsqrt3A : vector<1x128xf32> to vector<2000x128xf32>
    %mul3A_230 = arith.mulf %mul3A_228, %mul3A_229 : vector<2000x128xf32>
    %get3A_231 = arith.constant 0 : index
    %get3A_232 = arith.constant 0 : index
    %get3A_233 = vector.load %arg4[%get3A_231, %get3A_232] : memref<1x128xf32, #tpu.memory_space<vmem>>, vector<1x128xf32>
    %add3A_234 = vector.broadcast %get3A_233 : vector<1x128xf32> to vector<2000x128xf32>
    %add3A_235 = arith.addf %mul3A_230, %add3A_234 : vector<2000x128xf32>
    %swap3A_236 = arith.constant 4000 : index
    %swap3A_237 = arith.constant 0 : index
    %swap3A_238 = vector.load %arg5[%swap3A_236, %swap3A_237] : memref<10000x128xf32, #tpu.memory_space<vmem>>, vector<2000x128xf32>
    tpu.vector_store %arg5[%swap3A_236, %swap3A_237], %add3A_235 {strides = array<i32>} : memref<10000x128xf32, #tpu.memory_space<vmem>>, vector<2000x128xf32>,
    %get3A_239 = arith.constant 0 : index
    %get3A_240 = arith.constant 0 : index
    %get3A_241 = vector.load %arg3[%get3A_239, %get3A_240] : memref<1x128xf32, #tpu.memory_space<vmem>>, vector<1x128xf32>
    %get3A_242 = arith.constant 6000 : index
    %get3A_243 = arith.constant 0 : index
    %get3A_244 = vector.load %arg5[%get3A_242, %get3A_243] : memref<10000x128xf32, #tpu.memory_space<vmem>>, vector<2000x128xf32>
    %sub3A_245 = vector.broadcast %div3A_171 : vector<1x128xf32> to vector<2000x128xf32>
    %sub3A_246 = arith.subf %get3A_244, %sub3A_245 : vector<2000x128xf32>
    %mul3A_247 = vector.broadcast %get3A_241 : vector<1x128xf32> to vector<2000x128xf32>
    %mul3A_248 = arith.mulf %mul3A_247, %sub3A_246 : vector<2000x128xf32>
    %mul3A_249 = vector.broadcast %rsqrt3A : vector<1x128xf32> to vector<2000x128xf32>
    %mul3A_250 = arith.mulf %mul3A_248, %mul3A_249 : vector<2000x128xf32>
    %get3A_251 = arith.constant 0 : index
    %get3A_252 = arith.constant 0 : index
    %get3A_253 = vector.load %arg4[%get3A_251, %get3A_252] : memref<1x128xf32, #tpu.memory_space<vmem>>, vector<1x128xf32>
    %add3A_254 = vector.broadcast %get3A_253 : vector<1x128xf32> to vector<2000x128xf32>
    %add3A_255 = arith.addf %mul3A_250, %add3A_254 : vector<2000x128xf32>
    %swap3A_256 = arith.constant 6000 : index
    %swap3A_257 = arith.constant 0 : index
    %swap3A_258 = vector.load %arg5[%swap3A_256, %swap3A_257] : memref<10000x128xf32, #tpu.memory_space<vmem>>, vector<2000x128xf32>
    tpu.vector_store %arg5[%swap3A_256, %swap3A_257], %add3A_255 {strides = array<i32>} : memref<10000x128xf32, #tpu.memory_space<vmem>>, vector<2000x128xf32>,
    %get3A_259 = arith.constant 0 : index
    %get3A_260 = arith.constant 0 : index
    %get3A_261 = vector.load %arg3[%get3A_259, %get3A_260] : memref<1x128xf32, #tpu.memory_space<vmem>>, vector<1x128xf32>
    %get3A_262 = arith.constant 8000 : index
    %get3A_263 = arith.constant 0 : index
    %get3A_264 = vector.load %arg5[%get3A_262, %get3A_263] : memref<10000x128xf32, #tpu.memory_space<vmem>>, vector<2000x128xf32>
    %sub3A_265 = vector.broadcast %div3A_171 : vector<1x128xf32> to vector<2000x128xf32>
    %sub3A_266 = arith.subf %get3A_264, %sub3A_265 : vector<2000x128xf32>
    %mul3A_267 = vector.broadcast %get3A_261 : vector<1x128xf32> to vector<2000x128xf32>
    %mul3A_268 = arith.mulf %mul3A_267, %sub3A_266 : vector<2000x128xf32>
    %mul3A_269 = vector.broadcast %rsqrt3A : vector<1x128xf32> to vector<2000x128xf32>
    %mul3A_270 = arith.mulf %mul3A_268, %mul3A_269 : vector<2000x128xf32>
    %get3A_271 = arith.constant 0 : index
    %get3A_272 = arith.constant 0 : index
    %get3A_273 = vector.load %arg4[%get3A_271, %get3A_272] : memref<1x128xf32, #tpu.memory_space<vmem>>, vector<1x128xf32>
    %add3A_274 = vector.broadcast %get3A_273 : vector<1x128xf32> to vector<2000x128xf32>
    %add3A_275 = arith.addf %mul3A_270, %add3A_274 : vector<2000x128xf32>
    %swap3A_276 = arith.constant 8000 : index
    %swap3A_277 = arith.constant 0 : index
    %swap3A_278 = vector.load %arg5[%swap3A_276, %swap3A_277] : memref<10000x128xf32, #tpu.memory_space<vmem>>, vector<2000x128xf32>
    tpu.vector_store %arg5[%swap3A_276, %swap3A_277], %add3A_275 {strides = array<i32>} : memref<10000x128xf32, #tpu.memory_space<vmem>>, vector<2000x128xf32>,
    return
  }
}

module attributes {stable_mosaic.version = 14 : i64} {
  func.func @_tc_combine1_body(%arg0: memref<2x10000x128xf32, #tpu.memory_space<vmem>>, %arg1: memref<32x10000xf32, #tpu.memory_space<vmem>>, %arg2: memref<10000x128xf32, #tpu.memory_space<vmem>>, %arg3: memref<128x128xf32, #tpu.memory_space<vmem>>, %arg4: memref<1x128xf32, #tpu.memory_space<vmem>>, %arg5: memref<128x128xf32, #tpu.memory_space<vmem>>, %arg6: memref<10000x128xf32, #tpu.memory_space<vmem>>, %arg7: memref<10000x1xf32, #tpu.memory_space<vmem>>) attributes {dimension_semantics = [], scalar_prefetch = 0 : i64, scratch_operands = 0 : i64, tpu.core_type = #tpu.core_type<tc>} {
    %get3A = arith.constant 0 : index
    %get3A_0 = arith.constant 0 : index
    %get3A_1 = vector.load %arg1[%get3A, %get3A_0] : memref<32x10000xf32, #tpu.memory_space<vmem>>, vector<32x10000xf32>
    %reduce_sum3A = arith.constant dense<0.000000e+00> : vector<10000xf32>
    %reduce_sum3A_2 = vector.multi_reduction <add>, %get3A_1, %reduce_sum3A [0] : vector<32x10000xf32> to vector<10000xf32>
    %jit3A = arith.constant 1.000000e+00 : f32
    %max3A = vector.broadcast %jit3A : f32 to vector<10000xf32>
    %max3A_3 = arith.maximumf %max3A, %reduce_sum3A_2 : vector<10000xf32>
    %broadcast_in_dim3A = vector.shape_cast %max3A_3 : vector<10000xf32> to vector<10000x1xf32>
    %swap3A = arith.constant 0 : index
    %swap3A_4 = arith.constant 0 : index
    %swap3A_5 = vector.load %arg7[%swap3A, %swap3A_4] : memref<10000x1xf32, #tpu.memory_space<vmem>>, vector<10000x1xf32>
    tpu.vector_store %arg7[%swap3A, %swap3A_4], %broadcast_in_dim3A {strides = array<i32>} : memref<10000x1xf32, #tpu.memory_space<vmem>>, vector<10000x1xf32>,
    %get3A_6 = arith.constant 0 : index
    %get3A_7 = arith.constant 0 : index
    %get3A_8 = arith.constant 0 : index
    %get3A_9 = vector.load %arg0[%get3A_6, %get3A_7, %get3A_8] : memref<2x10000x128xf32, #tpu.memory_space<vmem>>, vector<1x2000x128xf32>
    %get3A_10 = vector.shape_cast %get3A_9 : vector<1x2000x128xf32> to vector<2000x128xf32>
    %get3A_11 = arith.constant 1 : index
    %get3A_12 = arith.constant 0 : index
    %get3A_13 = arith.constant 0 : index
    %get3A_14 = vector.load %arg0[%get3A_11, %get3A_12, %get3A_13] : memref<2x10000x128xf32, #tpu.memory_space<vmem>>, vector<1x2000x128xf32>
    %get3A_15 = vector.shape_cast %get3A_14 : vector<1x2000x128xf32> to vector<2000x128xf32>
    %add3A = arith.addf %get3A_10, %get3A_15 : vector<2000x128xf32>
    %get3A_16 = arith.constant 0 : index
    %get3A_17 = arith.constant 0 : index
    %get3A_18 = vector.load %arg7[%get3A_16, %get3A_17] : memref<10000x1xf32, #tpu.memory_space<vmem>>, vector<2000x1xf32>
    %div3A = vector.broadcast %get3A_18 : vector<2000x1xf32> to vector<2000x128xf32>
    %div3A_19 = arith.divf %add3A, %div3A : vector<2000x128xf32>
    %get3A_20 = arith.constant 0 : index
    %get3A_21 = arith.constant 0 : index
    %get3A_22 = vector.load %arg3[%get3A_20, %get3A_21] : memref<128x128xf32, #tpu.memory_space<vmem>>, vector<128x128xf32>
    %dot_general3A = arith.constant dense<0.000000e+00> : vector<2000x128xf32>
    %dot_general3A_23 = tpu.matmul %div3A_19, %get3A_22, %dot_general3A {dimension_numbers = #tpu.dot_dimension_numbers<[1], [1], [0], [0], [0, 0, 1, 0], [], []>, precision = #tpu.contract_precision<fp32>, transpose_lhs_hint = false} : vector<2000x128xf32>, vector<128x128xf32>, vector<2000x128xf32> -> vector<2000x128xf32>
    %get3A_24 = arith.constant 0 : index
    %get3A_25 = arith.constant 0 : index
    %get3A_26 = vector.load %arg4[%get3A_24, %get3A_25] : memref<1x128xf32, #tpu.memory_space<vmem>>, vector<1x128xf32>
    %add3A_27 = vector.broadcast %get3A_26 : vector<1x128xf32> to vector<2000x128xf32>
    %add3A_28 = arith.addf %dot_general3A_23, %add3A_27 : vector<2000x128xf32>
    %get3A_29 = arith.constant 0 : index
    %get3A_30 = arith.constant 0 : index
    %get3A_31 = vector.load %arg2[%get3A_29, %get3A_30] : memref<10000x128xf32, #tpu.memory_space<vmem>>, vector<2000x128xf32>
    %get3A_32 = arith.constant 0 : index
    %get3A_33 = arith.constant 0 : index
    %get3A_34 = vector.load %arg5[%get3A_32, %get3A_33] : memref<128x128xf32, #tpu.memory_space<vmem>>, vector<128x128xf32>
    %dot_general3A_35 = arith.constant dense<0.000000e+00> : vector<2000x128xf32>
    %dot_general3A_36 = tpu.matmul %get3A_31, %get3A_34, %dot_general3A_35 {dimension_numbers = #tpu.dot_dimension_numbers<[1], [1], [0], [0], [0, 0, 1, 0], [], []>, precision = #tpu.contract_precision<fp32>, transpose_lhs_hint = false} : vector<2000x128xf32>, vector<128x128xf32>, vector<2000x128xf32> -> vector<2000x128xf32>
    %add3A_37 = arith.addf %add3A_28, %dot_general3A_36 : vector<2000x128xf32>
    %gt3A = arith.constant 0.000000e+00 : f32
    %gt3A_38 = vector.broadcast %gt3A : f32 to vector<2000x128xf32>
    %gt3A_39 = arith.cmpf ogt, %add3A_37, %gt3A_38 : vector<2000x128xf32>
    %mul3A = arith.constant 2.000000e-01 : f32
    %mul3A_40 = vector.broadcast %mul3A : f32 to vector<2000x128xf32>
    %mul3A_41 = arith.mulf %mul3A_40, %add3A_37 : vector<2000x128xf32>
    %select_n3A = arith.select %gt3A_39, %add3A_37, %mul3A_41 : vector<2000x128xi1>, vector<2000x128xf32>
    %swap3A_42 = arith.constant 0 : index
    %swap3A_43 = arith.constant 0 : index
    %swap3A_44 = vector.load %arg6[%swap3A_42, %swap3A_43] : memref<10000x128xf32, #tpu.memory_space<vmem>>, vector<2000x128xf32>
    tpu.vector_store %arg6[%swap3A_42, %swap3A_43], %select_n3A {strides = array<i32>} : memref<10000x128xf32, #tpu.memory_space<vmem>>, vector<2000x128xf32>,
    %get3A_45 = arith.constant 0 : index
    %get3A_46 = arith.constant 2000 : index
    %get3A_47 = arith.constant 0 : index
    %get3A_48 = vector.load %arg0[%get3A_45, %get3A_46, %get3A_47] : memref<2x10000x128xf32, #tpu.memory_space<vmem>>, vector<1x2000x128xf32>
    %get3A_49 = vector.shape_cast %get3A_48 : vector<1x2000x128xf32> to vector<2000x128xf32>
    %get3A_50 = arith.constant 1 : index
    %get3A_51 = arith.constant 2000 : index
    %get3A_52 = arith.constant 0 : index
    %get3A_53 = vector.load %arg0[%get3A_50, %get3A_51, %get3A_52] : memref<2x10000x128xf32, #tpu.memory_space<vmem>>, vector<1x2000x128xf32>
    %get3A_54 = vector.shape_cast %get3A_53 : vector<1x2000x128xf32> to vector<2000x128xf32>
    %add3A_55 = arith.addf %get3A_49, %get3A_54 : vector<2000x128xf32>
    %get3A_56 = arith.constant 2000 : index
    %get3A_57 = arith.constant 0 : index
    %get3A_58 = vector.load %arg7[%get3A_56, %get3A_57] : memref<10000x1xf32, #tpu.memory_space<vmem>>, vector<2000x1xf32>
    %div3A_59 = vector.broadcast %get3A_58 : vector<2000x1xf32> to vector<2000x128xf32>
    %div3A_60 = arith.divf %add3A_55, %div3A_59 : vector<2000x128xf32>
    %get3A_61 = arith.constant 0 : index
    %get3A_62 = arith.constant 0 : index
    %get3A_63 = vector.load %arg3[%get3A_61, %get3A_62] : memref<128x128xf32, #tpu.memory_space<vmem>>, vector<128x128xf32>
    %dot_general3A_64 = arith.constant dense<0.000000e+00> : vector<2000x128xf32>
    %dot_general3A_65 = tpu.matmul %div3A_60, %get3A_63, %dot_general3A_64 {dimension_numbers = #tpu.dot_dimension_numbers<[1], [1], [0], [0], [0, 0, 1, 0], [], []>, precision = #tpu.contract_precision<fp32>, transpose_lhs_hint = false} : vector<2000x128xf32>, vector<128x128xf32>, vector<2000x128xf32> -> vector<2000x128xf32>
    %get3A_66 = arith.constant 0 : index
    %get3A_67 = arith.constant 0 : index
    %get3A_68 = vector.load %arg4[%get3A_66, %get3A_67] : memref<1x128xf32, #tpu.memory_space<vmem>>, vector<1x128xf32>
    %add3A_69 = vector.broadcast %get3A_68 : vector<1x128xf32> to vector<2000x128xf32>
    %add3A_70 = arith.addf %dot_general3A_65, %add3A_69 : vector<2000x128xf32>
    %get3A_71 = arith.constant 2000 : index
    %get3A_72 = arith.constant 0 : index
    %get3A_73 = vector.load %arg2[%get3A_71, %get3A_72] : memref<10000x128xf32, #tpu.memory_space<vmem>>, vector<2000x128xf32>
    %get3A_74 = arith.constant 0 : index
    %get3A_75 = arith.constant 0 : index
    %get3A_76 = vector.load %arg5[%get3A_74, %get3A_75] : memref<128x128xf32, #tpu.memory_space<vmem>>, vector<128x128xf32>
    %dot_general3A_77 = arith.constant dense<0.000000e+00> : vector<2000x128xf32>
    %dot_general3A_78 = tpu.matmul %get3A_73, %get3A_76, %dot_general3A_77 {dimension_numbers = #tpu.dot_dimension_numbers<[1], [1], [0], [0], [0, 0, 1, 0], [], []>, precision = #tpu.contract_precision<fp32>, transpose_lhs_hint = false} : vector<2000x128xf32>, vector<128x128xf32>, vector<2000x128xf32> -> vector<2000x128xf32>
    %add3A_79 = arith.addf %add3A_70, %dot_general3A_78 : vector<2000x128xf32>
    %gt3A_80 = arith.constant 0.000000e+00 : f32
    %gt3A_81 = vector.broadcast %gt3A_80 : f32 to vector<2000x128xf32>
    %gt3A_82 = arith.cmpf ogt, %add3A_79, %gt3A_81 : vector<2000x128xf32>
    %mul3A_83 = arith.constant 2.000000e-01 : f32
    %mul3A_84 = vector.broadcast %mul3A_83 : f32 to vector<2000x128xf32>
    %mul3A_85 = arith.mulf %mul3A_84, %add3A_79 : vector<2000x128xf32>
    %select_n3A_86 = arith.select %gt3A_82, %add3A_79, %mul3A_85 : vector<2000x128xi1>, vector<2000x128xf32>
    %swap3A_87 = arith.constant 2000 : index
    %swap3A_88 = arith.constant 0 : index
    %swap3A_89 = vector.load %arg6[%swap3A_87, %swap3A_88] : memref<10000x128xf32, #tpu.memory_space<vmem>>, vector<2000x128xf32>
    tpu.vector_store %arg6[%swap3A_87, %swap3A_88], %select_n3A_86 {strides = array<i32>} : memref<10000x128xf32, #tpu.memory_space<vmem>>, vector<2000x128xf32>,
    %get3A_90 = arith.constant 0 : index
    %get3A_91 = arith.constant 4000 : index
    %get3A_92 = arith.constant 0 : index
    %get3A_93 = vector.load %arg0[%get3A_90, %get3A_91, %get3A_92] : memref<2x10000x128xf32, #tpu.memory_space<vmem>>, vector<1x2000x128xf32>
    %get3A_94 = vector.shape_cast %get3A_93 : vector<1x2000x128xf32> to vector<2000x128xf32>
    %get3A_95 = arith.constant 1 : index
    %get3A_96 = arith.constant 4000 : index
    %get3A_97 = arith.constant 0 : index
    %get3A_98 = vector.load %arg0[%get3A_95, %get3A_96, %get3A_97] : memref<2x10000x128xf32, #tpu.memory_space<vmem>>, vector<1x2000x128xf32>
    %get3A_99 = vector.shape_cast %get3A_98 : vector<1x2000x128xf32> to vector<2000x128xf32>
    %add3A_100 = arith.addf %get3A_94, %get3A_99 : vector<2000x128xf32>
    %get3A_101 = arith.constant 4000 : index
    %get3A_102 = arith.constant 0 : index
    %get3A_103 = vector.load %arg7[%get3A_101, %get3A_102] : memref<10000x1xf32, #tpu.memory_space<vmem>>, vector<2000x1xf32>
    %div3A_104 = vector.broadcast %get3A_103 : vector<2000x1xf32> to vector<2000x128xf32>
    %div3A_105 = arith.divf %add3A_100, %div3A_104 : vector<2000x128xf32>
    %get3A_106 = arith.constant 0 : index
    %get3A_107 = arith.constant 0 : index
    %get3A_108 = vector.load %arg3[%get3A_106, %get3A_107] : memref<128x128xf32, #tpu.memory_space<vmem>>, vector<128x128xf32>
    %dot_general3A_109 = arith.constant dense<0.000000e+00> : vector<2000x128xf32>
    %dot_general3A_110 = tpu.matmul %div3A_105, %get3A_108, %dot_general3A_109 {dimension_numbers = #tpu.dot_dimension_numbers<[1], [1], [0], [0], [0, 0, 1, 0], [], []>, precision = #tpu.contract_precision<fp32>, transpose_lhs_hint = false} : vector<2000x128xf32>, vector<128x128xf32>, vector<2000x128xf32> -> vector<2000x128xf32>
    %get3A_111 = arith.constant 0 : index
    %get3A_112 = arith.constant 0 : index
    %get3A_113 = vector.load %arg4[%get3A_111, %get3A_112] : memref<1x128xf32, #tpu.memory_space<vmem>>, vector<1x128xf32>
    %add3A_114 = vector.broadcast %get3A_113 : vector<1x128xf32> to vector<2000x128xf32>
    %add3A_115 = arith.addf %dot_general3A_110, %add3A_114 : vector<2000x128xf32>
    %get3A_116 = arith.constant 4000 : index
    %get3A_117 = arith.constant 0 : index
    %get3A_118 = vector.load %arg2[%get3A_116, %get3A_117] : memref<10000x128xf32, #tpu.memory_space<vmem>>, vector<2000x128xf32>
    %get3A_119 = arith.constant 0 : index
    %get3A_120 = arith.constant 0 : index
    %get3A_121 = vector.load %arg5[%get3A_119, %get3A_120] : memref<128x128xf32, #tpu.memory_space<vmem>>, vector<128x128xf32>
    %dot_general3A_122 = arith.constant dense<0.000000e+00> : vector<2000x128xf32>
    %dot_general3A_123 = tpu.matmul %get3A_118, %get3A_121, %dot_general3A_122 {dimension_numbers = #tpu.dot_dimension_numbers<[1], [1], [0], [0], [0, 0, 1, 0], [], []>, precision = #tpu.contract_precision<fp32>, transpose_lhs_hint = false} : vector<2000x128xf32>, vector<128x128xf32>, vector<2000x128xf32> -> vector<2000x128xf32>
    %add3A_124 = arith.addf %add3A_115, %dot_general3A_123 : vector<2000x128xf32>
    %gt3A_125 = arith.constant 0.000000e+00 : f32
    %gt3A_126 = vector.broadcast %gt3A_125 : f32 to vector<2000x128xf32>
    %gt3A_127 = arith.cmpf ogt, %add3A_124, %gt3A_126 : vector<2000x128xf32>
    %mul3A_128 = arith.constant 2.000000e-01 : f32
    %mul3A_129 = vector.broadcast %mul3A_128 : f32 to vector<2000x128xf32>
    %mul3A_130 = arith.mulf %mul3A_129, %add3A_124 : vector<2000x128xf32>
    %select_n3A_131 = arith.select %gt3A_127, %add3A_124, %mul3A_130 : vector<2000x128xi1>, vector<2000x128xf32>
    %swap3A_132 = arith.constant 4000 : index
    %swap3A_133 = arith.constant 0 : index
    %swap3A_134 = vector.load %arg6[%swap3A_132, %swap3A_133] : memref<10000x128xf32, #tpu.memory_space<vmem>>, vector<2000x128xf32>
    tpu.vector_store %arg6[%swap3A_132, %swap3A_133], %select_n3A_131 {strides = array<i32>} : memref<10000x128xf32, #tpu.memory_space<vmem>>, vector<2000x128xf32>,
    %get3A_135 = arith.constant 0 : index
    %get3A_136 = arith.constant 6000 : index
    %get3A_137 = arith.constant 0 : index
    %get3A_138 = vector.load %arg0[%get3A_135, %get3A_136, %get3A_137] : memref<2x10000x128xf32, #tpu.memory_space<vmem>>, vector<1x2000x128xf32>
    %get3A_139 = vector.shape_cast %get3A_138 : vector<1x2000x128xf32> to vector<2000x128xf32>
    %get3A_140 = arith.constant 1 : index
    %get3A_141 = arith.constant 6000 : index
    %get3A_142 = arith.constant 0 : index
    %get3A_143 = vector.load %arg0[%get3A_140, %get3A_141, %get3A_142] : memref<2x10000x128xf32, #tpu.memory_space<vmem>>, vector<1x2000x128xf32>
    %get3A_144 = vector.shape_cast %get3A_143 : vector<1x2000x128xf32> to vector<2000x128xf32>
    %add3A_145 = arith.addf %get3A_139, %get3A_144 : vector<2000x128xf32>
    %get3A_146 = arith.constant 6000 : index
    %get3A_147 = arith.constant 0 : index
    %get3A_148 = vector.load %arg7[%get3A_146, %get3A_147] : memref<10000x1xf32, #tpu.memory_space<vmem>>, vector<2000x1xf32>
    %div3A_149 = vector.broadcast %get3A_148 : vector<2000x1xf32> to vector<2000x128xf32>
    %div3A_150 = arith.divf %add3A_145, %div3A_149 : vector<2000x128xf32>
    %get3A_151 = arith.constant 0 : index
    %get3A_152 = arith.constant 0 : index
    %get3A_153 = vector.load %arg3[%get3A_151, %get3A_152] : memref<128x128xf32, #tpu.memory_space<vmem>>, vector<128x128xf32>
    %dot_general3A_154 = arith.constant dense<0.000000e+00> : vector<2000x128xf32>
    %dot_general3A_155 = tpu.matmul %div3A_150, %get3A_153, %dot_general3A_154 {dimension_numbers = #tpu.dot_dimension_numbers<[1], [1], [0], [0], [0, 0, 1, 0], [], []>, precision = #tpu.contract_precision<fp32>, transpose_lhs_hint = false} : vector<2000x128xf32>, vector<128x128xf32>, vector<2000x128xf32> -> vector<2000x128xf32>
    %get3A_156 = arith.constant 0 : index
    %get3A_157 = arith.constant 0 : index
    %get3A_158 = vector.load %arg4[%get3A_156, %get3A_157] : memref<1x128xf32, #tpu.memory_space<vmem>>, vector<1x128xf32>
    %add3A_159 = vector.broadcast %get3A_158 : vector<1x128xf32> to vector<2000x128xf32>
    %add3A_160 = arith.addf %dot_general3A_155, %add3A_159 : vector<2000x128xf32>
    %get3A_161 = arith.constant 6000 : index
    %get3A_162 = arith.constant 0 : index
    %get3A_163 = vector.load %arg2[%get3A_161, %get3A_162] : memref<10000x128xf32, #tpu.memory_space<vmem>>, vector<2000x128xf32>
    %get3A_164 = arith.constant 0 : index
    %get3A_165 = arith.constant 0 : index
    %get3A_166 = vector.load %arg5[%get3A_164, %get3A_165] : memref<128x128xf32, #tpu.memory_space<vmem>>, vector<128x128xf32>
    %dot_general3A_167 = arith.constant dense<0.000000e+00> : vector<2000x128xf32>
    %dot_general3A_168 = tpu.matmul %get3A_163, %get3A_166, %dot_general3A_167 {dimension_numbers = #tpu.dot_dimension_numbers<[1], [1], [0], [0], [0, 0, 1, 0], [], []>, precision = #tpu.contract_precision<fp32>, transpose_lhs_hint = false} : vector<2000x128xf32>, vector<128x128xf32>, vector<2000x128xf32> -> vector<2000x128xf32>
    %add3A_169 = arith.addf %add3A_160, %dot_general3A_168 : vector<2000x128xf32>
    %gt3A_170 = arith.constant 0.000000e+00 : f32
    %gt3A_171 = vector.broadcast %gt3A_170 : f32 to vector<2000x128xf32>
    %gt3A_172 = arith.cmpf ogt, %add3A_169, %gt3A_171 : vector<2000x128xf32>
    %mul3A_173 = arith.constant 2.000000e-01 : f32
    %mul3A_174 = vector.broadcast %mul3A_173 : f32 to vector<2000x128xf32>
    %mul3A_175 = arith.mulf %mul3A_174, %add3A_169 : vector<2000x128xf32>
    %select_n3A_176 = arith.select %gt3A_172, %add3A_169, %mul3A_175 : vector<2000x128xi1>, vector<2000x128xf32>
    %swap3A_177 = arith.constant 6000 : index
    %swap3A_178 = arith.constant 0 : index
    %swap3A_179 = vector.load %arg6[%swap3A_177, %swap3A_178] : memref<10000x128xf32, #tpu.memory_space<vmem>>, vector<2000x128xf32>
    tpu.vector_store %arg6[%swap3A_177, %swap3A_178], %select_n3A_176 {strides = array<i32>} : memref<10000x128xf32, #tpu.memory_space<vmem>>, vector<2000x128xf32>,
    %get3A_180 = arith.constant 0 : index
    %get3A_181 = arith.constant 8000 : index
    %get3A_182 = arith.constant 0 : index
    %get3A_183 = vector.load %arg0[%get3A_180, %get3A_181, %get3A_182] : memref<2x10000x128xf32, #tpu.memory_space<vmem>>, vector<1x2000x128xf32>
    %get3A_184 = vector.shape_cast %get3A_183 : vector<1x2000x128xf32> to vector<2000x128xf32>
    %get3A_185 = arith.constant 1 : index
    %get3A_186 = arith.constant 8000 : index
    %get3A_187 = arith.constant 0 : index
    %get3A_188 = vector.load %arg0[%get3A_185, %get3A_186, %get3A_187] : memref<2x10000x128xf32, #tpu.memory_space<vmem>>, vector<1x2000x128xf32>
    %get3A_189 = vector.shape_cast %get3A_188 : vector<1x2000x128xf32> to vector<2000x128xf32>
    %add3A_190 = arith.addf %get3A_184, %get3A_189 : vector<2000x128xf32>
    %get3A_191 = arith.constant 8000 : index
    %get3A_192 = arith.constant 0 : index
    %get3A_193 = vector.load %arg7[%get3A_191, %get3A_192] : memref<10000x1xf32, #tpu.memory_space<vmem>>, vector<2000x1xf32>
    %div3A_194 = vector.broadcast %get3A_193 : vector<2000x1xf32> to vector<2000x128xf32>
    %div3A_195 = arith.divf %add3A_190, %div3A_194 : vector<2000x128xf32>
    %get3A_196 = arith.constant 0 : index
    %get3A_197 = arith.constant 0 : index
    %get3A_198 = vector.load %arg3[%get3A_196, %get3A_197] : memref<128x128xf32, #tpu.memory_space<vmem>>, vector<128x128xf32>
    %dot_general3A_199 = arith.constant dense<0.000000e+00> : vector<2000x128xf32>
    %dot_general3A_200 = tpu.matmul %div3A_195, %get3A_198, %dot_general3A_199 {dimension_numbers = #tpu.dot_dimension_numbers<[1], [1], [0], [0], [0, 0, 1, 0], [], []>, precision = #tpu.contract_precision<fp32>, transpose_lhs_hint = false} : vector<2000x128xf32>, vector<128x128xf32>, vector<2000x128xf32> -> vector<2000x128xf32>
    %get3A_201 = arith.constant 0 : index
    %get3A_202 = arith.constant 0 : index
    %get3A_203 = vector.load %arg4[%get3A_201, %get3A_202] : memref<1x128xf32, #tpu.memory_space<vmem>>, vector<1x128xf32>
    %add3A_204 = vector.broadcast %get3A_203 : vector<1x128xf32> to vector<2000x128xf32>
    %add3A_205 = arith.addf %dot_general3A_200, %add3A_204 : vector<2000x128xf32>
    %get3A_206 = arith.constant 8000 : index
    %get3A_207 = arith.constant 0 : index
    %get3A_208 = vector.load %arg2[%get3A_206, %get3A_207] : memref<10000x128xf32, #tpu.memory_space<vmem>>, vector<2000x128xf32>
    %get3A_209 = arith.constant 0 : index
    %get3A_210 = arith.constant 0 : index
    %get3A_211 = vector.load %arg5[%get3A_209, %get3A_210] : memref<128x128xf32, #tpu.memory_space<vmem>>, vector<128x128xf32>
    %dot_general3A_212 = arith.constant dense<0.000000e+00> : vector<2000x128xf32>
    %dot_general3A_213 = tpu.matmul %get3A_208, %get3A_211, %dot_general3A_212 {dimension_numbers = #tpu.dot_dimension_numbers<[1], [1], [0], [0], [0, 0, 1, 0], [], []>, precision = #tpu.contract_precision<fp32>, transpose_lhs_hint = false} : vector<2000x128xf32>, vector<128x128xf32>, vector<2000x128xf32> -> vector<2000x128xf32>
    %add3A_214 = arith.addf %add3A_205, %dot_general3A_213 : vector<2000x128xf32>
    %gt3A_215 = arith.constant 0.000000e+00 : f32
    %gt3A_216 = vector.broadcast %gt3A_215 : f32 to vector<2000x128xf32>
    %gt3A_217 = arith.cmpf ogt, %add3A_214, %gt3A_216 : vector<2000x128xf32>
    %mul3A_218 = arith.constant 2.000000e-01 : f32
    %mul3A_219 = vector.broadcast %mul3A_218 : f32 to vector<2000x128xf32>
    %mul3A_220 = arith.mulf %mul3A_219, %add3A_214 : vector<2000x128xf32>
    %select_n3A_221 = arith.select %gt3A_217, %add3A_214, %mul3A_220 : vector<2000x128xi1>, vector<2000x128xf32>
    %swap3A_222 = arith.constant 8000 : index
    %swap3A_223 = arith.constant 0 : index
    %swap3A_224 = vector.load %arg6[%swap3A_222, %swap3A_223] : memref<10000x128xf32, #tpu.memory_space<vmem>>, vector<2000x128xf32>
    tpu.vector_store %arg6[%swap3A_222, %swap3A_223], %select_n3A_221 {strides = array<i32>} : memref<10000x128xf32, #tpu.memory_space<vmem>>, vector<2000x128xf32>,
    return
  }
}

module attributes {stable_mosaic.version = 14 : i64} {
  func.func @_tc_combine2_body(%arg0: memref<2x10000x128xf32, #tpu.memory_space<vmem>>, %arg1: memref<10000x1xf32, #tpu.memory_space<vmem>>, %arg2: memref<10000x128xf32, #tpu.memory_space<vmem>>, %arg3: memref<10000x128xf32, #tpu.memory_space<vmem>>, %arg4: memref<128x128xf32, #tpu.memory_space<vmem>>, %arg5: memref<1x128xf32, #tpu.memory_space<vmem>>, %arg6: memref<128x128xf32, #tpu.memory_space<vmem>>, %arg7: memref<128x128xf32, #tpu.memory_space<vmem>>, %arg8: memref<1x128xf32, #tpu.memory_space<vmem>>, %arg9: memref<1x128xf32, #tpu.memory_space<vmem>>, %arg10: memref<1x128xf32, #tpu.memory_space<vmem>>, %arg11: memref<10000x128xf32, #tpu.memory_space<vmem>>) attributes {dimension_semantics = [], scalar_prefetch = 0 : i64, scratch_operands = 0 : i64, tpu.core_type = #tpu.core_type<tc>} {
    %get3A = arith.constant 0 : index
    %get3A_0 = arith.constant 0 : index
    %get3A_1 = arith.constant 0 : index
    %get3A_2 = vector.load %arg0[%get3A, %get3A_0, %get3A_1] : memref<2x10000x128xf32, #tpu.memory_space<vmem>>, vector<1x2000x128xf32>
    %get3A_3 = vector.shape_cast %get3A_2 : vector<1x2000x128xf32> to vector<2000x128xf32>
    %get3A_4 = arith.constant 1 : index
    %get3A_5 = arith.constant 0 : index
    %get3A_6 = arith.constant 0 : index
    %get3A_7 = vector.load %arg0[%get3A_4, %get3A_5, %get3A_6] : memref<2x10000x128xf32, #tpu.memory_space<vmem>>, vector<1x2000x128xf32>
    %get3A_8 = vector.shape_cast %get3A_7 : vector<1x2000x128xf32> to vector<2000x128xf32>
    %add3A = arith.addf %get3A_3, %get3A_8 : vector<2000x128xf32>
    %get3A_9 = arith.constant 0 : index
    %get3A_10 = arith.constant 0 : index
    %get3A_11 = vector.load %arg1[%get3A_9, %get3A_10] : memref<10000x1xf32, #tpu.memory_space<vmem>>, vector<2000x1xf32>
    %div3A = vector.broadcast %get3A_11 : vector<2000x1xf32> to vector<2000x128xf32>
    %div3A_12 = arith.divf %add3A, %div3A : vector<2000x128xf32>
    %get3A_13 = arith.constant 0 : index
    %get3A_14 = arith.constant 0 : index
    %get3A_15 = vector.load %arg4[%get3A_13, %get3A_14] : memref<128x128xf32, #tpu.memory_space<vmem>>, vector<128x128xf32>
    %dot_general3A = arith.constant dense<0.000000e+00> : vector<2000x128xf32>
    %dot_general3A_16 = tpu.matmul %div3A_12, %get3A_15, %dot_general3A {dimension_numbers = #tpu.dot_dimension_numbers<[1], [1], [0], [0], [0, 0, 1, 0], [], []>, precision = #tpu.contract_precision<fp32>, transpose_lhs_hint = false} : vector<2000x128xf32>, vector<128x128xf32>, vector<2000x128xf32> -> vector<2000x128xf32>
    %get3A_17 = arith.constant 0 : index
    %get3A_18 = arith.constant 0 : index
    %get3A_19 = vector.load %arg5[%get3A_17, %get3A_18] : memref<1x128xf32, #tpu.memory_space<vmem>>, vector<1x128xf32>
    %add3A_20 = vector.broadcast %get3A_19 : vector<1x128xf32> to vector<2000x128xf32>
    %add3A_21 = arith.addf %dot_general3A_16, %add3A_20 : vector<2000x128xf32>
    %get3A_22 = arith.constant 0 : index
    %get3A_23 = arith.constant 0 : index
    %get3A_24 = vector.load %arg2[%get3A_22, %get3A_23] : memref<10000x128xf32, #tpu.memory_space<vmem>>, vector<2000x128xf32>
    %get3A_25 = arith.constant 0 : index
    %get3A_26 = arith.constant 0 : index
    %get3A_27 = vector.load %arg6[%get3A_25, %get3A_26] : memref<128x128xf32, #tpu.memory_space<vmem>>, vector<128x128xf32>
    %dot_general3A_28 = arith.constant dense<0.000000e+00> : vector<2000x128xf32>
    %dot_general3A_29 = tpu.matmul %get3A_24, %get3A_27, %dot_general3A_28 {dimension_numbers = #tpu.dot_dimension_numbers<[1], [1], [0], [0], [0, 0, 1, 0], [], []>, precision = #tpu.contract_precision<fp32>, transpose_lhs_hint = false} : vector<2000x128xf32>, vector<128x128xf32>, vector<2000x128xf32> -> vector<2000x128xf32>
    %add3A_30 = arith.addf %add3A_21, %dot_general3A_29 : vector<2000x128xf32>
    %get3A_31 = arith.constant 0 : index
    %get3A_32 = arith.constant 0 : index
    %get3A_33 = vector.load %arg3[%get3A_31, %get3A_32] : memref<10000x128xf32, #tpu.memory_space<vmem>>, vector<2000x128xf32>
    %get3A_34 = arith.constant 0 : index
    %get3A_35 = arith.constant 0 : index
    %get3A_36 = vector.load %arg7[%get3A_34, %get3A_35] : memref<128x128xf32, #tpu.memory_space<vmem>>, vector<128x128xf32>
    %dot_general3A_37 = arith.constant dense<0.000000e+00> : vector<2000x128xf32>
    %dot_general3A_38 = tpu.matmul %get3A_33, %get3A_36, %dot_general3A_37 {dimension_numbers = #tpu.dot_dimension_numbers<[1], [1], [0], [0], [0, 0, 1, 0], [], []>, precision = #tpu.contract_precision<fp32>, transpose_lhs_hint = false} : vector<2000x128xf32>, vector<128x128xf32>, vector<2000x128xf32> -> vector<2000x128xf32>
    %add3A_39 = arith.addf %add3A_30, %dot_general3A_38 : vector<2000x128xf32>
    %get3A_40 = arith.constant 0 : index
    %get3A_41 = arith.constant 0 : index
    %get3A_42 = vector.load %arg8[%get3A_40, %get3A_41] : memref<1x128xf32, #tpu.memory_space<vmem>>, vector<1x128xf32>
    %add3A_43 = vector.broadcast %get3A_42 : vector<1x128xf32> to vector<2000x128xf32>
    %add3A_44 = arith.addf %add3A_39, %add3A_43 : vector<2000x128xf32>
    %swap3A = arith.constant 0 : index
    %swap3A_45 = arith.constant 0 : index
    %swap3A_46 = vector.load %arg11[%swap3A, %swap3A_45] : memref<10000x128xf32, #tpu.memory_space<vmem>>, vector<2000x128xf32>
    tpu.vector_store %arg11[%swap3A, %swap3A_45], %add3A_44 {strides = array<i32>} : memref<10000x128xf32, #tpu.memory_space<vmem>>, vector<2000x128xf32>,
    %get3A_47 = arith.constant 0 : index
    %get3A_48 = arith.constant 2000 : index
    %get3A_49 = arith.constant 0 : index
    %get3A_50 = vector.load %arg0[%get3A_47, %get3A_48, %get3A_49] : memref<2x10000x128xf32, #tpu.memory_space<vmem>>, vector<1x2000x128xf32>
    %get3A_51 = vector.shape_cast %get3A_50 : vector<1x2000x128xf32> to vector<2000x128xf32>
    %get3A_52 = arith.constant 1 : index
    %get3A_53 = arith.constant 2000 : index
    %get3A_54 = arith.constant 0 : index
    %get3A_55 = vector.load %arg0[%get3A_52, %get3A_53, %get3A_54] : memref<2x10000x128xf32, #tpu.memory_space<vmem>>, vector<1x2000x128xf32>
    %get3A_56 = vector.shape_cast %get3A_55 : vector<1x2000x128xf32> to vector<2000x128xf32>
    %add3A_57 = arith.addf %get3A_51, %get3A_56 : vector<2000x128xf32>
    %get3A_58 = arith.constant 2000 : index
    %get3A_59 = arith.constant 0 : index
    %get3A_60 = vector.load %arg1[%get3A_58, %get3A_59] : memref<10000x1xf32, #tpu.memory_space<vmem>>, vector<2000x1xf32>
    %div3A_61 = vector.broadcast %get3A_60 : vector<2000x1xf32> to vector<2000x128xf32>
    %div3A_62 = arith.divf %add3A_57, %div3A_61 : vector<2000x128xf32>
    %get3A_63 = arith.constant 0 : index
    %get3A_64 = arith.constant 0 : index
    %get3A_65 = vector.load %arg4[%get3A_63, %get3A_64] : memref<128x128xf32, #tpu.memory_space<vmem>>, vector<128x128xf32>
    %dot_general3A_66 = arith.constant dense<0.000000e+00> : vector<2000x128xf32>
    %dot_general3A_67 = tpu.matmul %div3A_62, %get3A_65, %dot_general3A_66 {dimension_numbers = #tpu.dot_dimension_numbers<[1], [1], [0], [0], [0, 0, 1, 0], [], []>, precision = #tpu.contract_precision<fp32>, transpose_lhs_hint = false} : vector<2000x128xf32>, vector<128x128xf32>, vector<2000x128xf32> -> vector<2000x128xf32>
    %get3A_68 = arith.constant 0 : index
    %get3A_69 = arith.constant 0 : index
    %get3A_70 = vector.load %arg5[%get3A_68, %get3A_69] : memref<1x128xf32, #tpu.memory_space<vmem>>, vector<1x128xf32>
    %add3A_71 = vector.broadcast %get3A_70 : vector<1x128xf32> to vector<2000x128xf32>
    %add3A_72 = arith.addf %dot_general3A_67, %add3A_71 : vector<2000x128xf32>
    %get3A_73 = arith.constant 2000 : index
    %get3A_74 = arith.constant 0 : index
    %get3A_75 = vector.load %arg2[%get3A_73, %get3A_74] : memref<10000x128xf32, #tpu.memory_space<vmem>>, vector<2000x128xf32>
    %get3A_76 = arith.constant 0 : index
    %get3A_77 = arith.constant 0 : index
    %get3A_78 = vector.load %arg6[%get3A_76, %get3A_77] : memref<128x128xf32, #tpu.memory_space<vmem>>, vector<128x128xf32>
    %dot_general3A_79 = arith.constant dense<0.000000e+00> : vector<2000x128xf32>
    %dot_general3A_80 = tpu.matmul %get3A_75, %get3A_78, %dot_general3A_79 {dimension_numbers = #tpu.dot_dimension_numbers<[1], [1], [0], [0], [0, 0, 1, 0], [], []>, precision = #tpu.contract_precision<fp32>, transpose_lhs_hint = false} : vector<2000x128xf32>, vector<128x128xf32>, vector<2000x128xf32> -> vector<2000x128xf32>
    %add3A_81 = arith.addf %add3A_72, %dot_general3A_80 : vector<2000x128xf32>
    %get3A_82 = arith.constant 2000 : index
    %get3A_83 = arith.constant 0 : index
    %get3A_84 = vector.load %arg3[%get3A_82, %get3A_83] : memref<10000x128xf32, #tpu.memory_space<vmem>>, vector<2000x128xf32>
    %get3A_85 = arith.constant 0 : index
    %get3A_86 = arith.constant 0 : index
    %get3A_87 = vector.load %arg7[%get3A_85, %get3A_86] : memref<128x128xf32, #tpu.memory_space<vmem>>, vector<128x128xf32>
    %dot_general3A_88 = arith.constant dense<0.000000e+00> : vector<2000x128xf32>
    %dot_general3A_89 = tpu.matmul %get3A_84, %get3A_87, %dot_general3A_88 {dimension_numbers = #tpu.dot_dimension_numbers<[1], [1], [0], [0], [0, 0, 1, 0], [], []>, precision = #tpu.contract_precision<fp32>, transpose_lhs_hint = false} : vector<2000x128xf32>, vector<128x128xf32>, vector<2000x128xf32> -> vector<2000x128xf32>
    %add3A_90 = arith.addf %add3A_81, %dot_general3A_89 : vector<2000x128xf32>
    %get3A_91 = arith.constant 0 : index
    %get3A_92 = arith.constant 0 : index
    %get3A_93 = vector.load %arg8[%get3A_91, %get3A_92] : memref<1x128xf32, #tpu.memory_space<vmem>>, vector<1x128xf32>
    %add3A_94 = vector.broadcast %get3A_93 : vector<1x128xf32> to vector<2000x128xf32>
    %add3A_95 = arith.addf %add3A_90, %add3A_94 : vector<2000x128xf32>
    %swap3A_96 = arith.constant 2000 : index
    %swap3A_97 = arith.constant 0 : index
    %swap3A_98 = vector.load %arg11[%swap3A_96, %swap3A_97] : memref<10000x128xf32, #tpu.memory_space<vmem>>, vector<2000x128xf32>
    tpu.vector_store %arg11[%swap3A_96, %swap3A_97], %add3A_95 {strides = array<i32>} : memref<10000x128xf32, #tpu.memory_space<vmem>>, vector<2000x128xf32>,
    %get3A_99 = arith.constant 0 : index
    %get3A_100 = arith.constant 4000 : index
    %get3A_101 = arith.constant 0 : index
    %get3A_102 = vector.load %arg0[%get3A_99, %get3A_100, %get3A_101] : memref<2x10000x128xf32, #tpu.memory_space<vmem>>, vector<1x2000x128xf32>
    %get3A_103 = vector.shape_cast %get3A_102 : vector<1x2000x128xf32> to vector<2000x128xf32>
    %get3A_104 = arith.constant 1 : index
    %get3A_105 = arith.constant 4000 : index
    %get3A_106 = arith.constant 0 : index
    %get3A_107 = vector.load %arg0[%get3A_104, %get3A_105, %get3A_106] : memref<2x10000x128xf32, #tpu.memory_space<vmem>>, vector<1x2000x128xf32>
    %get3A_108 = vector.shape_cast %get3A_107 : vector<1x2000x128xf32> to vector<2000x128xf32>
    %add3A_109 = arith.addf %get3A_103, %get3A_108 : vector<2000x128xf32>
    %get3A_110 = arith.constant 4000 : index
    %get3A_111 = arith.constant 0 : index
    %get3A_112 = vector.load %arg1[%get3A_110, %get3A_111] : memref<10000x1xf32, #tpu.memory_space<vmem>>, vector<2000x1xf32>
    %div3A_113 = vector.broadcast %get3A_112 : vector<2000x1xf32> to vector<2000x128xf32>
    %div3A_114 = arith.divf %add3A_109, %div3A_113 : vector<2000x128xf32>
    %get3A_115 = arith.constant 0 : index
    %get3A_116 = arith.constant 0 : index
    %get3A_117 = vector.load %arg4[%get3A_115, %get3A_116] : memref<128x128xf32, #tpu.memory_space<vmem>>, vector<128x128xf32>
    %dot_general3A_118 = arith.constant dense<0.000000e+00> : vector<2000x128xf32>
    %dot_general3A_119 = tpu.matmul %div3A_114, %get3A_117, %dot_general3A_118 {dimension_numbers = #tpu.dot_dimension_numbers<[1], [1], [0], [0], [0, 0, 1, 0], [], []>, precision = #tpu.contract_precision<fp32>, transpose_lhs_hint = false} : vector<2000x128xf32>, vector<128x128xf32>, vector<2000x128xf32> -> vector<2000x128xf32>
    %get3A_120 = arith.constant 0 : index
    %get3A_121 = arith.constant 0 : index
    %get3A_122 = vector.load %arg5[%get3A_120, %get3A_121] : memref<1x128xf32, #tpu.memory_space<vmem>>, vector<1x128xf32>
    %add3A_123 = vector.broadcast %get3A_122 : vector<1x128xf32> to vector<2000x128xf32>
    %add3A_124 = arith.addf %dot_general3A_119, %add3A_123 : vector<2000x128xf32>
    %get3A_125 = arith.constant 4000 : index
    %get3A_126 = arith.constant 0 : index
    %get3A_127 = vector.load %arg2[%get3A_125, %get3A_126] : memref<10000x128xf32, #tpu.memory_space<vmem>>, vector<2000x128xf32>
    %get3A_128 = arith.constant 0 : index
    %get3A_129 = arith.constant 0 : index
    %get3A_130 = vector.load %arg6[%get3A_128, %get3A_129] : memref<128x128xf32, #tpu.memory_space<vmem>>, vector<128x128xf32>
    %dot_general3A_131 = arith.constant dense<0.000000e+00> : vector<2000x128xf32>
    %dot_general3A_132 = tpu.matmul %get3A_127, %get3A_130, %dot_general3A_131 {dimension_numbers = #tpu.dot_dimension_numbers<[1], [1], [0], [0], [0, 0, 1, 0], [], []>, precision = #tpu.contract_precision<fp32>, transpose_lhs_hint = false} : vector<2000x128xf32>, vector<128x128xf32>, vector<2000x128xf32> -> vector<2000x128xf32>
    %add3A_133 = arith.addf %add3A_124, %dot_general3A_132 : vector<2000x128xf32>
    %get3A_134 = arith.constant 4000 : index
    %get3A_135 = arith.constant 0 : index
    %get3A_136 = vector.load %arg3[%get3A_134, %get3A_135] : memref<10000x128xf32, #tpu.memory_space<vmem>>, vector<2000x128xf32>
    %get3A_137 = arith.constant 0 : index
    %get3A_138 = arith.constant 0 : index
    %get3A_139 = vector.load %arg7[%get3A_137, %get3A_138] : memref<128x128xf32, #tpu.memory_space<vmem>>, vector<128x128xf32>
    %dot_general3A_140 = arith.constant dense<0.000000e+00> : vector<2000x128xf32>
    %dot_general3A_141 = tpu.matmul %get3A_136, %get3A_139, %dot_general3A_140 {dimension_numbers = #tpu.dot_dimension_numbers<[1], [1], [0], [0], [0, 0, 1, 0], [], []>, precision = #tpu.contract_precision<fp32>, transpose_lhs_hint = false} : vector<2000x128xf32>, vector<128x128xf32>, vector<2000x128xf32> -> vector<2000x128xf32>
    %add3A_142 = arith.addf %add3A_133, %dot_general3A_141 : vector<2000x128xf32>
    %get3A_143 = arith.constant 0 : index
    %get3A_144 = arith.constant 0 : index
    %get3A_145 = vector.load %arg8[%get3A_143, %get3A_144] : memref<1x128xf32, #tpu.memory_space<vmem>>, vector<1x128xf32>
    %add3A_146 = vector.broadcast %get3A_145 : vector<1x128xf32> to vector<2000x128xf32>
    %add3A_147 = arith.addf %add3A_142, %add3A_146 : vector<2000x128xf32>
    %swap3A_148 = arith.constant 4000 : index
    %swap3A_149 = arith.constant 0 : index
    %swap3A_150 = vector.load %arg11[%swap3A_148, %swap3A_149] : memref<10000x128xf32, #tpu.memory_space<vmem>>, vector<2000x128xf32>
    tpu.vector_store %arg11[%swap3A_148, %swap3A_149], %add3A_147 {strides = array<i32>} : memref<10000x128xf32, #tpu.memory_space<vmem>>, vector<2000x128xf32>,
    %get3A_151 = arith.constant 0 : index
    %get3A_152 = arith.constant 6000 : index
    %get3A_153 = arith.constant 0 : index
    %get3A_154 = vector.load %arg0[%get3A_151, %get3A_152, %get3A_153] : memref<2x10000x128xf32, #tpu.memory_space<vmem>>, vector<1x2000x128xf32>
    %get3A_155 = vector.shape_cast %get3A_154 : vector<1x2000x128xf32> to vector<2000x128xf32>
    %get3A_156 = arith.constant 1 : index
    %get3A_157 = arith.constant 6000 : index
    %get3A_158 = arith.constant 0 : index
    %get3A_159 = vector.load %arg0[%get3A_156, %get3A_157, %get3A_158] : memref<2x10000x128xf32, #tpu.memory_space<vmem>>, vector<1x2000x128xf32>
    %get3A_160 = vector.shape_cast %get3A_159 : vector<1x2000x128xf32> to vector<2000x128xf32>
    %add3A_161 = arith.addf %get3A_155, %get3A_160 : vector<2000x128xf32>
    %get3A_162 = arith.constant 6000 : index
    %get3A_163 = arith.constant 0 : index
    %get3A_164 = vector.load %arg1[%get3A_162, %get3A_163] : memref<10000x1xf32, #tpu.memory_space<vmem>>, vector<2000x1xf32>
    %div3A_165 = vector.broadcast %get3A_164 : vector<2000x1xf32> to vector<2000x128xf32>
    %div3A_166 = arith.divf %add3A_161, %div3A_165 : vector<2000x128xf32>
    %get3A_167 = arith.constant 0 : index
    %get3A_168 = arith.constant 0 : index
    %get3A_169 = vector.load %arg4[%get3A_167, %get3A_168] : memref<128x128xf32, #tpu.memory_space<vmem>>, vector<128x128xf32>
    %dot_general3A_170 = arith.constant dense<0.000000e+00> : vector<2000x128xf32>
    %dot_general3A_171 = tpu.matmul %div3A_166, %get3A_169, %dot_general3A_170 {dimension_numbers = #tpu.dot_dimension_numbers<[1], [1], [0], [0], [0, 0, 1, 0], [], []>, precision = #tpu.contract_precision<fp32>, transpose_lhs_hint = false} : vector<2000x128xf32>, vector<128x128xf32>, vector<2000x128xf32> -> vector<2000x128xf32>
    %get3A_172 = arith.constant 0 : index
    %get3A_173 = arith.constant 0 : index
    %get3A_174 = vector.load %arg5[%get3A_172, %get3A_173] : memref<1x128xf32, #tpu.memory_space<vmem>>, vector<1x128xf32>
    %add3A_175 = vector.broadcast %get3A_174 : vector<1x128xf32> to vector<2000x128xf32>
    %add3A_176 = arith.addf %dot_general3A_171, %add3A_175 : vector<2000x128xf32>
    %get3A_177 = arith.constant 6000 : index
    %get3A_178 = arith.constant 0 : index
    %get3A_179 = vector.load %arg2[%get3A_177, %get3A_178] : memref<10000x128xf32, #tpu.memory_space<vmem>>, vector<2000x128xf32>
    %get3A_180 = arith.constant 0 : index
    %get3A_181 = arith.constant 0 : index
    %get3A_182 = vector.load %arg6[%get3A_180, %get3A_181] : memref<128x128xf32, #tpu.memory_space<vmem>>, vector<128x128xf32>
    %dot_general3A_183 = arith.constant dense<0.000000e+00> : vector<2000x128xf32>
    %dot_general3A_184 = tpu.matmul %get3A_179, %get3A_182, %dot_general3A_183 {dimension_numbers = #tpu.dot_dimension_numbers<[1], [1], [0], [0], [0, 0, 1, 0], [], []>, precision = #tpu.contract_precision<fp32>, transpose_lhs_hint = false} : vector<2000x128xf32>, vector<128x128xf32>, vector<2000x128xf32> -> vector<2000x128xf32>
    %add3A_185 = arith.addf %add3A_176, %dot_general3A_184 : vector<2000x128xf32>
    %get3A_186 = arith.constant 6000 : index
    %get3A_187 = arith.constant 0 : index
    %get3A_188 = vector.load %arg3[%get3A_186, %get3A_187] : memref<10000x128xf32, #tpu.memory_space<vmem>>, vector<2000x128xf32>
    %get3A_189 = arith.constant 0 : index
    %get3A_190 = arith.constant 0 : index
    %get3A_191 = vector.load %arg7[%get3A_189, %get3A_190] : memref<128x128xf32, #tpu.memory_space<vmem>>, vector<128x128xf32>
    %dot_general3A_192 = arith.constant dense<0.000000e+00> : vector<2000x128xf32>
    %dot_general3A_193 = tpu.matmul %get3A_188, %get3A_191, %dot_general3A_192 {dimension_numbers = #tpu.dot_dimension_numbers<[1], [1], [0], [0], [0, 0, 1, 0], [], []>, precision = #tpu.contract_precision<fp32>, transpose_lhs_hint = false} : vector<2000x128xf32>, vector<128x128xf32>, vector<2000x128xf32> -> vector<2000x128xf32>
    %add3A_194 = arith.addf %add3A_185, %dot_general3A_193 : vector<2000x128xf32>
    %get3A_195 = arith.constant 0 : index
    %get3A_196 = arith.constant 0 : index
    %get3A_197 = vector.load %arg8[%get3A_195, %get3A_196] : memref<1x128xf32, #tpu.memory_space<vmem>>, vector<1x128xf32>
    %add3A_198 = vector.broadcast %get3A_197 : vector<1x128xf32> to vector<2000x128xf32>
    %add3A_199 = arith.addf %add3A_194, %add3A_198 : vector<2000x128xf32>
    %swap3A_200 = arith.constant 6000 : index
    %swap3A_201 = arith.constant 0 : index
    %swap3A_202 = vector.load %arg11[%swap3A_200, %swap3A_201] : memref<10000x128xf32, #tpu.memory_space<vmem>>, vector<2000x128xf32>
    tpu.vector_store %arg11[%swap3A_200, %swap3A_201], %add3A_199 {strides = array<i32>} : memref<10000x128xf32, #tpu.memory_space<vmem>>, vector<2000x128xf32>,
    %get3A_203 = arith.constant 0 : index
    %get3A_204 = arith.constant 8000 : index
    %get3A_205 = arith.constant 0 : index
    %get3A_206 = vector.load %arg0[%get3A_203, %get3A_204, %get3A_205] : memref<2x10000x128xf32, #tpu.memory_space<vmem>>, vector<1x2000x128xf32>
    %get3A_207 = vector.shape_cast %get3A_206 : vector<1x2000x128xf32> to vector<2000x128xf32>
    %get3A_208 = arith.constant 1 : index
    %get3A_209 = arith.constant 8000 : index
    %get3A_210 = arith.constant 0 : index
    %get3A_211 = vector.load %arg0[%get3A_208, %get3A_209, %get3A_210] : memref<2x10000x128xf32, #tpu.memory_space<vmem>>, vector<1x2000x128xf32>
    %get3A_212 = vector.shape_cast %get3A_211 : vector<1x2000x128xf32> to vector<2000x128xf32>
    %add3A_213 = arith.addf %get3A_207, %get3A_212 : vector<2000x128xf32>
    %get3A_214 = arith.constant 8000 : index
    %get3A_215 = arith.constant 0 : index
    %get3A_216 = vector.load %arg1[%get3A_214, %get3A_215] : memref<10000x1xf32, #tpu.memory_space<vmem>>, vector<2000x1xf32>
    %div3A_217 = vector.broadcast %get3A_216 : vector<2000x1xf32> to vector<2000x128xf32>
    %div3A_218 = arith.divf %add3A_213, %div3A_217 : vector<2000x128xf32>
    %get3A_219 = arith.constant 0 : index
    %get3A_220 = arith.constant 0 : index
    %get3A_221 = vector.load %arg4[%get3A_219, %get3A_220] : memref<128x128xf32, #tpu.memory_space<vmem>>, vector<128x128xf32>
    %dot_general3A_222 = arith.constant dense<0.000000e+00> : vector<2000x128xf32>
    %dot_general3A_223 = tpu.matmul %div3A_218, %get3A_221, %dot_general3A_222 {dimension_numbers = #tpu.dot_dimension_numbers<[1], [1], [0], [0], [0, 0, 1, 0], [], []>, precision = #tpu.contract_precision<fp32>, transpose_lhs_hint = false} : vector<2000x128xf32>, vector<128x128xf32>, vector<2000x128xf32> -> vector<2000x128xf32>
    %get3A_224 = arith.constant 0 : index
    %get3A_225 = arith.constant 0 : index
    %get3A_226 = vector.load %arg5[%get3A_224, %get3A_225] : memref<1x128xf32, #tpu.memory_space<vmem>>, vector<1x128xf32>
    %add3A_227 = vector.broadcast %get3A_226 : vector<1x128xf32> to vector<2000x128xf32>
    %add3A_228 = arith.addf %dot_general3A_223, %add3A_227 : vector<2000x128xf32>
    %get3A_229 = arith.constant 8000 : index
    %get3A_230 = arith.constant 0 : index
    %get3A_231 = vector.load %arg2[%get3A_229, %get3A_230] : memref<10000x128xf32, #tpu.memory_space<vmem>>, vector<2000x128xf32>
    %get3A_232 = arith.constant 0 : index
    %get3A_233 = arith.constant 0 : index
    %get3A_234 = vector.load %arg6[%get3A_232, %get3A_233] : memref<128x128xf32, #tpu.memory_space<vmem>>, vector<128x128xf32>
    %dot_general3A_235 = arith.constant dense<0.000000e+00> : vector<2000x128xf32>
    %dot_general3A_236 = tpu.matmul %get3A_231, %get3A_234, %dot_general3A_235 {dimension_numbers = #tpu.dot_dimension_numbers<[1], [1], [0], [0], [0, 0, 1, 0], [], []>, precision = #tpu.contract_precision<fp32>, transpose_lhs_hint = false} : vector<2000x128xf32>, vector<128x128xf32>, vector<2000x128xf32> -> vector<2000x128xf32>
    %add3A_237 = arith.addf %add3A_228, %dot_general3A_236 : vector<2000x128xf32>
    %get3A_238 = arith.constant 8000 : index
    %get3A_239 = arith.constant 0 : index
    %get3A_240 = vector.load %arg3[%get3A_238, %get3A_239] : memref<10000x128xf32, #tpu.memory_space<vmem>>, vector<2000x128xf32>
    %get3A_241 = arith.constant 0 : index
    %get3A_242 = arith.constant 0 : index
    %get3A_243 = vector.load %arg7[%get3A_241, %get3A_242] : memref<128x128xf32, #tpu.memory_space<vmem>>, vector<128x128xf32>
    %dot_general3A_244 = arith.constant dense<0.000000e+00> : vector<2000x128xf32>
    %dot_general3A_245 = tpu.matmul %get3A_240, %get3A_243, %dot_general3A_244 {dimension_numbers = #tpu.dot_dimension_numbers<[1], [1], [0], [0], [0, 0, 1, 0], [], []>, precision = #tpu.contract_precision<fp32>, transpose_lhs_hint = false} : vector<2000x128xf32>, vector<128x128xf32>, vector<2000x128xf32> -> vector<2000x128xf32>
    %add3A_246 = arith.addf %add3A_237, %dot_general3A_245 : vector<2000x128xf32>
    %get3A_247 = arith.constant 0 : index
    %get3A_248 = arith.constant 0 : index
    %get3A_249 = vector.load %arg8[%get3A_247, %get3A_248] : memref<1x128xf32, #tpu.memory_space<vmem>>, vector<1x128xf32>
    %add3A_250 = vector.broadcast %get3A_249 : vector<1x128xf32> to vector<2000x128xf32>
    %add3A_251 = arith.addf %add3A_246, %add3A_250 : vector<2000x128xf32>
    %swap3A_252 = arith.constant 8000 : index
    %swap3A_253 = arith.constant 0 : index
    %swap3A_254 = vector.load %arg11[%swap3A_252, %swap3A_253] : memref<10000x128xf32, #tpu.memory_space<vmem>>, vector<2000x128xf32>
    tpu.vector_store %arg11[%swap3A_252, %swap3A_253], %add3A_251 {strides = array<i32>} : memref<10000x128xf32, #tpu.memory_space<vmem>>, vector<2000x128xf32>,
    %broadcast_in_dim3A = arith.constant 0.000000e+00 : f32
    %broadcast_in_dim3A_255 = vector.broadcast %broadcast_in_dim3A : f32 to vector<1x128xf32>
    %broadcast_in_dim3A_256 = arith.constant 0.000000e+00 : f32
    %broadcast_in_dim3A_257 = vector.broadcast %broadcast_in_dim3A_256 : f32 to vector<1x128xf32>
    %get3A_258 = arith.constant 0 : index
    %get3A_259 = arith.constant 0 : index
    %get3A_260 = vector.load %arg11[%get3A_258, %get3A_259] : memref<10000x128xf32, #tpu.memory_space<vmem>>, vector<2000x128xf32>
    %reduce_sum3A = arith.constant dense<0.000000e+00> : vector<128xf32>
    %reduce_sum3A_261 = vector.multi_reduction <add>, %get3A_260, %reduce_sum3A [0] : vector<2000x128xf32> to vector<128xf32>
    %broadcast_in_dim3A_262 = vector.shape_cast %reduce_sum3A_261 : vector<128xf32> to vector<1x128xf32>
    %add3A_263 = arith.addf %broadcast_in_dim3A_255, %broadcast_in_dim3A_262 : vector<1x128xf32>
    %mul3A = arith.mulf %get3A_260, %get3A_260 : vector<2000x128xf32>
    %reduce_sum3A_264 = arith.constant dense<0.000000e+00> : vector<128xf32>
    %reduce_sum3A_265 = vector.multi_reduction <add>, %mul3A, %reduce_sum3A_264 [0] : vector<2000x128xf32> to vector<128xf32>
    %broadcast_in_dim3A_266 = vector.shape_cast %reduce_sum3A_265 : vector<128xf32> to vector<1x128xf32>
    %add3A_267 = arith.addf %broadcast_in_dim3A_257, %broadcast_in_dim3A_266 : vector<1x128xf32>
    %get3A_268 = arith.constant 2000 : index
    %get3A_269 = arith.constant 0 : index
    %get3A_270 = vector.load %arg11[%get3A_268, %get3A_269] : memref<10000x128xf32, #tpu.memory_space<vmem>>, vector<2000x128xf32>
    %reduce_sum3A_271 = arith.constant dense<0.000000e+00> : vector<128xf32>
    %reduce_sum3A_272 = vector.multi_reduction <add>, %get3A_270, %reduce_sum3A_271 [0] : vector<2000x128xf32> to vector<128xf32>
    %broadcast_in_dim3A_273 = vector.shape_cast %reduce_sum3A_272 : vector<128xf32> to vector<1x128xf32>
    %add3A_274 = arith.addf %add3A_263, %broadcast_in_dim3A_273 : vector<1x128xf32>
    %mul3A_275 = arith.mulf %get3A_270, %get3A_270 : vector<2000x128xf32>
    %reduce_sum3A_276 = arith.constant dense<0.000000e+00> : vector<128xf32>
    %reduce_sum3A_277 = vector.multi_reduction <add>, %mul3A_275, %reduce_sum3A_276 [0] : vector<2000x128xf32> to vector<128xf32>
    %broadcast_in_dim3A_278 = vector.shape_cast %reduce_sum3A_277 : vector<128xf32> to vector<1x128xf32>
    %add3A_279 = arith.addf %add3A_267, %broadcast_in_dim3A_278 : vector<1x128xf32>
    %get3A_280 = arith.constant 4000 : index
    %get3A_281 = arith.constant 0 : index
    %get3A_282 = vector.load %arg11[%get3A_280, %get3A_281] : memref<10000x128xf32, #tpu.memory_space<vmem>>, vector<2000x128xf32>
    %reduce_sum3A_283 = arith.constant dense<0.000000e+00> : vector<128xf32>
    %reduce_sum3A_284 = vector.multi_reduction <add>, %get3A_282, %reduce_sum3A_283 [0] : vector<2000x128xf32> to vector<128xf32>
    %broadcast_in_dim3A_285 = vector.shape_cast %reduce_sum3A_284 : vector<128xf32> to vector<1x128xf32>
    %add3A_286 = arith.addf %add3A_274, %broadcast_in_dim3A_285 : vector<1x128xf32>
    %mul3A_287 = arith.mulf %get3A_282, %get3A_282 : vector<2000x128xf32>
    %reduce_sum3A_288 = arith.constant dense<0.000000e+00> : vector<128xf32>
    %reduce_sum3A_289 = vector.multi_reduction <add>, %mul3A_287, %reduce_sum3A_288 [0] : vector<2000x128xf32> to vector<128xf32>
    %broadcast_in_dim3A_290 = vector.shape_cast %reduce_sum3A_289 : vector<128xf32> to vector<1x128xf32>
    %add3A_291 = arith.addf %add3A_279, %broadcast_in_dim3A_290 : vector<1x128xf32>
    %get3A_292 = arith.constant 6000 : index
    %get3A_293 = arith.constant 0 : index
    %get3A_294 = vector.load %arg11[%get3A_292, %get3A_293] : memref<10000x128xf32, #tpu.memory_space<vmem>>, vector<2000x128xf32>
    %reduce_sum3A_295 = arith.constant dense<0.000000e+00> : vector<128xf32>
    %reduce_sum3A_296 = vector.multi_reduction <add>, %get3A_294, %reduce_sum3A_295 [0] : vector<2000x128xf32> to vector<128xf32>
    %broadcast_in_dim3A_297 = vector.shape_cast %reduce_sum3A_296 : vector<128xf32> to vector<1x128xf32>
    %add3A_298 = arith.addf %add3A_286, %broadcast_in_dim3A_297 : vector<1x128xf32>
    %mul3A_299 = arith.mulf %get3A_294, %get3A_294 : vector<2000x128xf32>
    %reduce_sum3A_300 = arith.constant dense<0.000000e+00> : vector<128xf32>
    %reduce_sum3A_301 = vector.multi_reduction <add>, %mul3A_299, %reduce_sum3A_300 [0] : vector<2000x128xf32> to vector<128xf32>
    %broadcast_in_dim3A_302 = vector.shape_cast %reduce_sum3A_301 : vector<128xf32> to vector<1x128xf32>
    %add3A_303 = arith.addf %add3A_291, %broadcast_in_dim3A_302 : vector<1x128xf32>
    %get3A_304 = arith.constant 8000 : index
    %get3A_305 = arith.constant 0 : index
    %get3A_306 = vector.load %arg11[%get3A_304, %get3A_305] : memref<10000x128xf32, #tpu.memory_space<vmem>>, vector<2000x128xf32>
    %reduce_sum3A_307 = arith.constant dense<0.000000e+00> : vector<128xf32>
    %reduce_sum3A_308 = vector.multi_reduction <add>, %get3A_306, %reduce_sum3A_307 [0] : vector<2000x128xf32> to vector<128xf32>
    %broadcast_in_dim3A_309 = vector.shape_cast %reduce_sum3A_308 : vector<128xf32> to vector<1x128xf32>
    %add3A_310 = arith.addf %add3A_298, %broadcast_in_dim3A_309 : vector<1x128xf32>
    %mul3A_311 = arith.mulf %get3A_306, %get3A_306 : vector<2000x128xf32>
    %reduce_sum3A_312 = arith.constant dense<0.000000e+00> : vector<128xf32>
    %reduce_sum3A_313 = vector.multi_reduction <add>, %mul3A_311, %reduce_sum3A_312 [0] : vector<2000x128xf32> to vector<128xf32>
    %broadcast_in_dim3A_314 = vector.shape_cast %reduce_sum3A_313 : vector<128xf32> to vector<1x128xf32>
    %add3A_315 = arith.addf %add3A_303, %broadcast_in_dim3A_314 : vector<1x128xf32>
    %div3A_316 = arith.constant 1.000000e+04 : f32
    %div3A_317 = vector.broadcast %div3A_316 : f32 to vector<1x128xf32>
    %div3A_318 = arith.divf %add3A_310, %div3A_317 : vector<1x128xf32>
    %div3A_319 = arith.constant 1.000000e+04 : f32
    %div3A_320 = vector.broadcast %div3A_319 : f32 to vector<1x128xf32>
    %div3A_321 = arith.divf %add3A_315, %div3A_320 : vector<1x128xf32>
    %mul3A_322 = arith.mulf %div3A_318, %div3A_318 : vector<1x128xf32>
    %sub3A = arith.subf %div3A_321, %mul3A_322 : vector<1x128xf32>
    %add3A_323 = arith.constant 9.99999974E-6 : f32
    %add3A_324 = vector.broadcast %add3A_323 : f32 to vector<1x128xf32>
    %add3A_325 = arith.addf %sub3A, %add3A_324 : vector<1x128xf32>
    %rsqrt3A = math.rsqrt %add3A_325 : vector<1x128xf32>
    %get3A_326 = arith.constant 0 : index
    %get3A_327 = arith.constant 0 : index
    %get3A_328 = vector.load %arg9[%get3A_326, %get3A_327] : memref<1x128xf32, #tpu.memory_space<vmem>>, vector<1x128xf32>
    %get3A_329 = arith.constant 0 : index
    %get3A_330 = arith.constant 0 : index
    %get3A_331 = vector.load %arg11[%get3A_329, %get3A_330] : memref<10000x128xf32, #tpu.memory_space<vmem>>, vector<2000x128xf32>
    %sub3A_332 = vector.broadcast %div3A_318 : vector<1x128xf32> to vector<2000x128xf32>
    %sub3A_333 = arith.subf %get3A_331, %sub3A_332 : vector<2000x128xf32>
    %mul3A_334 = vector.broadcast %get3A_328 : vector<1x128xf32> to vector<2000x128xf32>
    %mul3A_335 = arith.mulf %mul3A_334, %sub3A_333 : vector<2000x128xf32>
    %mul3A_336 = vector.broadcast %rsqrt3A : vector<1x128xf32> to vector<2000x128xf32>
    %mul3A_337 = arith.mulf %mul3A_335, %mul3A_336 : vector<2000x128xf32>
    %get3A_338 = arith.constant 0 : index
    %get3A_339 = arith.constant 0 : index
    %get3A_340 = vector.load %arg10[%get3A_338, %get3A_339] : memref<1x128xf32, #tpu.memory_space<vmem>>, vector<1x128xf32>
    %add3A_341 = vector.broadcast %get3A_340 : vector<1x128xf32> to vector<2000x128xf32>
    %add3A_342 = arith.addf %mul3A_337, %add3A_341 : vector<2000x128xf32>
    %mul3A_343 = arith.mulf %add3A_342, %add3A_342 : vector<2000x128xf32>
    %reduce_sum3A_344 = arith.constant dense<0.000000e+00> : vector<2000xf32>
    %reduce_sum3A_345 = vector.multi_reduction <add>, %mul3A_343, %reduce_sum3A_344 [1] : vector<2000x128xf32> to vector<2000xf32>
    %broadcast_in_dim3A_346 = vector.shape_cast %reduce_sum3A_345 : vector<2000xf32> to vector<2000x1xf32>
    %sqrt3A = math.sqrt %broadcast_in_dim3A_346 : vector<2000x1xf32>
    %max3A = arith.constant 9.99999996E-13 : f32
    %max3A_347 = vector.broadcast %max3A : f32 to vector<2000x1xf32>
    %max3A_348 = arith.maximumf %sqrt3A, %max3A_347 : vector<2000x1xf32>
    %div3A_349 = vector.broadcast %max3A_348 : vector<2000x1xf32> to vector<2000x128xf32>
    %div3A_350 = arith.divf %add3A_342, %div3A_349 : vector<2000x128xf32>
    %swap3A_351 = arith.constant 0 : index
    %swap3A_352 = arith.constant 0 : index
    %swap3A_353 = vector.load %arg11[%swap3A_351, %swap3A_352] : memref<10000x128xf32, #tpu.memory_space<vmem>>, vector<2000x128xf32>
    tpu.vector_store %arg11[%swap3A_351, %swap3A_352], %div3A_350 {strides = array<i32>} : memref<10000x128xf32, #tpu.memory_space<vmem>>, vector<2000x128xf32>,
    %get3A_354 = arith.constant 0 : index
    %get3A_355 = arith.constant 0 : index
    %get3A_356 = vector.load %arg9[%get3A_354, %get3A_355] : memref<1x128xf32, #tpu.memory_space<vmem>>, vector<1x128xf32>
    %get3A_357 = arith.constant 2000 : index
    %get3A_358 = arith.constant 0 : index
    %get3A_359 = vector.load %arg11[%get3A_357, %get3A_358] : memref<10000x128xf32, #tpu.memory_space<vmem>>, vector<2000x128xf32>
    %sub3A_360 = vector.broadcast %div3A_318 : vector<1x128xf32> to vector<2000x128xf32>
    %sub3A_361 = arith.subf %get3A_359, %sub3A_360 : vector<2000x128xf32>
    %mul3A_362 = vector.broadcast %get3A_356 : vector<1x128xf32> to vector<2000x128xf32>
    %mul3A_363 = arith.mulf %mul3A_362, %sub3A_361 : vector<2000x128xf32>
    %mul3A_364 = vector.broadcast %rsqrt3A : vector<1x128xf32> to vector<2000x128xf32>
    %mul3A_365 = arith.mulf %mul3A_363, %mul3A_364 : vector<2000x128xf32>
    %get3A_366 = arith.constant 0 : index
    %get3A_367 = arith.constant 0 : index
    %get3A_368 = vector.load %arg10[%get3A_366, %get3A_367] : memref<1x128xf32, #tpu.memory_space<vmem>>, vector<1x128xf32>
    %add3A_369 = vector.broadcast %get3A_368 : vector<1x128xf32> to vector<2000x128xf32>
    %add3A_370 = arith.addf %mul3A_365, %add3A_369 : vector<2000x128xf32>
    %mul3A_371 = arith.mulf %add3A_370, %add3A_370 : vector<2000x128xf32>
    %reduce_sum3A_372 = arith.constant dense<0.000000e+00> : vector<2000xf32>
    %reduce_sum3A_373 = vector.multi_reduction <add>, %mul3A_371, %reduce_sum3A_372 [1] : vector<2000x128xf32> to vector<2000xf32>
    %broadcast_in_dim3A_374 = vector.shape_cast %reduce_sum3A_373 : vector<2000xf32> to vector<2000x1xf32>
    %sqrt3A_375 = math.sqrt %broadcast_in_dim3A_374 : vector<2000x1xf32>
    %max3A_376 = arith.constant 9.99999996E-13 : f32
    %max3A_377 = vector.broadcast %max3A_376 : f32 to vector<2000x1xf32>
    %max3A_378 = arith.maximumf %sqrt3A_375, %max3A_377 : vector<2000x1xf32>
    %div3A_379 = vector.broadcast %max3A_378 : vector<2000x1xf32> to vector<2000x128xf32>
    %div3A_380 = arith.divf %add3A_370, %div3A_379 : vector<2000x128xf32>
    %swap3A_381 = arith.constant 2000 : index
    %swap3A_382 = arith.constant 0 : index
    %swap3A_383 = vector.load %arg11[%swap3A_381, %swap3A_382] : memref<10000x128xf32, #tpu.memory_space<vmem>>, vector<2000x128xf32>
    tpu.vector_store %arg11[%swap3A_381, %swap3A_382], %div3A_380 {strides = array<i32>} : memref<10000x128xf32, #tpu.memory_space<vmem>>, vector<2000x128xf32>,
    %get3A_384 = arith.constant 0 : index
    %get3A_385 = arith.constant 0 : index
    %get3A_386 = vector.load %arg9[%get3A_384, %get3A_385] : memref<1x128xf32, #tpu.memory_space<vmem>>, vector<1x128xf32>
    %get3A_387 = arith.constant 4000 : index
    %get3A_388 = arith.constant 0 : index
    %get3A_389 = vector.load %arg11[%get3A_387, %get3A_388] : memref<10000x128xf32, #tpu.memory_space<vmem>>, vector<2000x128xf32>
    %sub3A_390 = vector.broadcast %div3A_318 : vector<1x128xf32> to vector<2000x128xf32>
    %sub3A_391 = arith.subf %get3A_389, %sub3A_390 : vector<2000x128xf32>
    %mul3A_392 = vector.broadcast %get3A_386 : vector<1x128xf32> to vector<2000x128xf32>
    %mul3A_393 = arith.mulf %mul3A_392, %sub3A_391 : vector<2000x128xf32>
    %mul3A_394 = vector.broadcast %rsqrt3A : vector<1x128xf32> to vector<2000x128xf32>
    %mul3A_395 = arith.mulf %mul3A_393, %mul3A_394 : vector<2000x128xf32>
    %get3A_396 = arith.constant 0 : index
    %get3A_397 = arith.constant 0 : index
    %get3A_398 = vector.load %arg10[%get3A_396, %get3A_397] : memref<1x128xf32, #tpu.memory_space<vmem>>, vector<1x128xf32>
    %add3A_399 = vector.broadcast %get3A_398 : vector<1x128xf32> to vector<2000x128xf32>
    %add3A_400 = arith.addf %mul3A_395, %add3A_399 : vector<2000x128xf32>
    %mul3A_401 = arith.mulf %add3A_400, %add3A_400 : vector<2000x128xf32>
    %reduce_sum3A_402 = arith.constant dense<0.000000e+00> : vector<2000xf32>
    %reduce_sum3A_403 = vector.multi_reduction <add>, %mul3A_401, %reduce_sum3A_402 [1] : vector<2000x128xf32> to vector<2000xf32>
    %broadcast_in_dim3A_404 = vector.shape_cast %reduce_sum3A_403 : vector<2000xf32> to vector<2000x1xf32>
    %sqrt3A_405 = math.sqrt %broadcast_in_dim3A_404 : vector<2000x1xf32>
    %max3A_406 = arith.constant 9.99999996E-13 : f32
    %max3A_407 = vector.broadcast %max3A_406 : f32 to vector<2000x1xf32>
    %max3A_408 = arith.maximumf %sqrt3A_405, %max3A_407 : vector<2000x1xf32>
    %div3A_409 = vector.broadcast %max3A_408 : vector<2000x1xf32> to vector<2000x128xf32>
    %div3A_410 = arith.divf %add3A_400, %div3A_409 : vector<2000x128xf32>
    %swap3A_411 = arith.constant 4000 : index
    %swap3A_412 = arith.constant 0 : index
    %swap3A_413 = vector.load %arg11[%swap3A_411, %swap3A_412] : memref<10000x128xf32, #tpu.memory_space<vmem>>, vector<2000x128xf32>
    tpu.vector_store %arg11[%swap3A_411, %swap3A_412], %div3A_410 {strides = array<i32>} : memref<10000x128xf32, #tpu.memory_space<vmem>>, vector<2000x128xf32>,
    %get3A_414 = arith.constant 0 : index
    %get3A_415 = arith.constant 0 : index
    %get3A_416 = vector.load %arg9[%get3A_414, %get3A_415] : memref<1x128xf32, #tpu.memory_space<vmem>>, vector<1x128xf32>
    %get3A_417 = arith.constant 6000 : index
    %get3A_418 = arith.constant 0 : index
    %get3A_419 = vector.load %arg11[%get3A_417, %get3A_418] : memref<10000x128xf32, #tpu.memory_space<vmem>>, vector<2000x128xf32>
    %sub3A_420 = vector.broadcast %div3A_318 : vector<1x128xf32> to vector<2000x128xf32>
    %sub3A_421 = arith.subf %get3A_419, %sub3A_420 : vector<2000x128xf32>
    %mul3A_422 = vector.broadcast %get3A_416 : vector<1x128xf32> to vector<2000x128xf32>
    %mul3A_423 = arith.mulf %mul3A_422, %sub3A_421 : vector<2000x128xf32>
    %mul3A_424 = vector.broadcast %rsqrt3A : vector<1x128xf32> to vector<2000x128xf32>
    %mul3A_425 = arith.mulf %mul3A_423, %mul3A_424 : vector<2000x128xf32>
    %get3A_426 = arith.constant 0 : index
    %get3A_427 = arith.constant 0 : index
    %get3A_428 = vector.load %arg10[%get3A_426, %get3A_427] : memref<1x128xf32, #tpu.memory_space<vmem>>, vector<1x128xf32>
    %add3A_429 = vector.broadcast %get3A_428 : vector<1x128xf32> to vector<2000x128xf32>
    %add3A_430 = arith.addf %mul3A_425, %add3A_429 : vector<2000x128xf32>
    %mul3A_431 = arith.mulf %add3A_430, %add3A_430 : vector<2000x128xf32>
    %reduce_sum3A_432 = arith.constant dense<0.000000e+00> : vector<2000xf32>
    %reduce_sum3A_433 = vector.multi_reduction <add>, %mul3A_431, %reduce_sum3A_432 [1] : vector<2000x128xf32> to vector<2000xf32>
    %broadcast_in_dim3A_434 = vector.shape_cast %reduce_sum3A_433 : vector<2000xf32> to vector<2000x1xf32>
    %sqrt3A_435 = math.sqrt %broadcast_in_dim3A_434 : vector<2000x1xf32>
    %max3A_436 = arith.constant 9.99999996E-13 : f32
    %max3A_437 = vector.broadcast %max3A_436 : f32 to vector<2000x1xf32>
    %max3A_438 = arith.maximumf %sqrt3A_435, %max3A_437 : vector<2000x1xf32>
    %div3A_439 = vector.broadcast %max3A_438 : vector<2000x1xf32> to vector<2000x128xf32>
    %div3A_440 = arith.divf %add3A_430, %div3A_439 : vector<2000x128xf32>
    %swap3A_441 = arith.constant 6000 : index
    %swap3A_442 = arith.constant 0 : index
    %swap3A_443 = vector.load %arg11[%swap3A_441, %swap3A_442] : memref<10000x128xf32, #tpu.memory_space<vmem>>, vector<2000x128xf32>
    tpu.vector_store %arg11[%swap3A_441, %swap3A_442], %div3A_440 {strides = array<i32>} : memref<10000x128xf32, #tpu.memory_space<vmem>>, vector<2000x128xf32>,
    %get3A_444 = arith.constant 0 : index
    %get3A_445 = arith.constant 0 : index
    %get3A_446 = vector.load %arg9[%get3A_444, %get3A_445] : memref<1x128xf32, #tpu.memory_space<vmem>>, vector<1x128xf32>
    %get3A_447 = arith.constant 8000 : index
    %get3A_448 = arith.constant 0 : index
    %get3A_449 = vector.load %arg11[%get3A_447, %get3A_448] : memref<10000x128xf32, #tpu.memory_space<vmem>>, vector<2000x128xf32>
    %sub3A_450 = vector.broadcast %div3A_318 : vector<1x128xf32> to vector<2000x128xf32>
    %sub3A_451 = arith.subf %get3A_449, %sub3A_450 : vector<2000x128xf32>
    %mul3A_452 = vector.broadcast %get3A_446 : vector<1x128xf32> to vector<2000x128xf32>
    %mul3A_453 = arith.mulf %mul3A_452, %sub3A_451 : vector<2000x128xf32>
    %mul3A_454 = vector.broadcast %rsqrt3A : vector<1x128xf32> to vector<2000x128xf32>
    %mul3A_455 = arith.mulf %mul3A_453, %mul3A_454 : vector<2000x128xf32>
    %get3A_456 = arith.constant 0 : index
    %get3A_457 = arith.constant 0 : index
    %get3A_458 = vector.load %arg10[%get3A_456, %get3A_457] : memref<1x128xf32, #tpu.memory_space<vmem>>, vector<1x128xf32>
    %add3A_459 = vector.broadcast %get3A_458 : vector<1x128xf32> to vector<2000x128xf32>
    %add3A_460 = arith.addf %mul3A_455, %add3A_459 : vector<2000x128xf32>
    %mul3A_461 = arith.mulf %add3A_460, %add3A_460 : vector<2000x128xf32>
    %reduce_sum3A_462 = arith.constant dense<0.000000e+00> : vector<2000xf32>
    %reduce_sum3A_463 = vector.multi_reduction <add>, %mul3A_461, %reduce_sum3A_462 [1] : vector<2000x128xf32> to vector<2000xf32>
    %broadcast_in_dim3A_464 = vector.shape_cast %reduce_sum3A_463 : vector<2000xf32> to vector<2000x1xf32>
    %sqrt3A_465 = math.sqrt %broadcast_in_dim3A_464 : vector<2000x1xf32>
    %max3A_466 = arith.constant 9.99999996E-13 : f32
    %max3A_467 = vector.broadcast %max3A_466 : f32 to vector<2000x1xf32>
    %max3A_468 = arith.maximumf %sqrt3A_465, %max3A_467 : vector<2000x1xf32>
    %div3A_469 = vector.broadcast %max3A_468 : vector<2000x1xf32> to vector<2000x128xf32>
    %div3A_470 = arith.divf %add3A_460, %div3A_469 : vector<2000x128xf32>
    %swap3A_471 = arith.constant 8000 : index
    %swap3A_472 = arith.constant 0 : index
    %swap3A_473 = vector.load %arg11[%swap3A_471, %swap3A_472] : memref<10000x128xf32, #tpu.memory_space<vmem>>, vector<2000x128xf32>
    tpu.vector_store %arg11[%swap3A_471, %swap3A_472], %div3A_470 {strides = array<i32>} : memref<10000x128xf32, #tpu.memory_space<vmem>>, vector<2000x128xf32>,
    return
  }
}

</mosaic_0001>

<sc_bundles>
// kernel: kernel.10.cloned.1.call-start
scs
__scs_entry_jumppad:
0x0: {  	(pc) =	sbr.rel $0x88, $3  }
0x1: {  	(tag) =	ssettag $0x0;
	lr =	simm.s32 $0x1  }
0x2: {  	[smem:$0x3F91] =	sst lr;
	_ =	strace $0xD0000000  }
0x3: {  	_ = 	snop  }
0x4: {  	_ = 	snop  }
0x5: {  	_ = 	snop  }
0x6: {  	_ = 	snop  }
0x7: {  	_ = 	snop  }
__scs_overlays_trampoline_lowered:
0x8: {  	[smem:$0x3FA0] =	sst s0  }
0x9: {  	[smem:$0x3FA1] =	sst s1  }
0xa: {  	[smem:$0x3FA2] =	sst s2  }
0xb: {  	[smem:$0x3FA3] =	sst s3  }
0xc: {  	[smem:$0x3FA4] =	sst s4  }
0xd: {  	[smem:$0x3FA5] =	sst s5  }
0xe: {  	[smem:$0x3FA6] =	sst s6  }
0xf: {  	[smem:$0x3FA7] =	sst s7  }
0x10: {  	[smem:$0x3FA8] =	sst s8  }
0x11: {  	[smem:$0x3FA9] =	sst s9;
	s0 =	simm.s32 @!p0 $0x0  }
0x12: {  	s1 =	sld [smem:$0x3F8F];
	s0 =	simm.s32 @p0 $0x1  }
0x13: {  	[smem:$0x3FAA] =	sst s0;
	s0 =	simm.s32 @!p1 $0x0  }
0x14: {  	s2 =	sld [smem:$0x3F8E];
	s0 =	simm.s32 @p1 $0x1  }
0x15: {  	[smem:$0x3FAB] =	sst s0;
	s0 =	simm.s32 @!p2 $0x0  }
0x16: {  	s3 =	sld [smem:$0x3FDB];
	s0 =	simm.s32 @p2 $0x1  }
0x17: {  	s4 =	simm.s32 $0x1BF5;
	[smem:$0x3FAD] =	sst s0  }
0x18: {  	s0 =	sld [smem:$0x3F90];
	_ =	swait.ge [sflag:s4], $0x0  }
0x19: {  	s7 =	sld [smem:$0x3F91]  }
0x1a: {  	s8 =	sadd.s32 $0xFFFFE003, lr  }
0x1b: {  	s9 =	sadd.s32 $0xFFFFFEF7, lr;
	s5 =	simm.s32 $0xFFFFFFFF;
	p2 =	slt.u32 s8, $0xFFFFF086  }
0x1c: {  	p1 =	slt.u32 s9, $0xF7A;
	s5 =	simm.s32 @!p2 $0x0  }
0x1d: {  	s5 =	simm.s32 @p1 $0x1;
	p0 =	seq.s32 s7, s2  }
0x1e: {  	s7 =	smul.u32 @!p0 $0xF7A, s2;
	p2 =	seq.s32 @!p0 s5, $0x0  }
0x1f: {  	s9 =	smul.u32 $0xF7A, s1;
	s8 =	simm.s32 @!p0 $0x1BF5;
	p2 =	por !p2, p0  }
0x20: {  	[sflag:s8] =	ssyncset.s32 @!p0 $0xFFFFF086;
	s6 =	sadd.s32 @!p0 s3, s7;
	s7 =	simm.s32 @!p0 $0x108  }
0x21: {  	s3 =	sadd.s32 s3, s9;
	s6 =	sadd.s32 @!p0 $0x88, s6;
	s7 =	simm.s32 @p2 $0x1082  }
0x22: {  	[simem:s7], [sflag:s8] =	dma.local @!p0 [hbm:s6], $0xF7A  }
0x23: {  	s9 =	sor.u32 $0xD0000000, s2;
	s6 =	simm.s32 $0x108;
	_ =	swait.ge @!p0 [sflag:s8], $0x0  }
0x24: {  	s3 =	sadd.s32 $0x88, s3;
	s6 =	simm.s32 @!p1 $0x1082;
	[sflag:s4] =	ssyncset.s32 $0xFFFFF086  }
0x25: {  	[simem:s6], [sflag:s4] =	dma.local [hbm:s3], $0xF7A  }
0x26: {  	[smem:$0x3F91] =	sst s1;
	(tag) =	ssettag s2;
	_ =	strace s9  }
0x27: {  	s1 =	sld [smem:$0x3FA1]  }
0x28: {  	s2 =	sld [smem:$0x3FA2]  }
0x29: {  	s4 =	sld [smem:$0x3FA4]  }
0x2a: {  	p0 =	seq.s32 s5, $0x0;
	s5 =	sld [smem:$0x3FA5]  }
0x2b: {  	s6 =	sld [smem:$0x3FA6]  }
0x2c: {  	s7 =	sld [smem:$0x3FA7]  }
0x2d: {  	s3 =	simm.s32 $0x108;
	s8 =	sld [smem:$0x3FA8]  }
0x2e: {  	s3 =	simm.s32 @!p0 $0x1082;
	s9 =	sld [smem:$0x3FA9]  }
0x2f: {  	lr =	sadd.s32 s0, s3;
	s0 =	sld [smem:$0x3FA0]  }
0x30: {  	s3 =	sld [smem:$0x3FA3]  }
0x31: {  	[smem:$0x3FAC] =	sst s10  }
0x32: {  	s10 =	sld [smem:$0x3FAA];
	_ =	sdelay $0x3  }
0x33: {  	p0 =	seq.s32 s10, $0x1;
	s10 =	sld [smem:$0x3FAC];
	_ =	sdelay $0x3  }
0x34: {  	[smem:$0x3FAC] =	sst s10  }
0x35: {  	s10 =	sld [smem:$0x3FAB];
	_ =	sdelay $0x3  }
0x36: {  	p1 =	seq.s32 s10, $0x1;
	s10 =	sld [smem:$0x3FAC];
	_ =	sdelay $0x3  }
0x37: {  	[smem:$0x3FAC] =	sst s10  }
0x38: {  	s10 =	sld [smem:$0x3FAD]  }
0x39: {  	_ = 	snop;
	(pc) =	sbr.ind lr, $3  }
0x3a: {  	_ = 	snop  }
0x3b: {  	_ = 	snop  }
0x3c: {  	p2 =	seq.s32 s10, $0x1;
	s10 =	sld [smem:$0x3FAC]  }
0x3d: {  	_ =	shalt  }
0x3e: {  	_ =	shalt  }
0x3f: {  	_ =	shalt  }
0x40: {  	_ =	shalt  }
0x41: {  	_ =	shalt  }
0x42: {  	_ =	shalt  }
0x43: {  	_ =	shalt  }
0x44: {  	_ =	shalt  }
0x45: {  	_ =	shalt  }
0x46: {  	_ =	shalt  }
0x47: {  	_ =	shalt  }
0x48: {  	_ =	shalt  }
0x49: {  	_ =	shalt  }
0x4a: {  	_ =	shalt  }
0x4b: {  	_ =	shalt  }
0x4c: {  	_ =	shalt  }
0x4d: {  	_ =	shalt  }
0x4e: {  	_ =	shalt  }
0x4f: {  	_ =	shalt  }
0x50: {  	_ =	shalt  }
0x51: {  	_ =	shalt  }
0x52: {  	_ =	shalt  }
0x53: {  	_ =	shalt  }
0x54: {  	_ =	shalt  }
0x55: {  	_ =	shalt  }
0x56: {  	_ =	shalt  }
0x57: {  	_ =	shalt  }
0x58: {  	_ =	shalt  }
0x59: {  	_ =	shalt  }
0x5a: {  	_ =	shalt  }
0x5b: {  	_ =	shalt  }
0x5c: {  	_ =	shalt  }
0x5d: {  	_ =	shalt  }
0x5e: {  	_ =	shalt  }
0x5f: {  	_ =	shalt  }
0x60: {  	_ =	shalt  }
0x61: {  	_ =	shalt  }
0x62: {  	_ =	shalt  }
0x63: {  	_ =	shalt  }
0x64: {  	_ =	shalt  }
0x65: {  	_ =	shalt  }
0x66: {  	_ =	shalt  }
0x67: {  	_ =	shalt  }
0x68: {  	_ =	shalt  }
0x69: {  	_ =	shalt  }
0x6a: {  	_ =	shalt  }
0x6b: {  	_ =	shalt  }
0x6c: {  	_ =	shalt  }
0x6d: {  	_ =	shalt  }
0x6e: {  	_ =	shalt  }
0x6f: {  	_ =	shalt  }
0x70: {  	_ =	shalt  }
0x71: {  	_ =	shalt  }
0x72: {  	_ =	shalt  }
0x73: {  	_ =	shalt  }
0x74: {  	_ =	shalt  }
0x75: {  	_ =	shalt  }
0x76: {  	_ =	shalt  }
0x77: {  	_ =	shalt  }
0x78: {  	_ =	shalt  }
0x79: {  	_ =	shalt  }
0x7a: {  	_ =	shalt  }
0x7b: {  	_ =	shalt  }
0x7c: {  	_ =	shalt  }
0x7d: {  	_ =	shalt  }
0x7e: {  	_ =	shalt  }
0x7f: {  	_ =	shalt  }
0x80: {  	_ =	shalt  }
0x81: {  	_ =	shalt  }
0x82: {  	_ =	shalt  }
0x83: {  	_ =	shalt  }
0x84: {  	_ =	shalt  }
0x85: {  	_ =	shalt  }
0x86: {  	_ =	shalt  }
0x87: {  	_ =	shalt  }
.Lfunc_end0:
.L_simem_size_0:
called_computation.1_lowered:
.L_overlay_start_0:
0x88: {  	s2 =	sld [smem:$0x3FD9]  }
0x89: {  	s3 =	sld [smem:$0x3FFE];
	_ =	sdelay $0x1  }
0x8a: {  	s1 =	srdreg.scid  }
0x8b: {  	s0 =	sand.u32 $0x1, s1  }
0x8c: {  	s16 =	sshll.u32 s0, $0xA;
	s2 =	sadd.s32 s3, s2  }
0x8d: {  	s2 =	sadd.s32 s2, s16  }
0x8e: {  	[smem:$0x3FB8] =	sst s2  }
0x8f: {  	_ = 	snop  }
0x90: {  	(tm) =	ssettm $0x1  }
0x91: {  	s17 =	sld [smem:$0x3FFB];
	_ =	sdelay $0x3  }
0x92: {  	_ =	strace s17  }
0x93: {  	s2 =	sld [smem:$0x3FFC];
	_ =	sdelay $0x3  }
0x94: {  	_ =	strace s2  }
0x95: {  	s2 =	sld [smem:$0x3FFD];
	_ =	sdelay $0x3  }
0x96: {  	_ =	strace s2  }
0x97: {  	_ =	strace $0x8FFFFFFF  }
0x98: {  	s18 =	sld [smem:$0x3FDB];
	_ =	sdelay $0x1  }
0x99: {  	s19 =	simm.s32 $_scs_section_size  }
0x9a: {  	s4 =	simm.s32 $_size__tile_overlayer_lowered;
	s5 =	simm.s32 $_tile_overlayer_lowered  }
0x9b: {  	s22 =	simm.s32 $0x1BFF;
	s21 =	sshll.u32 s5, $0x1;
	s2 =	sadd.s32 s19, s18  }
0x9c: {  	s6 =	simm.s32 $0x0;
	s20 =	sshll.u32 s4, $0x1;
	s4 =	sadd.s32 s21, s2  }
0x9d: {  	[timem:s6], [sflag:s22] =	dma.local [hbm:s4], s20  }
0x9e: {  	_ =	swait.ge [sflag:s22], s20  }
0x9f: {  	s3 =	ssub.s32 $0x0, s20;
	[sflag:s22] =	ssyncset.done $0x0  }
0xa0: {  	[sflag:s22] =	ssyncadd.s32 s3;
	_ =	sdelay $0x1  }
0xa1: {  	s23 =	simm.s32 $0x1B8B  }
0xa2: {  	_ =	swait.ge [sflag:s23], $0x1  }
0xa3: {  	[sflag:s23] =	ssyncset.done $0x0  }
0xa4: {  	s25 =	simm.s32 $0x1B8E;
	s24 =	sld [smem:$0x3FFE];
	[sflag:s23] =	ssyncadd.s32 $0xFFFFFFFF  }
0xa5: {  	s26 =	simm.s32 $execute0_lowered;
	[smem:$0x3FD2] =	sst s25  }
0xa6: {  	s4 =	sshll.u32 s26, $0x1;
	_ =	strace $0x80000049;
	[dreg:$0x1] =	wrdreg $0xFFFFFFFF  }
0xa7: {  	s28 =	simm.s32 $_size_execute0_lowered;
	s2 =	sadd.s32 s2, s4;
	[dreg:$0x0] =	wrdreg $0x0  }
0xa8: {  	s4 =	sshll.u32 s28, $0x1;
	[dreg:$0x2] =	wrdreg s2  }
0xa9: {  	[dreg:$0x3] =	wrdreg s4  }
0xaa: {  	[dreg:$0x4] =	wrdreg $0xC0  }
0xab: {  	_ =	task [dreg:s6], $0x5FFFF  }
0xac: {  	[dreg:$0x1] =	wrdreg $0xFFFFFFFF  }
0xad: {  	[dreg:$0x0] =	wrdreg $0x60  }
0xae: {  	[dreg:$0x2] =	wrdreg s24  }
0xaf: {  	[dreg:$0x3] =	wrdreg $0x0  }
0xb0: {  	[dreg:$0x4] =	wrdreg $0x9  }
0xb1: {  	_ =	task.clear_ibuf [dreg:s6], $0x5FFFF;
	_ =	strace $0x90000049  }
0xb2: {  	s29 =	simm.s32 $0x9;
	_ =	strace $0x8000004B  }
0xb3: {  	_ =	swait.ge [sflag:s29], $0x1  }
0xb4: {  	[sflag:s29] =	ssyncadd.s32 $0xFFFFFFFF  }
0xb5: {  	_ =	strace $0x9000004B  }
0xb6: {  	_ =	sfence  }
0xb7: {  	s30 =	sld [smem:$0x0];
	_ =	sdelay $0x2  }
0xb8: {  	s31 =	sshll.u32 s1, $0xD;
	s1 =	sshrl.u32 s1, $0x2  }
0xb9: {  	s3 =	sand.u32 $0x4000, s31;
	s1 =	sadd.s32 s1, s30  }
0xba: {  	s0 =	sor.u32 s3, s0;
	s1 =	sshll.u32 s1, $0x11  }
0xbb: {  	s0 =	sor.u32 s1, s0  }
0xbc: {  	s0 =	sadd.s32 $0x8F2B, s0  }
0xbd: {  	[sflag:s0] =	ssyncadd.remote.s32 $0x1  }
0xbe: {  	_ =	sfence.sel $0xFFFF  }
0xbf: {  	[dreg:$0x0] =	wrdreg $0xFFFFFFFF;
	(pc) =	sbr.abs _section_cstart, $3  }
0xc0: {  	[dreg:$0x1] =	wrdreg $0xFFFFFFFF  }
0xc1: {  	_ =	task.clear_ibuf [dreg:s6], $0x2FFFF;
	_ =	strace $0x9FFFFFFF  }
0xc2: {  	(tm) =	ssettm $0x7FFFFFFF  }
0xc3: {  	_ =	shalt  }
tec
execute0_lowered:
.L_overlay_start_1:
0x0: {  	(tag) =	ssettag $0x1  }
0x1: {  	s0 =	rddreg [dreg:$0x0]  }
0x2: {  	s31 =	rddreg [dreg:$0x1]  }
0x3: {  	s2 =	srdreg.scid;
	s13 =	stileid.u32  }
0x4: {  	s3 =	simm.s32 $0x0;
	s28 =	simm.s32 $0x1;
	s29 =	simm.s32 $0x4  }
0x5: {  	s30 =	simm.s32 $0x50;
	s2 =	sand.u32 $0x1, s2;
	s4 =	sshll.u32 s13, $0x1  }
0x6: {  	[smem:$0x7FF] =	sst s3;
	s19 =	sadd.s32 $0xA400, s0;
	s11 =	smul.u32 $0x13800, s13  }
0x7: {  	s7 =	sadd.s32 $0x600, s0;
	s22 =	sadd.s32 $0x138000, s31;
	s15 =	smul.u32 $0x4E20, s13  }
0x8: {  	p0 =	sne.s32 s13, $0x0;
	s5 =	sor.u32 s2, s4;
	_ =	strace $0x8000004A  }
0x9: {  	s4 =	sadd.s32 $0x89600, s0;
	s25 =	ssub.s32 $0x2, s2;
	s1 =	smul.u32 $0x138800, s2  }
0xa: {  	s0 =	sadd.s32 $0x3B400, s0;
	s2 =	smul.u32 $0x2710, s2;
	s8 =	sshrl.u32 s25, $0x1  }
0xb: {  	[dreg:$0x9] =	wrdreg s22;
	s21 =	smul.u32 $0x2710, s5;
	s5 =	ssub.s32 s25, s8  }
0xc: {  	s11 =	sadd.s32 s11, s1;
	s8 =	sshrl.u32 s1, $0x3;
	s2 =	sadd.s32 s2, s15  }
0xd: {  	s1 =	simm.s32 $0x16380;
	s15 =	simm.s32 $0x6;
	s9 =	sshrl.u32 s21, $0x3  }
0xe: {  	s11 =	sshrl.u32 s11, $0x3;
	s18 =	sadd.s32 $0x140, s2;
	s20 =	smax.u32 s5, $0x1  }
0xf: {  	[dreg:$0x4] =	wrdreg s21;
	s26 =	sadd.s32 s19, s9;
	s10 =	sadd.s32 s7, s9  }
0x10: {  	s6 =	sadd.s32 $0xA, s9;
	s9 =	sadd.s32 $0x14, s9;
	[dreg:$0xf] =	wrdreg s20  }
0x11: {  	s16 =	sadd.s32 s0, s11;
	s0 =	sadd.s32 s0, s8;
	[dreg:$0x5] =	wrdreg s26  }
0x12: {  	s24 =	sshrl.u32 s18, $0x3;
	s11 =	simm.s32 $0x1B380;
	[dreg:$0x6] =	wrdreg s10  }
0x13: {  	s8 =	simm.s32 $0x5;
	s12 =	sadd.s32 s19, s6;
	[dreg:$0xc] =	wrdreg s16  }
0x14: {  	s18 =	simm.s32 $0x9;
	s10 =	sadd.s32 s7, s6;
	[dreg:$0x7] =	wrdreg s12  }
0x15: {  	s20 =	simm.s32 $0xA;
	s14 =	sadd.s32 s19, s9;
	[dreg:$0x8] =	wrdreg s10  }
0x16: {  	s9 =	sadd.s32 s7, s9;
	s0 =	sadd.s32 $0x27000, s0;
	[dreg:$0xa] =	wrdreg s14  }
0x17: {  	s25 =	sadd.s32 s24, s7;
	s26 =	sadd.s32 $0xF0, s2;
	[dreg:$0xb] =	wrdreg s9  }
0x18: {  	s2 =	simm.s32 $0x2;
	s6 =	simm.s32 $0x18B80;
	[dreg:$0xe] =	wrdreg s0  }
0x19: {  	s12 =	smul.u32 $0x4E000, s13;
	[dreg:$0x10] =	wrdreg s25;
	s0 =	sadd.s32 s24, s19  }
0x1a: {  	[dreg:$0x3] =	wrdreg s26;
	s24 =	simm.s32 $0x13880;
	s25 =	simm.s32 $0x13A00  }
0x1b: {  	s9 =	simm.s32 $0x13900;
	s10 =	simm.s32 $0x13A80;
	s26 =	simm.s32 $0xD  }
0x1c: {  	s13 =	simm.s32 $0x8;
	s14 =	simm.s32 $0x3;
	s17 =	sshrl.u32 s12, $0x2  }
0x1d: {  	[dreg:$0x11] =	wrdreg s0;
	s0 =	simm.s32 $0x7;
	s23 =	sadd.s32 s17, s31  }
0x1e: {  	v0 =	vimm.f32 $0.0e+00;
	s12 =	simm.s32 $0x0;
	s17 =	simm.s32 $0x13B80;
	[dreg:$0xd] =	wrdreg s23  }
.LBB2_1:
0x1f: {  	[dreg:$0x12] =	wrdreg s12  }
0x20: {  	s5 =	rddreg [dreg:$0x5]  }
0x21: {  	[tilespmem:s24], [sflag:$0x1] =	stream.linear.gather [hbm4b:s5+s3], $0x50, $0x38;
	[tilespmem:$0x1BF80] =	vst v63  }
0x22: {  	s16 =	rddreg [dreg:$0x6]  }
0x23: {  	[tilespmem:s25], [sflag:$0x4] =	stream.linear.gather [hbm4b:s16+s3], $0x50, $0x38;
	[tilespmem:$0x1BF80] =	vst v63  }
0x24: {  	s12 =	rddreg [dreg:$0x7]  }
0x25: {  	[tilespmem:s9], [sflag:$0x2] =	stream.linear.gather [hbm4b:s12+s3], $0x50, $0x38;
	[tilespmem:$0x1BF80] =	vst v63  }
0x26: {  	s16 =	rddreg [dreg:$0x8]  }
0x27: {  	[tilespmem:s10], [sflag:$0x5] =	stream.linear.gather [hbm4b:s16+s3], $0x50, $0x38;
	[tilespmem:$0x1BF80] =	vst v63  }
0x28: {  	s5 =	simm.s32 $0x0;
	s16 =	simm.s32 $0x200  }
.LBB2_2:
0x29: {  	p1 =	sne.s32 s16, $0x2E00;
	[tilespmem:s5+$0x1B3F0] =	vst v0  }
0x2a: {  	[tilespmem:s5+$0x1B380] =	vst v0  }
0x2b: {  	[tilespmem:s5+$0x1B390] =	vst v0  }
.Ltmp0:
0x2c: {  	[tilespmem:s5+$0x1B3A0] =	vst v0;
	(pc) =	sbr.rel @p1 .LBB2_2-.Ltmp0, $4  }
0x2d: {  	[tilespmem:s5+$0x1B3B0] =	vst v0  }
0x2e: {  	[tilespmem:s5+$0x1B3C0] =	vst v0  }
0x2f: {  	[tilespmem:s5+$0x1B3D0] =	vst v0  }
0x30: {  	[tilespmem:s5+$0x1B3E0] =	vst v0;
	s5 =	sshra.s32 s16, $0x2;
	s16 =	sadd.s32 $0x200, s16  }
0x31: {  	[tilespmem:s5+$0x1B3F0] =	vst v0  }
0x32: {  	[tilespmem:s5+$0x1B380] =	vst v0  }
0x33: {  	[tilespmem:s5+$0x1B390] =	vst v0  }
0x34: {  	[tilespmem:s5+$0x1B3A0] =	vst v0  }
0x35: {  	[tilespmem:s5+$0x1B3B0] =	vst v0  }
0x36: {  	[tilespmem:s5+$0x1B3C0] =	vst v0  }
0x37: {  	[tilespmem:s5+$0x1B3D0] =	vst v0  }
0x38: {  	[tilespmem:s5+$0x1B3E0] =	vst v0;
	s16 =	sadd.s32 $0x0, s23  }
0x39: {  	[spmem:s16] =	stream.linear.scatter [tilespmem:s11], [sflag:$0xD], $0xC00, $0x38;
	[tilespmem:$0x1BF80] =	vst v63  }
0x3a: {  	s5 =	simm.s32 $0x3000;
	s12 =	simm.s32 $0x13B00;
	_ =	swait.ge [sflag:s26], $0xC00  }
.LBB2_4:
0x3b: {  	s16 =	sshra.s32 s5, $0x2;
	[sflag:s26] =	ssyncset.done $0x0;
	p1 =	sne.s32 s5, $0x4B000  }
.Ltmp1:
0x3c: {  	s16 =	sadd.s32 s16, s23;
	[sflag:s26] =	ssyncadd.s32 $0xFFFFF400;
	(pc) =	sbr.rel @p1 .LBB2_4-.Ltmp1, $3  }
0x3d: {  	[spmem:s16] =	stream.linear.scatter [tilespmem:s11], [sflag:$0xD], $0xC00, $0x38;
	[tilespmem:$0x1BF80] =	vst v63  }
0x3e: {  	s5 =	sadd.s32 $0x3000, s5;
	_ =	sdelay $0x1  }
0x3f: {  	_ =	swait.ge [sflag:s26], $0xC00  }
0x40: {  	[sflag:s26] =	ssyncset.done $0x0  }
0x41: {  	s5 =	simm.s32 @!p0 $0x1B380;
	[sflag:s26] =	ssyncadd.s32 $0xFFFFF400  }
0x42: {  	[spmem:s22] =	stream.linear.scatter @!p0 [tilespmem:s5], [sflag:$0xD], $0x800, $0x38;
	[tilespmem:$0x1BF80] =	vst v63  }
0x43: {  	s5 =	simm.s32 @!p0 $0xD  }
0x44: {  	_ =	swait.ge @!p0 [sflag:s5], $0x800  }
0x45: {  	[sflag:s5] =	ssyncset.done @!p0 $0x0  }
0x46: {  	[sflag:s5] =	ssyncadd.s32 @!p0 $0xFFFFF800  }
0x47: {  	_ =	swait.ge [sflag:s28], $0x50  }
0x48: {  	[sflag:s28] =	ssyncset.done $0x0  }
0x49: {  	[sflag:s28] =	ssyncadd.s32 $0xFFFFFFB0  }
0x4a: {  	_ =	swait.ge [sflag:s29], $0x50  }
0x4b: {  	[sflag:s29] =	ssyncset.done $0x0  }
0x4c: {  	[sflag:s29] =	ssyncadd.s32 $0xFFFFFFB0  }
0x4d: {  	[tilespmem:s17], [sflag:$0x7] =	stream.indirect.gather [hbm4b:s4+s30], $0x80, s24, s30, $0xb8;
	[tilespmem:$0x1BF80] =	vst v63  }
0x4e: {  	[bflag:$0x0] =	sbarrier.arrive $0xFFFF  }
0x4f: {  	_ =	swait.ge [sflag:s0], $0x2800  }
0x50: {  	[sflag:s0] =	ssyncset.done $0x0  }
0x51: {  	[sflag:s0] =	ssyncadd.s32 $0xFFFFD800  }
0x52: {  	[spmem:s31] =	stream.indirect.scatter.add.f32 [tilespmem:s17], [sflag:$0xA], $0x80, s25, s30, $0xb8;
	[tilespmem:$0x1BF80] =	vst v63  }
0x53: {  	_ =	swait.ge [sflag:s2], $0x50  }
0x54: {  	[sflag:s2] =	ssyncset.done $0x0  }
0x55: {  	[sflag:s2] =	ssyncadd.s32 $0xFFFFFFB0  }
0x56: {  	_ =	swait.ge [sflag:s8], $0x50  }
0x57: {  	[sflag:s8] =	ssyncset.done $0x0  }
0x58: {  	[sflag:s8] =	ssyncadd.s32 $0xFFFFFFB0  }
0x59: {  	[tilespmem:s1], [sflag:$0x8] =	stream.indirect.gather [hbm4b:s4+s30], $0x80, s9, s30, $0xb8;
	[tilespmem:$0x1BF80] =	vst v63  }
0x5a: {  	s11 =	simm.s32 $0x13980;
	s23 =	rddreg [dreg:$0xa]  }
0x5b: {  	[tilespmem:s11], [sflag:$0x3] =	stream.linear.gather [hbm4b:s23+s3], $0x50, $0x38;
	[tilespmem:$0x1BF80] =	vst v63  }
0x5c: {  	s26 =	rddreg [dreg:$0xb]  }
0x5d: {  	[tilespmem:s12], [sflag:$0x6] =	stream.linear.gather [hbm4b:s26+s3], $0x50, $0x38;
	[tilespmem:$0x1BF80] =	vst v63  }
0x5e: {  	_ =	swait.ge [sflag:s13], $0x2800  }
0x5f: {  	[sflag:s13] =	ssyncset.done $0x0  }
0x60: {  	[sflag:s13] =	ssyncadd.s32 $0xFFFFD800  }
0x61: {  	[spmem:s31] =	stream.indirect.scatter.add.f32 [tilespmem:s1], [sflag:$0xB], $0x80, s10, s30, $0xb8;
	[tilespmem:$0x1BF80] =	vst v63  }
0x62: {  	_ =	swait.ge [sflag:s14], $0x50  }
0x63: {  	[sflag:s14] =	ssyncset.done $0x0  }
0x64: {  	[sflag:s14] =	ssyncadd.s32 $0xFFFFFFB0  }
0x65: {  	_ =	swait.ge [sflag:s15], $0x50  }
0x66: {  	[sflag:s15] =	ssyncset.done $0x0  }
0x67: {  	[sflag:s15] =	ssyncadd.s32 $0xFFFFFFB0  }
0x68: {  	[tilespmem:s6], [sflag:$0x9] =	stream.indirect.gather [hbm4b:s4+s30], $0x80, s11, s30, $0xb8;
	[tilespmem:$0x1BF80] =	vst v63  }
0x69: {  	_ =	swait.ge [sflag:s20], $0x2800  }
0x6a: {  	s15 =	rddreg [dreg:$0x3]  }
0x6b: {  	s5 =	sadd.s32 $0x190, s15  }
0x6c: {  	s5 =	sadd.s32 $0xFFFFFE70, s5  }
0x6d: {  	[sflag:s20] =	ssyncset.done $0x0;
	s5 =	sshrl.u32 s5, $0x3  }
0x6e: {  	[sflag:s20] =	ssyncadd.s32 $0xFFFFD800;
	s16 =	sadd.s32 s19, s5  }
0x6f: {  	[tilespmem:s24], [sflag:$0x1] =	stream.linear.gather [hbm4b:s16+s3], $0x50, $0x38;
	[tilespmem:$0x1BF80] =	vst v63  }
0x70: {  	s5 =	sadd.s32 s7, s5  }
0x71: {  	[tilespmem:s25], [sflag:$0x4] =	stream.linear.gather [hbm4b:s5+s3], $0x50, $0x38;
	[tilespmem:$0x1BF80] =	vst v63  }
0x72: {  	_ =	swait.ge [sflag:s18], $0x2800  }
0x73: {  	[sflag:s18] =	ssyncset.done $0x0  }
0x74: {  	[sflag:s18] =	ssyncadd.s32 $0xFFFFD800  }
0x75: {  	[spmem:s31] =	stream.indirect.scatter.add.f32 [tilespmem:s6], [sflag:$0xC], $0x80, s12, s30, $0xb8;
	[tilespmem:$0x1BF80] =	vst v63  }
0x76: {  	_ =	swait.ge [sflag:s28], $0x50  }
0x77: {  	[sflag:s28] =	ssyncset.done $0x0  }
0x78: {  	[sflag:s28] =	ssyncadd.s32 $0xFFFFFFB0  }
0x79: {  	_ =	swait.ge [sflag:s29], $0x50  }
0x7a: {  	[sflag:s29] =	ssyncset.done $0x0  }
0x7b: {  	[sflag:s29] =	ssyncadd.s32 $0xFFFFFFB0  }
0x7c: {  	[tilespmem:s17], [sflag:$0x7] =	stream.indirect.gather [hbm4b:s4+s30], $0x80, s24, s30, $0xb8;
	[tilespmem:$0x1BF80] =	vst v63  }
0x7d: {  	s24 =	simm.s32 $0xB  }
0x7e: {  	_ =	swait.ge [sflag:s24], $0x2800  }
0x7f: {  	[sflag:s24] =	ssyncset.done $0x0  }
0x80: {  	s18 =	rddreg [dreg:$0x11];
	[sflag:s24] =	ssyncadd.s32 $0xFFFFD800  }
0x81: {  	[tilespmem:s9], [sflag:$0x2] =	stream.linear.gather [hbm4b:s18+s3], $0x50, $0x38;
	[tilespmem:$0x1BF80] =	vst v63  }
0x82: {  	p1 =	por $0x0, $0x0;
	s23 =	rddreg [dreg:$0x10]  }
0x83: {  	[tilespmem:s10], [sflag:$0x5] =	stream.linear.gather [hbm4b:s23+s3], $0x50, $0x38;
	[tilespmem:$0x1BF80] =	vst v63  }
0x84: {  	s26 =	simm.s32 $0xC;
	s13 =	simm.s32 $0x5;
	_ =	swait.ge [sflag:s0], $0x2800  }
0x85: {  	s1 =	simm.s32 $0x9;
	s5 =	simm.s32 $0x190;
	[sflag:s0] =	ssyncset.done $0x0  }
0x86: {  	s16 =	simm.s32 $0x13B80;
	s5 =	simm.s32 @p1 $0x0;
	[sflag:s0] =	ssyncadd.s32 $0xFFFFD800  }
0x87: {  	[spmem:s31] =	stream.indirect.scatter.add.f32 [tilespmem:s16], [sflag:$0xA], $0x80, s25, s30, $0xb8;
	[tilespmem:$0x1BF80] =	vst v63  }
0x88: {  	s14 =	simm.s32 $0x8;
	s5 =	sadd.s32 s21, s5;
	_ =	swait.ge [sflag:s2], $0x50  }
0x89: {  	s15 =	simm.s32 $0x3;
	s5 =	sshrl.u32 s5, $0x3;
	[sflag:s2] =	ssyncset.done $0x0  }
0x8a: {  	s22 =	sadd.s32 s7, s5;
	s12 =	simm.s32 $0x13B00;
	[sflag:s2] =	ssyncadd.s32 $0xFFFFFFB0  }
0x8b: {  	s6 =	simm.s32 $0x18B80;
	s28 =	sadd.s32 s19, s5;
	_ =	swait.ge [sflag:s8], $0x50  }
0x8c: {  	s29 =	simm.s32 $0x1;
	s17 =	simm.s32 $0x16380;
	[sflag:s8] =	ssyncset.done $0x0  }
0x8d: {  	s5 =	sadd.s32 $0x1E, s18;
	s18 =	simm.s32 $0x6;
	[sflag:s8] =	ssyncadd.s32 $0xFFFFFFB0  }
0x8e: {  	[tilespmem:s17], [sflag:$0x8] =	stream.indirect.gather [hbm4b:s4+s30], $0x80, s9, s30, $0xb8;
	[tilespmem:$0x1BF80] =	vst v63  }
0x8f: {  	s0 =	simm.s32 $0x4;
	s25 =	simm.s32 $0x280;
	_ =	swait.ge [sflag:s26], $0x2800  }
0x90: {  	s16 =	smov.u32 s23;
	s23 =	simm.s32 $0x13980;
	[sflag:s26] =	ssyncset.done $0x0  }
0x91: {  	s2 =	simm.s32 $0x7;
	s8 =	simm.s32 $0x2;
	[sflag:s26] =	ssyncadd.s32 $0xFFFFD800  }
0x92: {  	[tilespmem:s11], [sflag:$0x3] =	stream.linear.gather [hbm4b:s28+s3], $0x50, $0x38;
	[tilespmem:$0x1BF80] =	vst v63  }
.LBB2_6:
0x93: {  	[tilespmem:s12], [sflag:$0x6] =	stream.linear.gather [hbm4b:s22+s3], $0x50, $0x38;
	[tilespmem:$0x1BF80] =	vst v63  }
0x94: {  	_ =	swait.ge [sflag:s14], $0x2800  }
0x95: {  	[sflag:s14] =	ssyncset.done $0x0  }
0x96: {  	s17 =	simm.s32 $0x16380;
	s9 =	simm.s32 $0x13A80;
	[sflag:s14] =	ssyncadd.s32 $0xFFFFD800  }
0x97: {  	[spmem:s31] =	stream.indirect.scatter.add.f32 [tilespmem:s17], [sflag:$0xB], $0x80, s9, s30, $0xb8;
	[tilespmem:$0x1BF80] =	vst v63  }
0x98: {  	_ =	swait.ge [sflag:s15], $0x50  }
0x99: {  	[sflag:s15] =	ssyncset.done $0x0  }
0x9a: {  	[sflag:s15] =	ssyncadd.s32 $0xFFFFFFB0  }
0x9b: {  	_ =	swait.ge [sflag:s18], $0x50  }
0x9c: {  	[sflag:s18] =	ssyncset.done $0x0  }
0x9d: {  	[sflag:s18] =	ssyncadd.s32 $0xFFFFFFB0  }
0x9e: {  	[tilespmem:s6], [sflag:$0x9] =	stream.indirect.gather [hbm4b:s4+s30], $0x80, s23, s30, $0xb8;
	[tilespmem:$0x1BF80] =	vst v63  }
0x9f: {  	_ =	swait.ge [sflag:s20], $0x2800  }
0xa0: {  	s21 =	smov.u32 s25;
	s10 =	rddreg [dreg:$0x3]  }
0xa1: {  	s22 =	sadd.s32 s21, s10  }
0xa2: {  	s22 =	sadd.s32 $0xFFFFFE70, s22  }
0xa3: {  	[sflag:s20] =	ssyncset.done $0x0;
	s22 =	sshrl.u32 s22, $0x3  }
0xa4: {  	[sflag:s20] =	ssyncadd.s32 $0xFFFFD800;
	s10 =	simm.s32 $0x13880;
	s11 =	sadd.s32 s19, s22  }
0xa5: {  	[tilespmem:s10], [sflag:$0x1] =	stream.linear.gather [hbm4b:s11+s3], $0x50, $0x38;
	[tilespmem:$0x1BF80] =	vst v63  }
0xa6: {  	s23 =	simm.s32 $0x13A00;
	s22 =	sadd.s32 s7, s22  }
0xa7: {  	[tilespmem:s23], [sflag:$0x4] =	stream.linear.gather [hbm4b:s22+s3], $0x50, $0x38;
	[tilespmem:$0x1BF80] =	vst v63  }
0xa8: {  	_ =	swait.ge [sflag:s1], $0x2800  }
0xa9: {  	[sflag:s1] =	ssyncset.done $0x0  }
0xaa: {  	[sflag:s1] =	ssyncadd.s32 $0xFFFFD800  }
0xab: {  	[spmem:s31] =	stream.indirect.scatter.add.f32 [tilespmem:s6], [sflag:$0xC], $0x80, s12, s30, $0xb8;
	[tilespmem:$0x1BF80] =	vst v63  }
0xac: {  	_ =	swait.ge [sflag:s29], $0x50  }
0xad: {  	[sflag:s29] =	ssyncset.done $0x0  }
0xae: {  	[sflag:s29] =	ssyncadd.s32 $0xFFFFFFB0  }
0xaf: {  	_ =	swait.ge [sflag:s0], $0x50  }
0xb0: {  	[sflag:s0] =	ssyncset.done $0x0  }
0xb1: {  	s11 =	simm.s32 $0x13B80;
	[sflag:s0] =	ssyncadd.s32 $0xFFFFFFB0  }
0xb2: {  	[tilespmem:s11], [sflag:$0x7] =	stream.indirect.gather [hbm4b:s4+s30], $0x80, s10, s30, $0xb8;
	[tilespmem:$0x1BF80] =	vst v63  }
0xb3: {  	_ =	swait.ge [sflag:s24], $0x2800  }
0xb4: {  	[sflag:s24] =	ssyncset.done $0x0  }
0xb5: {  	s22 =	simm.s32 $0x13900;
	[sflag:s24] =	ssyncadd.s32 $0xFFFFD800  }
0xb6: {  	[tilespmem:s22], [sflag:$0x2] =	stream.linear.gather [hbm4b:s5+s3], $0x50, $0x38;
	[tilespmem:$0x1BF80] =	vst v63  }
0xb7: {  	s16 =	sadd.s32 $0x1E, s16  }
0xb8: {  	[tilespmem:s9], [sflag:$0x5] =	stream.linear.gather [hbm4b:s16+s3], $0x50, $0x38;
	[tilespmem:$0x1BF80] =	vst v63  }
0xb9: {  	_ =	swait.ge [sflag:s2], $0x2800  }
0xba: {  	[sflag:s2] =	ssyncset.done $0x0  }
0xbb: {  	[sflag:s2] =	ssyncadd.s32 $0xFFFFD800  }
0xbc: {  	[spmem:s31] =	stream.indirect.scatter.add.f32 [tilespmem:s11], [sflag:$0xA], $0x80, s23, s30, $0xb8;
	[tilespmem:$0x1BF80] =	vst v63  }
0xbd: {  	_ =	swait.ge [sflag:s8], $0x50  }
0xbe: {  	[sflag:s8] =	ssyncset.done $0x0  }
0xbf: {  	[sflag:s8] =	ssyncadd.s32 $0xFFFFFFB0  }
0xc0: {  	_ =	swait.ge [sflag:s13], $0x50  }
0xc1: {  	p1 =	sne.s32 s25, $0x2710;
	[sflag:s13] =	ssyncset.done $0x0  }
0xc2: {  	s25 =	sadd.s32 $0xF0, s25;
	p2 =	seq.s32 s21, $0x2710;
	[sflag:s13] =	ssyncadd.s32 $0xFFFFFFB0  }
0xc3: {  	[tilespmem:s17], [sflag:$0x8] =	stream.indirect.gather [hbm4b:s4+s30], $0x80, s22, s30, $0xb8;
	[tilespmem:$0x1BF80] =	vst v63  }
0xc4: {  	s28 =	simm.s32 $0x13980;
	s21 =	simm.s32 @p2 $0x0;
	_ =	swait.ge [sflag:s26], $0x2800  }
.Ltmp2:
0xc5: {  	s10 =	simm.s32 $0x13A80;
	s9 =	rddreg [dreg:$0x4];
	(pc) =	sbr.rel @p1 .LBB2_6-.Ltmp2, $4  }
0xc6: {  	s5 =	sadd.s32 $0x1E, s5;
	s11 =	simm.s32 $0x16380;
	s21 =	sadd.s32 s9, s21  }
0xc7: {  	s23 =	simm.s32 $0x13980;
	[sflag:s26] =	ssyncset.done $0x0;
	s21 =	sshrl.u32 s21, $0x3  }
0xc8: {  	[sflag:s26] =	ssyncadd.s32 $0xFFFFD800;
	s17 =	sadd.s32 s19, s21;
	s22 =	sadd.s32 s7, s21  }
0xc9: {  	[tilespmem:s28], [sflag:$0x3] =	stream.linear.gather [hbm4b:s17+s3], $0x50, $0x38;
	[tilespmem:$0x1BF80] =	vst v63  }
0xca: {  	[tilespmem:s12], [sflag:$0x6] =	stream.linear.gather [hbm4b:s22+s3], $0x50, $0x38;
	[tilespmem:$0x1BF80] =	vst v63  }
0xcb: {  	_ =	swait.ge [sflag:s14], $0x2800  }
0xcc: {  	[sflag:s14] =	ssyncset.done $0x0  }
0xcd: {  	[sflag:s14] =	ssyncadd.s32 $0xFFFFD800  }
0xce: {  	[spmem:s31] =	stream.indirect.scatter.add.f32 [tilespmem:s11], [sflag:$0xB], $0x80, s10, s30, $0xb8;
	[tilespmem:$0x1BF80] =	vst v63  }
0xcf: {  	_ =	swait.ge [sflag:s20], $0x2800  }
0xd0: {  	[sflag:s20] =	ssyncset.done $0x0  }
0xd1: {  	[sflag:s20] =	ssyncadd.s32 $0xFFFFD800  }
0xd2: {  	_ =	swait.ge [sflag:s24], $0x2800  }
0xd3: {  	[sflag:s24] =	ssyncset.done $0x0  }
0xd4: {  	[sflag:s24] =	ssyncadd.s32 $0xFFFFD800  }
0xd5: {  	_ =	swait.ge [sflag:s15], $0x50  }
0xd6: {  	[sflag:s15] =	ssyncset.done $0x0  }
0xd7: {  	[sflag:s15] =	ssyncadd.s32 $0xFFFFFFB0  }
0xd8: {  	_ =	swait.ge [sflag:s18], $0x50  }
0xd9: {  	[sflag:s18] =	ssyncset.done $0x0  }
0xda: {  	[sflag:s18] =	ssyncadd.s32 $0xFFFFFFB0  }
0xdb: {  	s5 =	stileid.u32;
	[bflag:$0x0] =	sbarrier.arrive $0xFFFF  }
0xdc: {  	s26 =	simm.s32 $0xD;
	s5 =	sshll.u32 s5, $0x6;
	s23 =	rddreg [dreg:$0xd]  }
0xdd: {  	s5 =	sor.u32 $0x1C0D, s5;
	s21 =	rddreg [dreg:$0xc];
	s16 =	sshrl.u32 s23, $0x3  }
0xde: {  	[hbm:s21], [sflag:s5] =	dma.local [spmem:s16], $0x2700  }
0xdf: {  	_ =	swait.ge [sflag:s26], $0x2700  }
0xe0: {  	[sflag:s26] =	ssyncset.done $0x0;
	s22 =	rddreg [dreg:$0x9]  }
0xe1: {  	s21 =	rddreg [dreg:$0xe];
	[sflag:s26] =	ssyncadd.s32 $0xFFFFD900;
	s16 =	sshrl.u32 @!p0 s22, $0x3  }
0xe2: {  	[hbm:s21], [sflag:s5] =	dma.local @!p0 [spmem:s16], $0x100  }
0xe3: {  	s5 =	simm.s32 @!p0 $0xD  }
0xe4: {  	s9 =	simm.s32 $0x13900;
	_ =	swait.ge @!p0 [sflag:s5], $0x100  }
0xe5: {  	s17 =	simm.s32 $0x13B80;
	s1 =	simm.s32 $0x16380;
	s24 =	rddreg [dreg:$0x12]  }
0xe6: {  	s28 =	simm.s32 $0x1;
	s25 =	rddreg [dreg:$0xf];
	s12 =	sadd.s32 $0x1, s24  }
0xe7: {  	s29 =	simm.s32 $0x4;
	s0 =	simm.s32 $0x7;
	p1 =	sne.s32 s12, s25  }
.Ltmp3:
0xe8: {  	s2 =	simm.s32 $0x2;
	s8 =	simm.s32 $0x5;
	(pc) =	sbr.rel @p1 .LBB2_1-.Ltmp3, $4  }
0xe9: {  	s13 =	simm.s32 $0x8;
	s6 =	simm.s32 $0x18B80;
	s14 =	simm.s32 $0x3  }
0xea: {  	s10 =	simm.s32 $0x13A80;
	s11 =	simm.s32 $0x1B380;
	s15 =	simm.s32 $0x6  }
0xeb: {  	s18 =	simm.s32 $0x9;
	[sflag:s5] =	ssyncset.done @!p0 $0x0;
	s21 =	rddreg [dreg:$0x4]  }
0xec: {  	[sflag:s5] =	ssyncadd.s32 @!p0 $0xFFFFFF00;
	s24 =	simm.s32 $0x13880;
	s25 =	simm.s32 $0x13A00  }
0xed: {  	_ =	sfence.sel $0x180000  }
0xee: {  	[bflag:$0x0] =	sbarrier.arrive $0xFFFF  }
0xef: {  	_ =	strace $0x9000004A  }
0xf0: {  	[bflag:$0x2] =	sbarrier.arrive $0xFFFF  }
0xf1: {  	s0 =	rddreg [dreg:$0x2]  }
0xf2: {  	s0 =	sadd.s32 @!p0 $0x100000, s0  }
0xf3: {  	[sflag:s0] =	ssyncadd.tile.s32 @!p0 $0x1;
	_ =	shalt  }
.Lfunc_end2:
_tile_overlayer_lowered:
.L_overlay_start_2:
0xf4: {  	(tag) =	ssettag $0x2  }
0xf5: {  	s0 =	rddreg [dreg:$0x0];
	s2 =	stileid.u32  }
0xf6: {  	s1 =	rddreg [dreg:$0x1];
	p0 =	sne.s32 s2, $0x0  }
0xf7: {  	s3 =	rddreg [dreg:$0x2];
	[bflag:$0x3] =	sbarrier.arrive $0xFFFF;
	s2 =	simm.s32 @!p0 $0x1C0D  }
0xf8: {  	[timem:s3], [sflag:s2] =	dma.local @!p0 [hbm:s0], s1  }
0xf9: {  	s0 =	simm.s32 @!p0 $0xD  }
0xfa: {  	_ =	swait.ge @!p0 [sflag:s0], s1  }
0xfb: {  	s1 =	ssub.s32 @!p0 $0x0, s1;
	[sflag:s0] =	ssyncset.done @!p0 $0x0  }
0xfc: {  	[sflag:s0] =	ssyncadd.s32 @!p0 s1  }
0xfd: {  	[bflag:$0x3] =	sbarrier.arrive $0xFFFF  }
0xfe: {  	_ =	shalt  }

// kernel: kernel.7.cloned.1.call-start
scs
__scs_entry_jumppad:
0x0: {  	(pc) =	sbr.rel $0x88, $3  }
0x1: {  	(tag) =	ssettag $0x0;
	lr =	simm.s32 $0x1  }
0x2: {  	[smem:$0x3F91] =	sst lr;
	_ =	strace $0xD0000000  }
0x3: {  	_ = 	snop  }
0x4: {  	_ = 	snop  }
0x5: {  	_ = 	snop  }
0x6: {  	_ = 	snop  }
0x7: {  	_ = 	snop  }
__scs_overlays_trampoline_lowered:
0x8: {  	[smem:$0x3FA0] =	sst s0  }
0x9: {  	[smem:$0x3FA1] =	sst s1  }
0xa: {  	[smem:$0x3FA2] =	sst s2  }
0xb: {  	[smem:$0x3FA3] =	sst s3  }
0xc: {  	[smem:$0x3FA4] =	sst s4  }
0xd: {  	[smem:$0x3FA5] =	sst s5  }
0xe: {  	[smem:$0x3FA6] =	sst s6  }
0xf: {  	[smem:$0x3FA7] =	sst s7  }
0x10: {  	[smem:$0x3FA8] =	sst s8  }
0x11: {  	[smem:$0x3FA9] =	sst s9;
	s0 =	simm.s32 @!p0 $0x0  }
0x12: {  	s1 =	sld [smem:$0x3F8F];
	s0 =	simm.s32 @p0 $0x1  }
0x13: {  	[smem:$0x3FAA] =	sst s0;
	s0 =	simm.s32 @!p1 $0x0  }
0x14: {  	s2 =	sld [smem:$0x3F8E];
	s0 =	simm.s32 @p1 $0x1  }
0x15: {  	[smem:$0x3FAB] =	sst s0;
	s0 =	simm.s32 @!p2 $0x0  }
0x16: {  	s3 =	sld [smem:$0x3FDB];
	s0 =	simm.s32 @p2 $0x1  }
0x17: {  	s4 =	simm.s32 $0x1BF5;
	[smem:$0x3FAD] =	sst s0  }
0x18: {  	s0 =	sld [smem:$0x3F90];
	_ =	swait.ge [sflag:s4], $0x0  }
0x19: {  	s7 =	sld [smem:$0x3F91]  }
0x1a: {  	s8 =	sadd.s32 $0xFFFFE003, lr  }
0x1b: {  	s9 =	sadd.s32 $0xFFFFFEF7, lr;
	s5 =	simm.s32 $0xFFFFFFFF;
	p2 =	slt.u32 s8, $0xFFFFF086  }
0x1c: {  	p1 =	slt.u32 s9, $0xF7A;
	s5 =	simm.s32 @!p2 $0x0  }
0x1d: {  	s5 =	simm.s32 @p1 $0x1;
	p0 =	seq.s32 s7, s2  }
0x1e: {  	s7 =	smul.u32 @!p0 $0xF7A, s2;
	p2 =	seq.s32 @!p0 s5, $0x0  }
0x1f: {  	s9 =	smul.u32 $0xF7A, s1;
	s8 =	simm.s32 @!p0 $0x1BF5;
	p2 =	por !p2, p0  }
0x20: {  	[sflag:s8] =	ssyncset.s32 @!p0 $0xFFFFF086;
	s6 =	sadd.s32 @!p0 s3, s7;
	s7 =	simm.s32 @!p0 $0x108  }
0x21: {  	s3 =	sadd.s32 s3, s9;
	s6 =	sadd.s32 @!p0 $0x88, s6;
	s7 =	simm.s32 @p2 $0x1082  }
0x22: {  	[simem:s7], [sflag:s8] =	dma.local @!p0 [hbm:s6], $0xF7A  }
0x23: {  	s9 =	sor.u32 $0xD0000000, s2;
	s6 =	simm.s32 $0x108;
	_ =	swait.ge @!p0 [sflag:s8], $0x0  }
0x24: {  	s3 =	sadd.s32 $0x88, s3;
	s6 =	simm.s32 @!p1 $0x1082;
	[sflag:s4] =	ssyncset.s32 $0xFFFFF086  }
0x25: {  	[simem:s6], [sflag:s4] =	dma.local [hbm:s3], $0xF7A  }
0x26: {  	[smem:$0x3F91] =	sst s1;
	(tag) =	ssettag s2;
	_ =	strace s9  }
0x27: {  	s1 =	sld [smem:$0x3FA1]  }
0x28: {  	s2 =	sld [smem:$0x3FA2]  }
0x29: {  	s4 =	sld [smem:$0x3FA4]  }
0x2a: {  	p0 =	seq.s32 s5, $0x0;
	s5 =	sld [smem:$0x3FA5]  }
0x2b: {  	s6 =	sld [smem:$0x3FA6]  }
0x2c: {  	s7 =	sld [smem:$0x3FA7]  }
0x2d: {  	s3 =	simm.s32 $0x108;
	s8 =	sld [smem:$0x3FA8]  }
0x2e: {  	s3 =	simm.s32 @!p0 $0x1082;
	s9 =	sld [smem:$0x3FA9]  }
0x2f: {  	lr =	sadd.s32 s0, s3;
	s0 =	sld [smem:$0x3FA0]  }
0x30: {  	s3 =	sld [smem:$0x3FA3]  }
0x31: {  	[smem:$0x3FAC] =	sst s10  }
0x32: {  	s10 =	sld [smem:$0x3FAA];
	_ =	sdelay $0x3  }
0x33: {  	p0 =	seq.s32 s10, $0x1;
	s10 =	sld [smem:$0x3FAC];
	_ =	sdelay $0x3  }
0x34: {  	[smem:$0x3FAC] =	sst s10  }
0x35: {  	s10 =	sld [smem:$0x3FAB];
	_ =	sdelay $0x3  }
0x36: {  	p1 =	seq.s32 s10, $0x1;
	s10 =	sld [smem:$0x3FAC];
	_ =	sdelay $0x3  }
0x37: {  	[smem:$0x3FAC] =	sst s10  }
0x38: {  	s10 =	sld [smem:$0x3FAD]  }
0x39: {  	_ = 	snop;
	(pc) =	sbr.ind lr, $3  }
0x3a: {  	_ = 	snop  }
0x3b: {  	_ = 	snop  }
0x3c: {  	p2 =	seq.s32 s10, $0x1;
	s10 =	sld [smem:$0x3FAC]  }
0x3d: {  	_ =	shalt  }
0x3e: {  	_ =	shalt  }
0x3f: {  	_ =	shalt  }
0x40: {  	_ =	shalt  }
0x41: {  	_ =	shalt  }
0x42: {  	_ =	shalt  }
0x43: {  	_ =	shalt  }
0x44: {  	_ =	shalt  }
0x45: {  	_ =	shalt  }
0x46: {  	_ =	shalt  }
0x47: {  	_ =	shalt  }
0x48: {  	_ =	shalt  }
0x49: {  	_ =	shalt  }
0x4a: {  	_ =	shalt  }
0x4b: {  	_ =	shalt  }
0x4c: {  	_ =	shalt  }
0x4d: {  	_ =	shalt  }
0x4e: {  	_ =	shalt  }
0x4f: {  	_ =	shalt  }
0x50: {  	_ =	shalt  }
0x51: {  	_ =	shalt  }
0x52: {  	_ =	shalt  }
0x53: {  	_ =	shalt  }
0x54: {  	_ =	shalt  }
0x55: {  	_ =	shalt  }
0x56: {  	_ =	shalt  }
0x57: {  	_ =	shalt  }
0x58: {  	_ =	shalt  }
0x59: {  	_ =	shalt  }
0x5a: {  	_ =	shalt  }
0x5b: {  	_ =	shalt  }
0x5c: {  	_ =	shalt  }
0x5d: {  	_ =	shalt  }
0x5e: {  	_ =	shalt  }
0x5f: {  	_ =	shalt  }
0x60: {  	_ =	shalt  }
0x61: {  	_ =	shalt  }
0x62: {  	_ =	shalt  }
0x63: {  	_ =	shalt  }
0x64: {  	_ =	shalt  }
0x65: {  	_ =	shalt  }
0x66: {  	_ =	shalt  }
0x67: {  	_ =	shalt  }
0x68: {  	_ =	shalt  }
0x69: {  	_ =	shalt  }
0x6a: {  	_ =	shalt  }
0x6b: {  	_ =	shalt  }
0x6c: {  	_ =	shalt  }
0x6d: {  	_ =	shalt  }
0x6e: {  	_ =	shalt  }
0x6f: {  	_ =	shalt  }
0x70: {  	_ =	shalt  }
0x71: {  	_ =	shalt  }
0x72: {  	_ =	shalt  }
0x73: {  	_ =	shalt  }
0x74: {  	_ =	shalt  }
0x75: {  	_ =	shalt  }
0x76: {  	_ =	shalt  }
0x77: {  	_ =	shalt  }
0x78: {  	_ =	shalt  }
0x79: {  	_ =	shalt  }
0x7a: {  	_ =	shalt  }
0x7b: {  	_ =	shalt  }
0x7c: {  	_ =	shalt  }
0x7d: {  	_ =	shalt  }
0x7e: {  	_ =	shalt  }
0x7f: {  	_ =	shalt  }
0x80: {  	_ =	shalt  }
0x81: {  	_ =	shalt  }
0x82: {  	_ =	shalt  }
0x83: {  	_ =	shalt  }
0x84: {  	_ =	shalt  }
0x85: {  	_ =	shalt  }
0x86: {  	_ =	shalt  }
0x87: {  	_ =	shalt  }
.Lfunc_end0:
.L_simem_size_0:
called_computation_lowered:
.L_overlay_start_0:
0x88: {  	s2 =	sld [smem:$0x3FD9]  }
0x89: {  	s3 =	sld [smem:$0x3FFE];
	_ =	sdelay $0x1  }
0x8a: {  	s1 =	srdreg.scid  }
0x8b: {  	s0 =	sand.u32 $0x1, s1  }
0x8c: {  	s17 =	sshll.u32 s0, $0xA;
	s2 =	sadd.s32 s3, s2  }
0x8d: {  	s2 =	sadd.s32 s2, s17  }
0x8e: {  	[smem:$0x3FB8] =	sst s2  }
0x8f: {  	_ = 	snop  }
0x90: {  	s2 =	sld [smem:$0x3FD0];
	(tm) =	ssettm $0x1  }
0x91: {  	s18 =	sld [smem:$0x3FFB];
	_ =	sdelay $0x3  }
0x92: {  	_ =	strace s18  }
0x93: {  	s3 =	sld [smem:$0x3FFC];
	_ =	sdelay $0x3  }
0x94: {  	_ =	strace s3  }
0x95: {  	s3 =	sld [smem:$0x3FFD];
	_ =	sdelay $0x3  }
0x96: {  	_ =	strace s3  }
0x97: {  	_ =	strace $0x8FFFFFFF  }
0x98: {  	s19 =	sld [smem:$0x3FDB];
	_ =	sdelay $0x1  }
0x99: {  	s4 =	simm.s32 $_scs_section_size  }
0x9a: {  	s5 =	simm.s32 $_size__tile_overlayer_lowered;
	s6 =	simm.s32 $_tile_overlayer_lowered  }
0x9b: {  	s22 =	simm.s32 $0x1BFF;
	s21 =	sshll.u32 s6, $0x1;
	s3 =	sadd.s32 s4, s19  }
0x9c: {  	s7 =	simm.s32 $0x0;
	s20 =	sshll.u32 s5, $0x1;
	s5 =	sadd.s32 s21, s3  }
0x9d: {  	[timem:s7], [sflag:s22] =	dma.local [hbm:s5], s20  }
0x9e: {  	_ =	swait.ge [sflag:s22], s20  }
0x9f: {  	s4 =	ssub.s32 $0x0, s20;
	[sflag:s22] =	ssyncset.done $0x0  }
0xa0: {  	[sflag:s22] =	ssyncadd.s32 s4;
	_ =	sdelay $0x1  }
0xa1: {  	s23 =	simm.s32 $0x1B8B  }
0xa2: {  	_ =	swait.ge [sflag:s23], $0x1  }
0xa3: {  	[sflag:s23] =	ssyncset.done $0x0  }
0xa4: {  	s25 =	simm.s32 $0x1B8E;
	s24 =	sld [smem:$0x3FFE];
	[sflag:s23] =	ssyncadd.s32 $0xFFFFFFFF  }
0xa5: {  	s26 =	simm.s32 $execute0_lowered;
	[smem:$0x3FD2] =	sst s25  }
0xa6: {  	s5 =	sshll.u32 s26, $0x1;
	_ =	strace $0x80000046;
	[dreg:$0x1] =	wrdreg $0xFFFFFFFF  }
0xa7: {  	s28 =	simm.s32 $_size_execute0_lowered;
	s3 =	sadd.s32 s3, s5;
	[dreg:$0x0] =	wrdreg $0x0  }
0xa8: {  	s5 =	sshll.u32 s28, $0x1;
	[dreg:$0x2] =	wrdreg s3  }
0xa9: {  	[dreg:$0x3] =	wrdreg s5  }
0xaa: {  	[dreg:$0x4] =	wrdreg $0xC0  }
0xab: {  	_ =	task [dreg:s7], $0x5FFFF  }
0xac: {  	[dreg:$0x1] =	wrdreg $0xFFFFFFFF  }
0xad: {  	[dreg:$0x0] =	wrdreg $0x60  }
0xae: {  	[dreg:$0x2] =	wrdreg s24  }
0xaf: {  	[dreg:$0x3] =	wrdreg s2  }
0xb0: {  	[dreg:$0x4] =	wrdreg $0x0  }
0xb1: {  	[dreg:$0x5] =	wrdreg $0x9  }
0xb2: {  	_ =	task.clear_ibuf [dreg:s7], $0x6FFFF;
	_ =	strace $0x90000046  }
0xb3: {  	s29 =	simm.s32 $0x9;
	_ =	strace $0x80000048  }
0xb4: {  	_ =	swait.ge [sflag:s29], $0x1  }
0xb5: {  	[sflag:s29] =	ssyncadd.s32 $0xFFFFFFFF  }
0xb6: {  	_ =	strace $0x90000048  }
0xb7: {  	_ =	sfence  }
0xb8: {  	s30 =	sld [smem:$0x0];
	_ =	sdelay $0x2  }
0xb9: {  	s31 =	sshll.u32 s1, $0xD;
	s1 =	sshrl.u32 s1, $0x2  }
0xba: {  	s3 =	sand.u32 $0x4000, s31;
	s1 =	sadd.s32 s1, s30  }
0xbb: {  	s0 =	sor.u32 s3, s0;
	s1 =	sshll.u32 s1, $0x11  }
0xbc: {  	s0 =	sor.u32 s1, s0  }
0xbd: {  	s0 =	sadd.s32 $0x8F2B, s0  }
0xbe: {  	[sflag:s0] =	ssyncadd.remote.s32 $0x1  }
0xbf: {  	_ =	sfence.sel $0xFFFF  }
0xc0: {  	[dreg:$0x0] =	wrdreg $0xFFFFFFFF;
	(pc) =	sbr.abs _section_cstart, $3  }
0xc1: {  	[dreg:$0x1] =	wrdreg $0xFFFFFFFF  }
0xc2: {  	_ =	task.clear_ibuf [dreg:s7], $0x2FFFF;
	_ =	strace $0x9FFFFFFF  }
0xc3: {  	(tm) =	ssettm $0x7FFFFFFF  }
tec
execute0_lowered:
.L_overlay_start_1:
0x0: {  	(tag) =	ssettag $0x1  }
0x1: {  	s0 =	rddreg [dreg:$0x0]  }
0x2: {  	s3 =	rddreg [dreg:$0x1]  }
0x3: {  	s29 =	rddreg [dreg:$0x2];
	s2 =	simm.s32 $0x0;
	s4 =	srdreg.scid  }
0x4: {  	s15 =	stileid.u32;
	s28 =	simm.s32 $0xD;
	s31 =	simm.s32 $0x13A80  }
0x5: {  	s30 =	simm.s32 $0x50;
	[smem:$0x7FF] =	sst s2;
	s5 =	sand.u32 $0x1, s4  }
0x6: {  	s16 =	sshll.u32 s15, $0x1;
	s20 =	sadd.s32 $0x14200, s0;
	s22 =	smul.u32 $0x13800, s15  }
0x7: {  	s7 =	sadd.s32 $0xA400, s0;
	s19 =	sadd.s32 $0x600, s0;
	s26 =	smul.u32 $0x4E000, s15  }
0x8: {  	s0 =	sadd.s32 $0x3B400, s0;
	s25 =	sadd.s32 $0x138000, s29;
	s4 =	smul.u32 $0x4E20, s15  }
0x9: {  	s14 =	sshrl.u32 s15, $0x2;
	p0 =	sne.s32 s15, $0x0;
	s12 =	smul.u32 $0x138800, s5  }
0xa: {  	s15 =	simm.s32 $0x0;
	_ =	strace $0x80000047;
	s14 =	smul.u32 $0x13C00, s14  }
0xb: {  	s8 =	sor.u32 s5, s16;
	s9 =	ssub.s32 $0x2, s5;
	s5 =	smul.u32 $0x2710, s5  }
0xc: {  	[dreg:$0x9] =	wrdreg s25;
	s24 =	smul.u32 $0x2710, s8;
	s10 =	sshrl.u32 s9, $0x1  }
0xd: {  	s6 =	sshrl.u32 s26, $0x2;
	s8 =	sshll.u32 s8, $0x7;
	s9 =	ssub.s32 s9, s10  }
0xe: {  	s23 =	sadd.s32 s22, s12;
	s8 =	sand.u32 $0x380, s8;
	s5 =	sadd.s32 s5, s4  }
0xf: {  	s4 =	simm.s32 $0x0;
	s17 =	sshrl.u32 s24, $0x3;
	s8 =	sor.u32 s14, s8  }
0x10: {  	s26 =	sadd.s32 $0xF0, s5;
	s14 =	simm.s32 $0x13A00;
	[dreg:$0x13] =	wrdreg s24  }
0x11: {  	s11 =	sadd.s32 s7, s17;
	s18 =	sadd.s32 $0xA, s17;
	s13 =	sadd.s32 s19, s17  }
0x12: {  	s10 =	sadd.s32 $0x14, s17;
	s17 =	sshrl.u32 s8, $0x3;
	[dreg:$0x4] =	wrdreg s26  }
0x13: {  	s26 =	simm.s32 $0x1B380;
	s8 =	simm.s32 $0x13B80;
	[dreg:$0x5] =	wrdreg s11  }
0x14: {  	[dreg:$0x6] =	wrdreg s13;
	s21 =	sadd.s32 s7, s18;
	s11 =	sadd.s32 s19, s18  }
0x15: {  	s16 =	sadd.s32 s7, s10;
	s10 =	sadd.s32 s19, s10;
	[dreg:$0x7] =	wrdreg s21  }
0x16: {  	s13 =	sshrl.u32 s12, $0x3;
	s18 =	sadd.s32 $0x140, s5;
	[dreg:$0x8] =	wrdreg s11  }
0x17: {  	s5 =	simm.s32 $0x16380;
	s12 =	simm.s32 $0x13B00;
	[dreg:$0xa] =	wrdreg s16  }
0x18: {  	s11 =	sshrl.u32 s23, $0x3;
	[dreg:$0xb] =	wrdreg s10;
	s16 =	sadd.s32 s6, s29  }
0x19: {  	s21 =	smax.u32 s9, $0x1;
	s22 =	sshrl.u32 s18, $0x3;
	s10 =	simm.s32 $0x13900  }
0x1a: {  	s6 =	simm.s32 $0x1;
	s9 =	simm.s32 $0x2;
	s18 =	simm.s32 $0x3  }
0x1b: {  	s1 =	sadd.s32 s0, s11;
	s0 =	sadd.s32 s0, s13;
	[dreg:$0xf] =	wrdreg s21  }
0x1c: {  	s23 =	sadd.s32 s22, s19;
	s13 =	simm.s32 $0x13880;
	[dreg:$0xc] =	wrdreg s1  }
0x1d: {  	s21 =	simm.s32 $0x5;
	s0 =	sadd.s32 $0x27000, s0;
	[dreg:$0x10] =	wrdreg s23  }
0x1e: {  	s11 =	simm.s32 $0x1BF80;
	[dreg:$0xd] =	wrdreg s0;
	s0 =	sadd.s32 s3, s17  }
0x1f: {  	s1 =	simm.s32 $0x13A80;
	[dreg:$0xe] =	wrdreg s0;
	s0 =	sadd.s32 s22, s7  }
0x20: {  	v0 =	vimm.f32 $0.0e+00;
	v1 =	vimm.f32 $1.000000000e+00;
	s3 =	simm.s32 $0x4;
	s17 =	simm.s32 $0x13980;
	[dreg:$0x11] =	wrdreg s0  }
.LBB2_1:
0x21: {  	s0 =	rddreg [dreg:$0x5]  }
0x22: {  	[tilespmem:s13], [sflag:$0x1] =	stream.linear.gather [hbm4b:s0+s2], $0x50, $0x38;
	[tilespmem:$0x1E700] =	vst v63  }
0x23: {  	s22 =	rddreg [dreg:$0x6]  }
0x24: {  	[tilespmem:s14], [sflag:$0x4] =	stream.linear.gather [hbm4b:s22+s2], $0x50, $0x38;
	[tilespmem:$0x1E700] =	vst v63  }
0x25: {  	s23 =	rddreg [dreg:$0x7]  }
0x26: {  	[tilespmem:s10], [sflag:$0x2] =	stream.linear.gather [hbm4b:s23+s2], $0x50, $0x38;
	[tilespmem:$0x1E700] =	vst v63  }
0x27: {  	s24 =	rddreg [dreg:$0x8];
	s22 =	simm.s32 $0x0;
	s23 =	simm.s32 $0x200  }
0x28: {  	[tilespmem:s1], [sflag:$0x5] =	stream.linear.gather [hbm4b:s24+s2], $0x50, $0x38;
	[tilespmem:$0x1E700] =	vst v63  }
.LBB2_2:
0x29: {  	p1 =	sne.s32 s23, $0x2E00;
	[tilespmem:s22+$0x1B3F0] =	vst v0  }
0x2a: {  	[tilespmem:s22+$0x1B380] =	vst v0  }
0x2b: {  	[tilespmem:s22+$0x1B390] =	vst v0  }
.Ltmp0:
0x2c: {  	[tilespmem:s22+$0x1B3A0] =	vst v0;
	(pc) =	sbr.rel @p1 .LBB2_2-.Ltmp0, $4  }
0x2d: {  	[tilespmem:s22+$0x1B3B0] =	vst v0  }
0x2e: {  	[tilespmem:s22+$0x1B3C0] =	vst v0  }
0x2f: {  	[tilespmem:s22+$0x1B3D0] =	vst v0  }
0x30: {  	[tilespmem:s22+$0x1B3E0] =	vst v0;
	s22 =	sshra.s32 s23, $0x2;
	s23 =	sadd.s32 $0x200, s23  }
0x31: {  	[tilespmem:s22+$0x1B3F0] =	vst v0  }
0x32: {  	[tilespmem:s22+$0x1B380] =	vst v0  }
0x33: {  	[tilespmem:s22+$0x1B390] =	vst v0  }
0x34: {  	[tilespmem:s22+$0x1B3A0] =	vst v0  }
0x35: {  	[tilespmem:s22+$0x1B3B0] =	vst v0  }
0x36: {  	[tilespmem:s22+$0x1B3C0] =	vst v0  }
0x37: {  	[tilespmem:s22+$0x1B3D0] =	vst v0  }
0x38: {  	[tilespmem:s22+$0x1B3E0] =	vst v0;
	s24 =	sadd.s32 $0x0, s16  }
0x39: {  	[spmem:s24] =	stream.linear.scatter [tilespmem:s26], [sflag:$0xD], $0xC00, $0x38;
	[tilespmem:$0x1E700] =	vst v63  }
0x3a: {  	s22 =	simm.s32 $0x3000;
	_ =	swait.ge [sflag:s28], $0xC00  }
.LBB2_4:
0x3b: {  	s23 =	sshra.s32 s22, $0x2;
	[sflag:s28] =	ssyncset.done $0x0;
	p1 =	sne.s32 s22, $0x4B000  }
.Ltmp1:
0x3c: {  	s23 =	sadd.s32 s23, s16;
	[sflag:s28] =	ssyncadd.s32 $0xFFFFF400;
	(pc) =	sbr.rel @p1 .LBB2_4-.Ltmp1, $3  }
0x3d: {  	[spmem:s23] =	stream.linear.scatter [tilespmem:s26], [sflag:$0xD], $0xC00, $0x38;
	[tilespmem:$0x1E700] =	vst v63  }
0x3e: {  	s22 =	sadd.s32 $0x3000, s22;
	_ =	sdelay $0x1  }
0x3f: {  	_ =	swait.ge [sflag:s28], $0xC00  }
0x40: {  	[sflag:s28] =	ssyncset.done $0x0  }
0x41: {  	s22 =	simm.s32 @!p0 $0x1B380;
	[sflag:s28] =	ssyncadd.s32 $0xFFFFF400  }
0x42: {  	[spmem:s25] =	stream.linear.scatter @!p0 [tilespmem:s22], [sflag:$0xD], $0x800, $0x38;
	[tilespmem:$0x1E700] =	vst v63  }
0x43: {  	[dreg:$0x12] =	wrdreg s15;
	s22 =	simm.s32 @!p0 $0xD  }
0x44: {  	_ =	swait.ge @!p0 [sflag:s22], $0x800  }
0x45: {  	s23 =	simm.s32 $0x0;
	[sflag:s22] =	ssyncset.done @!p0 $0x0  }
0x46: {  	s0 =	simm.s32 $0x7;
	[sflag:s22] =	ssyncadd.s32 @!p0 $0xFFFFF800;
	s22 =	simm.s32 $0x40  }
.LBB2_6:
0x47: {  	p1 =	sne.s32 s22, $0x9C00;
	[tilespmem:s23+$0x1BF80] =	vst v0;
	s23 =	smov.u32 s22;
	s22 =	sadd.s32 $0x40, s22  }
.Ltmp2:
0x48: {  	(pc) =	sbr.rel @p1 .LBB2_6-.Ltmp2, $2  }
0x49: {  	_ =	sdelay $0x2  }
0x4a: {  	s23 =	sshra.s32 s23, $0x2  }
0x4b: {  	[tilespmem:s23+$0x1BF80] =	vst v0  }
0x4c: {  	_ =	swait.ge [sflag:s6], $0x50  }
0x4d: {  	[sflag:s6] =	ssyncset.done $0x0  }
0x4e: {  	[sflag:s6] =	ssyncadd.s32 $0xFFFFFFB0  }
0x4f: {  	_ =	swait.ge [sflag:s3], $0x50  }
0x50: {  	[sflag:s3] =	ssyncset.done $0x0  }
0x51: {  	s15 =	simm.s32 $0x13880;
	s10 =	simm.s32 $0x50;
	[sflag:s3] =	ssyncadd.s32 $0xFFFFFFB0  }
0x52: {  	[tilespmem:s8], [sflag:$0x7] =	stream.indirect.gather [hbm4b:s20+s10], $0x80, s15, s10, $0xb8;
	[tilespmem:$0x1E700] =	vst v63  }
0x53: {  	[bflag:$0x0] =	sbarrier.arrive $0xFFFF  }
0x54: {  	_ =	swait.ge [sflag:s0], $0x2800  }
0x55: {  	[sflag:s0] =	ssyncset.done $0x0  }
0x56: {  	s22 =	simm.s32 $0x13A00;
	s6 =	simm.s32 $0x50;
	[sflag:s0] =	ssyncadd.s32 $0xFFFFD800  }
0x57: {  	[spmem:s29] =	stream.indirect.scatter.add.f32 [tilespmem:s8], [sflag:$0xA], $0x80, s22, s6, $0xb8;
	[tilespmem:$0x1E700] =	vst v63  }
0x58: {  	_ =	swait.ge [sflag:s9], $0x50  }
0x59: {  	[sflag:s9] =	ssyncset.done $0x0  }
0x5a: {  	[sflag:s9] =	ssyncadd.s32 $0xFFFFFFB0  }
0x5b: {  	_ =	swait.ge [sflag:s21], $0x50  }
0x5c: {  	[sflag:s21] =	ssyncset.done $0x0  }
0x5d: {  	s23 =	simm.s32 $0x13900;
	[sflag:s21] =	ssyncadd.s32 $0xFFFFFFB0  }
0x5e: {  	[tilespmem:s5], [sflag:$0x8] =	stream.indirect.gather [hbm4b:s20+s6], $0x80, s23, s6, $0xb8;
	[tilespmem:$0x1E700] =	vst v63  }
0x5f: {  	v2 =	vld [tilespmem:$0x13A00];
	_ =	sdelay $0x7  }
0x60: {  	[tilespmem:v2+s11+$0x0] =	vst.idx.add.f32.msk $0xffff, v1  }
0x61: {  	v2 =	vld [tilespmem:$0x13A10];
	_ =	sdelay $0x7  }
0x62: {  	[tilespmem:v2+s11+$0x0] =	vst.idx.add.f32.msk $0xffff, v1  }
0x63: {  	v2 =	vld [tilespmem:$0x13A20];
	_ =	sdelay $0x7  }
0x64: {  	[tilespmem:v2+s11+$0x0] =	vst.idx.add.f32.msk $0xffff, v1  }
0x65: {  	v2 =	vld [tilespmem:$0x13A30];
	_ =	sdelay $0x7  }
0x66: {  	[tilespmem:v2+s11+$0x0] =	vst.idx.add.f32.msk $0xffff, v1  }
0x67: {  	v2 =	vld [tilespmem:$0x13A40];
	_ =	sdelay $0x4  }
0x68: {  	s13 =	simm.s32 $0xA  }
0x69: {  	s14 =	simm.s32 $0xB;
	s15 =	simm.s32 $0x9;
	s24 =	rddreg [dreg:$0xa]  }
0x6a: {  	s8 =	simm.s32 $0x7;
	s9 =	simm.s32 $0xC;
	s25 =	rddreg [dreg:$0xb]  }
0x6b: {  	s22 =	rddreg [dreg:$0x11];
	s21 =	simm.s32 $0x2;
	s5 =	simm.s32 $0x5;
	[tilespmem:v2+s11+$0x0] =	vst.idx.add.f32.msk $0xffff, v1  }
0x6c: {  	[tilespmem:s17], [sflag:$0x3] =	stream.linear.gather [hbm4b:s24+s2], $0x50, $0x38;
	[tilespmem:$0x1E700] =	vst v63  }
0x6d: {  	s23 =	rddreg [dreg:$0x10];
	s24 =	simm.s32 $0x190;
	s17 =	simm.s32 $0x8  }
0x6e: {  	[tilespmem:s12], [sflag:$0x6] =	stream.linear.gather [hbm4b:s25+s2], $0x50, $0x38;
	[tilespmem:$0x1E700] =	vst v63  }
.LBB2_8:
0x6f: {  	_ =	swait.ge [sflag:s17], $0x2800  }
0x70: {  	[sflag:s17] =	ssyncset.done $0x0  }
0x71: {  	s2 =	simm.s32 $0x16380;
	[sflag:s17] =	ssyncadd.s32 $0xFFFFD800  }
0x72: {  	[spmem:s29] =	stream.indirect.scatter.add.f32 [tilespmem:s2], [sflag:$0xB], $0x80, s31, s6, $0xb8;
	[tilespmem:$0x1E700] =	vst v63  }
0x73: {  	_ =	swait.ge [sflag:s18], $0x50  }
0x74: {  	[sflag:s18] =	ssyncset.done $0x0  }
0x75: {  	s0 =	simm.s32 $0x6;
	[sflag:s18] =	ssyncadd.s32 $0xFFFFFFB0  }
0x76: {  	_ =	swait.ge [sflag:s0], $0x50  }
0x77: {  	[sflag:s0] =	ssyncset.done $0x0  }
0x78: {  	s3 =	simm.s32 $0x13980;
	s10 =	simm.s32 $0x18B80;
	[sflag:s0] =	ssyncadd.s32 $0xFFFFFFB0  }
0x79: {  	[tilespmem:s10], [sflag:$0x9] =	stream.indirect.gather [hbm4b:s20+s6], $0x80, s3, s6, $0xb8;
	[tilespmem:$0x1E700] =	vst v63  }
0x7a: {  	_ =	swait.ge [sflag:s13], $0x2800  }
0x7b: {  	[sflag:s13] =	ssyncset.done $0x0  }
0x7c: {  	[sflag:s13] =	ssyncadd.s32 $0xFFFFD800  }
0x7d: {  	v2 =	vld [tilespmem:$0x13A80];
	_ =	sdelay $0x7  }
0x7e: {  	[tilespmem:v2+s11+$0x0] =	vst.idx.add.f32.msk $0xffff, v1  }
0x7f: {  	v2 =	vld [tilespmem:$0x13A90];
	_ =	sdelay $0x7  }
0x80: {  	[tilespmem:v2+s11+$0x0] =	vst.idx.add.f32.msk $0xffff, v1  }
0x81: {  	v2 =	vld [tilespmem:$0x13AA0];
	_ =	sdelay $0x7  }
0x82: {  	[tilespmem:v2+s11+$0x0] =	vst.idx.add.f32.msk $0xffff, v1  }
0x83: {  	v2 =	vld [tilespmem:$0x13AB0];
	_ =	sdelay $0x7  }
0x84: {  	[tilespmem:v2+s11+$0x0] =	vst.idx.add.f32.msk $0xffff, v1  }
0x85: {  	v2 =	vld [tilespmem:$0x13AC0];
	_ =	sdelay $0x3  }
0x86: {  	s25 =	rddreg [dreg:$0x4]  }
0x87: {  	s25 =	sadd.s32 s24, s25  }
0x88: {  	s25 =	sadd.s32 $0xFFFFFE70, s25  }
0x89: {  	s25 =	sshrl.u32 s25, $0x3  }
0x8a: {  	s1 =	simm.s32 $0x13880;
	s12 =	sadd.s32 s7, s25;
	[tilespmem:v2+s11+$0x0] =	vst.idx.add.f32.msk $0xffff, v1  }
0x8b: {  	[tilespmem:s1], [sflag:$0x1] =	stream.linear.gather [hbm4b:s12+s4], $0x50, $0x38;
	[tilespmem:$0x1E700] =	vst v63  }
0x8c: {  	s12 =	sadd.s32 s19, s25;
	s25 =	simm.s32 $0x13A00  }
0x8d: {  	[tilespmem:s25], [sflag:$0x4] =	stream.linear.gather [hbm4b:s12+s4], $0x50, $0x38;
	[tilespmem:$0x1E700] =	vst v63  }
0x8e: {  	_ =	swait.ge [sflag:s15], $0x2800  }
0x8f: {  	[sflag:s15] =	ssyncset.done $0x0  }
0x90: {  	s12 =	simm.s32 $0x13B00;
	[sflag:s15] =	ssyncadd.s32 $0xFFFFD800  }
0x91: {  	[spmem:s29] =	stream.indirect.scatter.add.f32 [tilespmem:s10], [sflag:$0xC], $0x80, s12, s6, $0xb8;
	[tilespmem:$0x1E700] =	vst v63  }
0x92: {  	s6 =	simm.s32 $0x1  }
0x93: {  	_ =	swait.ge [sflag:s6], $0x50  }
0x94: {  	[sflag:s6] =	ssyncset.done $0x0  }
0x95: {  	s10 =	simm.s32 $0x4;
	[sflag:s6] =	ssyncadd.s32 $0xFFFFFFB0  }
0x96: {  	_ =	swait.ge [sflag:s10], $0x50  }
0x97: {  	[sflag:s10] =	ssyncset.done $0x0  }
0x98: {  	s6 =	simm.s32 $0x13B80;
	[sflag:s10] =	ssyncadd.s32 $0xFFFFFFB0  }
0x99: {  	[tilespmem:s6], [sflag:$0x7] =	stream.indirect.gather [hbm4b:s20+s30], $0x80, s1, s30, $0xb8;
	[tilespmem:$0x1E700] =	vst v63  }
0x9a: {  	_ =	swait.ge [sflag:s14], $0x2800  }
0x9b: {  	[sflag:s14] =	ssyncset.done $0x0  }
0x9c: {  	[sflag:s14] =	ssyncadd.s32 $0xFFFFD800  }
0x9d: {  	v2 =	vld [tilespmem:$0x13B00];
	_ =	sdelay $0x7  }
0x9e: {  	[tilespmem:v2+s11+$0x0] =	vst.idx.add.f32.msk $0xffff, v1  }
0x9f: {  	v2 =	vld [tilespmem:$0x13B10];
	_ =	sdelay $0x7  }
0xa0: {  	[tilespmem:v2+s11+$0x0] =	vst.idx.add.f32.msk $0xffff, v1  }
0xa1: {  	v2 =	vld [tilespmem:$0x13B20];
	_ =	sdelay $0x7  }
0xa2: {  	[tilespmem:v2+s11+$0x0] =	vst.idx.add.f32.msk $0xffff, v1  }
0xa3: {  	v2 =	vld [tilespmem:$0x13B30];
	_ =	sdelay $0x7  }
0xa4: {  	[tilespmem:v2+s11+$0x0] =	vst.idx.add.f32.msk $0xffff, v1  }
0xa5: {  	v2 =	vld [tilespmem:$0x13B40];
	_ =	sdelay $0x7  }
0xa6: {  	s0 =	simm.s32 $0x13900;
	[tilespmem:v2+s11+$0x0] =	vst.idx.add.f32.msk $0xffff, v1  }
0xa7: {  	[tilespmem:s0], [sflag:$0x2] =	stream.linear.gather [hbm4b:s22+s4], $0x50, $0x38;
	[tilespmem:$0x1E700] =	vst v63  }
0xa8: {  	_ = 	snop  }
0xa9: {  	[tilespmem:s31], [sflag:$0x5] =	stream.linear.gather [hbm4b:s23+s4], $0x50, $0x38;
	[tilespmem:$0x1E700] =	vst v63  }
0xaa: {  	_ =	swait.ge [sflag:s8], $0x2800  }
0xab: {  	[sflag:s8] =	ssyncset.done $0x0  }
0xac: {  	[sflag:s8] =	ssyncadd.s32 $0xFFFFD800  }
0xad: {  	[spmem:s29] =	stream.indirect.scatter.add.f32 [tilespmem:s6], [sflag:$0xA], $0x80, s25, s30, $0xb8;
	[tilespmem:$0x1E700] =	vst v63  }
0xae: {  	_ =	swait.ge [sflag:s21], $0x50  }
0xaf: {  	[sflag:s21] =	ssyncset.done $0x0  }
0xb0: {  	[sflag:s21] =	ssyncadd.s32 $0xFFFFFFB0  }
0xb1: {  	_ =	swait.ge [sflag:s5], $0x50  }
0xb2: {  	[sflag:s5] =	ssyncset.done $0x0  }
0xb3: {  	s6 =	simm.s32 $0x50;
	[sflag:s5] =	ssyncadd.s32 $0xFFFFFFB0  }
0xb4: {  	[tilespmem:s2], [sflag:$0x8] =	stream.indirect.gather [hbm4b:s20+s6], $0x80, s0, s6, $0xb8;
	[tilespmem:$0x1E700] =	vst v63  }
0xb5: {  	_ =	swait.ge [sflag:s9], $0x2800  }
0xb6: {  	[sflag:s9] =	ssyncset.done $0x0  }
0xb7: {  	[sflag:s9] =	ssyncadd.s32 $0xFFFFD800  }
0xb8: {  	v2 =	vld [tilespmem:$0x13A00];
	_ =	sdelay $0x7  }
0xb9: {  	[tilespmem:v2+s11+$0x0] =	vst.idx.add.f32.msk $0xffff, v1  }
0xba: {  	v2 =	vld [tilespmem:$0x13A10];
	_ =	sdelay $0x7  }
0xbb: {  	[tilespmem:v2+s11+$0x0] =	vst.idx.add.f32.msk $0xffff, v1  }
0xbc: {  	v2 =	vld [tilespmem:$0x13A20];
	_ =	sdelay $0x7  }
0xbd: {  	[tilespmem:v2+s11+$0x0] =	vst.idx.add.f32.msk $0xffff, v1  }
0xbe: {  	v2 =	vld [tilespmem:$0x13A30];
	_ =	sdelay $0x7  }
0xbf: {  	[tilespmem:v2+s11+$0x0] =	vst.idx.add.f32.msk $0xffff, v1  }
0xc0: {  	v2 =	vld [tilespmem:$0x13A40];
	_ =	sdelay $0x3  }
0xc1: {  	p1 =	sne.s32 s24, $0x2710;
	p2 =	seq.s32 s24, $0x2710  }
0xc2: {  	s0 =	sadd.s32 $0xF0, s24;
	s24 =	simm.s32 @p2 $0x0;
	s2 =	rddreg [dreg:$0x13]  }
0xc3: {  	s24 =	sadd.s32 s2, s24  }
0xc4: {  	s24 =	sshrl.u32 s24, $0x3  }
.Ltmp3:
0xc5: {  	s2 =	sadd.s32 s7, s24;
	[tilespmem:v2+s11+$0x0] =	vst.idx.add.f32.msk $0xffff, v1;
	(pc) =	sbr.rel @p1 .LBB2_8-.Ltmp3, $4  }
0xc6: {  	[tilespmem:s3], [sflag:$0x3] =	stream.linear.gather [hbm4b:s2+s4], $0x50, $0x38;
	[tilespmem:$0x1E700] =	vst v63  }
0xc7: {  	s10 =	simm.s32 $0x13A80;
	s1 =	simm.s32 $0x16380;
	s24 =	sadd.s32 s19, s24  }
0xc8: {  	[tilespmem:s12], [sflag:$0x6] =	stream.linear.gather [hbm4b:s24+s4], $0x50, $0x38;
	[tilespmem:$0x1E700] =	vst v63  }
0xc9: {  	s22 =	sadd.s32 $0x1E, s22;
	s23 =	sadd.s32 $0x1E, s23;
	s24 =	smov.u32 s0  }
0xca: {  	_ =	swait.ge [sflag:s17], $0x2800  }
0xcb: {  	[sflag:s17] =	ssyncset.done $0x0  }
0xcc: {  	[sflag:s17] =	ssyncadd.s32 $0xFFFFD800  }
0xcd: {  	[spmem:s29] =	stream.indirect.scatter.add.f32 [tilespmem:s1], [sflag:$0xB], $0x80, s10, s6, $0xb8;
	[tilespmem:$0x1E700] =	vst v63  }
0xce: {  	_ =	swait.ge [sflag:s13], $0x2800  }
0xcf: {  	[sflag:s13] =	ssyncset.done $0x0  }
0xd0: {  	[sflag:s13] =	ssyncadd.s32 $0xFFFFD800  }
0xd1: {  	v2 =	vld [tilespmem:$0x13A80];
	_ =	sdelay $0x7  }
0xd2: {  	[tilespmem:v2+s11+$0x0] =	vst.idx.add.f32.msk $0xffff, v1  }
0xd3: {  	v2 =	vld [tilespmem:$0x13A90];
	_ =	sdelay $0x7  }
0xd4: {  	[tilespmem:v2+s11+$0x0] =	vst.idx.add.f32.msk $0xffff, v1  }
0xd5: {  	v2 =	vld [tilespmem:$0x13AA0];
	_ =	sdelay $0x7  }
0xd6: {  	[tilespmem:v2+s11+$0x0] =	vst.idx.add.f32.msk $0xffff, v1  }
0xd7: {  	v2 =	vld [tilespmem:$0x13AB0];
	_ =	sdelay $0x7  }
0xd8: {  	[tilespmem:v2+s11+$0x0] =	vst.idx.add.f32.msk $0xffff, v1  }
0xd9: {  	v2 =	vld [tilespmem:$0x13AC0];
	_ =	sdelay $0x7  }
0xda: {  	[tilespmem:v2+s11+$0x0] =	vst.idx.add.f32.msk $0xffff, v1  }
0xdb: {  	_ =	swait.ge [sflag:s14], $0x2800  }
0xdc: {  	[sflag:s14] =	ssyncset.done $0x0  }
0xdd: {  	[sflag:s14] =	ssyncadd.s32 $0xFFFFD800  }
0xde: {  	_ =	swait.ge [sflag:s18], $0x50  }
0xdf: {  	[sflag:s18] =	ssyncset.done $0x0  }
0xe0: {  	s0 =	simm.s32 $0x6;
	[sflag:s18] =	ssyncadd.s32 $0xFFFFFFB0  }
0xe1: {  	_ =	swait.ge [sflag:s0], $0x50  }
0xe2: {  	[sflag:s0] =	ssyncset.done $0x0  }
0xe3: {  	s21 =	stileid.u32;
	[sflag:s0] =	ssyncadd.s32 $0xFFFFFFB0  }
0xe4: {  	s0 =	sshll.u32 s21, $0x6;
	[bflag:$0x0] =	sbarrier.arrive $0xFFFF  }
0xe5: {  	s22 =	sshrl.u32 s16, $0x3;
	s0 =	sor.u32 $0x1C0D, s0;
	s23 =	rddreg [dreg:$0xc]  }
0xe6: {  	[hbm:s23], [sflag:s0] =	dma.local [spmem:s22], $0x2700  }
0xe7: {  	_ =	swait.ge [sflag:s28], $0x2700  }
0xe8: {  	[sflag:s28] =	ssyncset.done $0x0;
	s25 =	rddreg [dreg:$0x9]  }
0xe9: {  	s23 =	rddreg [dreg:$0xd];
	[sflag:s28] =	ssyncadd.s32 $0xFFFFD900;
	s22 =	sshrl.u32 @!p0 s25, $0x3  }
0xea: {  	[hbm:s23], [sflag:s0] =	dma.local @!p0 [spmem:s22], $0x100  }
0xeb: {  	s0 =	simm.s32 @!p0 $0xD  }
0xec: {  	_ =	swait.ge @!p0 [sflag:s0], $0x100  }
0xed: {  	s3 =	simm.s32 $0x400;
	[sflag:s0] =	ssyncset.done @!p0 $0x0  }
0xee: {  	s23 =	simm.s32 $0x80;
	s22 =	rddreg [dreg:$0xe];
	[sflag:s0] =	ssyncadd.s32 @!p0 $0xFFFFFF00  }
0xef: {  	[hbm4b:s22+s23] =	stream.strided.scatter [tilespmem:s11], [sflag:$0xD], $0x2780, s3, s23, $0x38;
	[tilespmem:$0x1E700] =	vst v63  }
0xf0: {  	_ =	swait.ge [sflag:s28], $0x2780  }
0xf1: {  	s15 =	rddreg [dreg:$0x12]  }
0xf2: {  	s24 =	rddreg [dreg:$0xf];
	s15 =	sadd.s32 $0x1, s15  }
0xf3: {  	s8 =	simm.s32 $0x13B80;
	p1 =	sne.s32 s15, s24  }
.Ltmp4:
0xf4: {  	s9 =	simm.s32 $0x2;
	s5 =	simm.s32 $0x16380;
	(pc) =	sbr.rel @p1 .LBB2_1-.Ltmp4, $4  }
0xf5: {  	s12 =	simm.s32 $0x13B00;
	s2 =	simm.s32 $0x0;
	s17 =	simm.s32 $0x13980  }
0xf6: {  	s10 =	simm.s32 $0x13900;
	s1 =	simm.s32 $0x13A80;
	s6 =	simm.s32 $0x1  }
0xf7: {  	s13 =	simm.s32 $0x13880;
	s14 =	simm.s32 $0x13A00;
	[sflag:s28] =	ssyncset.done $0x0  }
0xf8: {  	s21 =	simm.s32 $0x5;
	s3 =	simm.s32 $0x4;
	[sflag:s28] =	ssyncadd.s32 $0xFFFFD880  }
0xf9: {  	_ =	sfence.sel $0x180000  }
0xfa: {  	[bflag:$0x0] =	sbarrier.arrive $0xFFFF  }
0xfb: {  	_ =	strace $0x90000047  }
0xfc: {  	[bflag:$0x2] =	sbarrier.arrive $0xFFFF  }
0xfd: {  	s0 =	rddreg [dreg:$0x3]  }
0xfe: {  	s0 =	sadd.s32 @!p0 $0x100000, s0  }
0xff: {  	[sflag:s0] =	ssyncadd.tile.s32 @!p0 $0x1;
	_ =	shalt  }
.Lfunc_end2:
_tile_overlayer_lowered:
.L_overlay_start_2:
0x100: {  	(tag) =	ssettag $0x2  }
0x101: {  	s0 =	rddreg [dreg:$0x0];
	s2 =	stileid.u32  }
0x102: {  	s1 =	rddreg [dreg:$0x1];
	p0 =	sne.s32 s2, $0x0  }
0x103: {  	s3 =	rddreg [dreg:$0x2];
	[bflag:$0x3] =	sbarrier.arrive $0xFFFF;
	s2 =	simm.s32 @!p0 $0x1C0D  }
0x104: {  	[timem:s3], [sflag:s2] =	dma.local @!p0 [hbm:s0], s1  }
0x105: {  	s0 =	simm.s32 @!p0 $0xD  }
0x106: {  	_ =	swait.ge @!p0 [sflag:s0], s1  }
0x107: {  	s1 =	ssub.s32 @!p0 $0x0, s1;
	[sflag:s0] =	ssyncset.done @!p0 $0x0  }
0x108: {  	[sflag:s0] =	ssyncadd.s32 @!p0 s1  }
0x109: {  	[bflag:$0x3] =	sbarrier.arrive $0xFFFF  }
0x10a: {  	_ =	shalt  }

</sc_bundles>
